<compile_context>
chip_gen: v7x
topology: tpu7x:2x2x1
jax: 0.10.2.dev20260603
libtpu: 0.0.44.dev20260713+nightly
codegen_flags: <defaults>
</compile_context>

<pallas_src>
import functools

import jax
import jax.numpy as jnp
from jax import lax
from jax.experimental import pallas as pl
from jax.experimental.pallas import tpu as pltpu
from jax.experimental.pallas import tpu_sc as plsc

_H = 16
_THRESH = 0.05
_AUX_COEF = 0.01
_BLKG = 512

_pallas_call = pl.pallas_call


def _nt(a, b):
    return lax.dot_general(a, b, (((1,), (1,)), ((), ())),
                           preferred_element_type=jnp.float32)


def _nn(a, b):
    return lax.dot_general(a, b, (((1,), (0,)), ((), ())),
                           preferred_element_type=jnp.float32)


def _ln(x, g, b, eps=1e-5):
    m = jnp.mean(x, axis=-1, keepdims=True)
    v = jnp.mean((x - m) ** 2, axis=-1, keepdims=True)
    return (x - m) * lax.rsqrt(v + eps) * g + b


def _pack_bf(x):
    k = x.shape[-1] // 2
    lo = lax.bitcast_convert_type(x[:, :k].astype(jnp.bfloat16),
                                  jnp.uint16).astype(jnp.uint32)
    hi = lax.bitcast_convert_type(x[:, k:].astype(jnp.bfloat16),
                                  jnp.uint16).astype(jnp.uint32)
    return lax.bitcast_convert_type(lo | (hi << 16), jnp.int32)


def _unpack_bf(p):
    u = lax.bitcast_convert_type(p, jnp.uint32)
    lo = lax.bitcast_convert_type((u & 0xFFFF).astype(jnp.uint16), jnp.bfloat16)
    hi = lax.bitcast_convert_type((u >> 16).astype(jnp.uint16), jnp.bfloat16)
    return jnp.concatenate([lo, hi], axis=-1)



def _fold_body(Wq, wq_i, Wk, wk_i, Wv, wv_i, out_w, adapt_w,
               bq, bq_i, bk, bk_i, bv, bv_i, out_b, adapt_b,
               Aq, Ak, Av, Ao, cq, ck, cv, co):
    Aq[...] = _nn(wq_i[...], Wq[...])
    Ak[...] = _nn(wk_i[...], Wk[...])
    Av[...] = _nn(wv_i[...], Wv[...])
    Ao[...] = _nn(adapt_w[...], out_w[...])
    cq[...] = _nt(bq[...], wq_i[...]) + bq_i[...]
    ck[...] = _nt(bk[...], wk_i[...]) + bk_i[...]
    cv[...] = _nt(bv[...], wv_i[...]) + bv_i[...]
    co[...] = _nt(out_b[...], adapt_w[...]) + adapt_b[...]



def _proj_body(q_ref, kv_ref, Aq, Ak, Av, cq, ck, cv, q2, k2, v2):
    b = jnp.bfloat16
    x = q_ref[...].astype(b)
    y = kv_ref[...].astype(b)
    q2[...] = _nt(x, Aq[...].astype(b)) + cq[...]
    k2[...] = _nt(y, Ak[...].astype(b)) + ck[...]
    v2[...] = _nt(y, Av[...].astype(b)) + cv[...]



def _attn_body(q_ref, k_ref, v_ref, o_ref, *, scale):
    q = q_ref[0]
    k = k_ref[0]
    v = v_ref[0]
    s = _nt(q.astype(jnp.bfloat16), k.astype(jnp.bfloat16)) * scale
    m = jnp.max(s, axis=-1, keepdims=True)
    p = jnp.exp(s - m)
    l = jnp.sum(p, axis=-1, keepdims=True)
    o_ref[0] = _nn(p.astype(jnp.bfloat16), v.astype(jnp.bfloat16)) / l



def _post_body(ctx_ref, qin_ref, Ao, co, g_ref, b_ref, x_out, xpk_out):
    t = (_nt(ctx_ref[...].astype(jnp.bfloat16), Ao[...].astype(jnp.bfloat16))
         + co[...] + qin_ref[...])
    xn = _ln(t, g_ref[...], b_ref[...])
    x_out[...] = xn
    xpk_out[...] = _pack_bf(xn)



def _router_body(x_ref, gw_ref, tv_ref, ti_ref, cnt_ref, aux_ref, acc_ref,
                 *, nblk, ne, t_total):
    tb = pl.program_id(0)
    logits = _nn(x_ref[...], gw_ref[...])
    m = jnp.max(logits, axis=-1, keepdims=True)
    p = jnp.exp(logits - m)
    probs = p / jnp.sum(p, axis=-1, keepdims=True)
    idx = lax.broadcasted_iota(jnp.int32, probs.shape, 1)

    def pick(pr):
        v = jnp.max(pr, axis=-1, keepdims=True)
        i = jnp.min(jnp.where(pr == v, idx, ne), axis=-1, keepdims=True)
        return v, i

    v1, i1 = pick(probs)
    pm = jnp.where(idx == i1, -1.0, probs)
    v2, i2 = pick(pm)
    pm = jnp.where(idx == i2, -1.0, pm)
    v3, i3 = pick(pm)
    g2 = jnp.where(v2 >= _THRESH, v2, 0.0)
    g3 = jnp.where(v3 >= _THRESH, v3, 0.0)
    tv_ref[...] = jnp.concatenate([v1, g2, g3], axis=-1)
    ti_ref[...] = jnp.concatenate([i1, i2, i3], axis=-1)

    oh1 = jnp.where(idx == i1, 1.0, 0.0)
    oh123 = oh1 + jnp.where(idx == i2, 1.0, 0.0) + jnp.where(idx == i3, 1.0, 0.0)
    me_part = jnp.sum(probs, axis=0, keepdims=True)
    ce_part = jnp.sum(oh1, axis=0, keepdims=True)
    cnt_part = jnp.sum(oh123, axis=0, keepdims=True)

    @pl.when(tb == 0)
    def _():
        acc_ref[...] = jnp.zeros_like(acc_ref)

    acc_ref[0:1, :] += me_part
    acc_ref[1:2, :] += ce_part
    acc_ref[2:3, :] += cnt_part

    @pl.when(tb == nblk - 1)
    def _():
        me = acc_ref[0:1, :] / t_total
        ce = acc_ref[1:2, :] / t_total
        aux_ref[...] = _AUX_COEF * ne * jnp.sum(me * ce, axis=-1, keepdims=True)
        cnt_ref[...] = acc_ref[2:3, :]



def _pos_body(eid_ref, cnt_ref, pos_ref, b2e_ref, run_ref,
              *, ab, ne, blkg, nblkg):
    i = pl.program_id(0)
    cnt = cnt_ref[...]
    pc = jnp.ceil(cnt / blkg) * blkg
    lt = jnp.where(lax.broadcasted_iota(jnp.int32, (ne, ne), 0)
                   < lax.broadcasted_iota(jnp.int32, (ne, ne), 1), 1.0, 0.0)
    off = _nn(pc, lt)

    eid = eid_ref[...]
    oh = jnp.where(eid == lax.broadcasted_iota(jnp.int32, (ab, ne), 1),
                   1.0, 0.0)
    lts = jnp.where(lax.broadcasted_iota(jnp.int32, (ab, ab), 0)
                    > lax.broadcasted_iota(jnp.int32, (ab, ab), 1), 1.0, 0.0)
    excl = _nn(lts, oh)

    @pl.when(i == 0)
    def _():
        run_ref[...] = jnp.zeros_like(run_ref)
        bi = lax.broadcasted_iota(jnp.int32, (nblkg, 1), 0).astype(jnp.float32) * blkg
        ge = jnp.where(bi >= off, 1.0, 0.0)
        b2e_ref[...] = (jnp.sum(ge, axis=-1, keepdims=True) - 1.0).astype(jnp.int32)

    rank = excl + run_ref[...]
    posf = jnp.sum(oh * (off + rank), axis=-1, keepdims=True)
    pos_ref[...] = posf.astype(jnp.int32)
    run_ref[...] += jnp.sum(oh, axis=0, keepdims=True)



def _sc_scatter(pos, tok, gate, a_pad):
    a_tot = pos.shape[0]
    nrows = a_tot // 128
    rpt = nrows // 16
    stripe = a_pad // 16
    pos2 = pos
    tok2 = tok
    gate2 = gate
    mesh = plsc.VectorSubcoreMesh(core_axis_name="c", subcore_axis_name="s")

    @functools.partial(
        pl.kernel, mesh=mesh,
        compiler_params=pltpu.CompilerParams(needs_layout_passes=False),
        out_type=[jax.ShapeDtypeStruct((a_pad,), jnp.int32),
                  jax.ShapeDtypeStruct((a_pad,), jnp.float32)],
        scratch_types=[pltpu.VMEM((rpt * 128,), jnp.int32),
                       pltpu.VMEM((rpt * 128,), jnp.int32),
                       pltpu.VMEM((rpt * 128,), jnp.float32),
                       pltpu.VMEM((stripe,), jnp.int32),
                       pltpu.VMEM((stripe,), jnp.float32),
                       pltpu.VMEM_SHARED((a_pad,), jnp.int32),
                       pltpu.VMEM_SHARED((a_pad,), jnp.float32),
                       pltpu.SemaphoreType.DMA,
                       pltpu.SemaphoreType.DMA])
    def k(pos_hbm, tok_hbm, gate_hbm, rows_hbm, gates_hbm,
          pos_v, tok_v, gate_v, zi_v, zf_v, rows_sh, gates_sh, sa, sb):
        c = lax.axis_index("c")
        s = lax.axis_index("s")

        @pl.when(c == 0)
        def _():
            def zero(i, _):
                zi_v[pl.ds(i * 16, 16)] = jnp.zeros((16,), jnp.int32)
                zf_v[pl.ds(i * 16, 16)] = jnp.zeros((16,), jnp.float32)
                return _

            lax.fori_loop(0, stripe // 16, zero, None)
            pltpu.sync_copy(pos_hbm.at[pl.ds(s * rpt * 128, rpt * 128)], pos_v)
            pltpu.sync_copy(tok_hbm.at[pl.ds(s * rpt * 128, rpt * 128)], tok_v)
            pltpu.sync_copy(gate_hbm.at[pl.ds(s * rpt * 128, rpt * 128)], gate_v)
            pltpu.sync_copy(zi_v, rows_sh.at[pl.ds(s * stripe, stripe)])
            pltpu.sync_copy(zf_v, gates_sh.at[pl.ds(s * stripe, stripe)])
            plsc.subcore_barrier()

            cps = []
            for j in range(rpt):
                idx = pos_v.at[pl.ds(j * 128, 128)]
                cps.append(pltpu.async_copy(
                    tok_v.at[pl.ds(j * 128, 128)], rows_sh.at[idx], sa,
                    add=True))
                cps.append(pltpu.async_copy(
                    gate_v.at[pl.ds(j * 128, 128)], gates_sh.at[idx], sb,
                    add=True))
            for cp in cps:
                cp.wait()
            plsc.subcore_barrier()
            pltpu.sync_copy(rows_sh.at[pl.ds(s * stripe, stripe)],
                            rows_hbm.at[pl.ds(s * stripe, stripe)])
            pltpu.sync_copy(gates_sh.at[pl.ds(s * stripe, stripe)],
                            gates_hbm.at[pl.ds(s * stripe, stripe)])

    return k(pos2, tok2, gate2)



def _sc_gather(table, idx):
    m = idx.shape[0]
    d = table.shape[1]
    dt = table.dtype
    nw = 32
    rows_w = m // nw
    ch = rows_w // 8
    mesh = plsc.VectorSubcoreMesh(core_axis_name="c", subcore_axis_name="s")

    @functools.partial(
        pl.kernel, mesh=mesh,
        compiler_params=pltpu.CompilerParams(needs_layout_passes=False),
        out_type=jax.ShapeDtypeStruct((m, d), dt),
        scratch_types=[pltpu.VMEM((rows_w,), jnp.int32),
                       pltpu.VMEM((ch, d), dt),
                       pltpu.VMEM((ch, d), dt),
                       pltpu.SemaphoreType.DMA,
                       pltpu.SemaphoreType.DMA,
                       pltpu.SemaphoreType.DMA,
                       pltpu.SemaphoreType.DMA])
    def k(table_hbm, idx_hbm, out_hbm, idx_v, buf0, buf1, sg0, sg1, sw0, sw1):
        wid = lax.axis_index("s") * 2 + lax.axis_index("c")
        base = wid * rows_w
        pltpu.sync_copy(idx_hbm.at[pl.ds(base, rows_w)], idx_v)

        def body(j, _):
            c0 = 2 * j
            c1 = 2 * j + 1
            g0 = pltpu.async_copy(
                table_hbm.at[idx_v.at[pl.ds(c0 * ch, ch)]], buf0, sg0)
            g1 = pltpu.async_copy(
                table_hbm.at[idx_v.at[pl.ds(c1 * ch, ch)]], buf1, sg1)
            g0.wait()
            w0 = pltpu.async_copy(
                buf0, out_hbm.at[pl.ds(base + c0 * ch, ch)], sw0)
            g1.wait()
            w1 = pltpu.async_copy(
                buf1, out_hbm.at[pl.ds(base + c1 * ch, ch)], sw1)
            w0.wait()
            w1.wait()
            return _

        lax.fori_loop(0, 4, body, None)

    return k(table, idx)



def _gffn_body(b2e_ref, xs_ref, g_ref, w1_ref, b1_ref, w2_ref, b2_ref,
               out_ref, acc_ref, *, nfb):
    fb = pl.program_id(1)
    xb = _unpack_bf(xs_ref[...])
    h = _nn(xb, w1_ref[0].astype(jnp.bfloat16)) + b1_ref[0]
    h = 0.5 * h * (1.0 + lax.erf(h * (2.0 ** -0.5)))
    y = (_nn(h.astype(jnp.bfloat16), w2_ref[0].astype(jnp.bfloat16))
         + b2_ref[0] * jnp.float32(fb == 0))
    acc = jnp.where(fb == 0, y, acc_ref[...] + y)

    @pl.when(fb != nfb - 1)
    def _():
        acc_ref[...] = acc

    @pl.when(fb == nfb - 1)
    def _():
        out_ref[...] = _pack_bf(acc * g_ref[...])



def _fin_body(x_ref, y3_ref, g_ref, b_ref, o_ref):
    y = (_unpack_bf(y3_ref[0]).astype(jnp.float32)
         + _unpack_bf(y3_ref[1]).astype(jnp.float32)
         + _unpack_bf(y3_ref[2]).astype(jnp.float32))
    t = x_ref[...] + y
    o_ref[...] = _ln(t, g_ref[...], b_ref[...])



def kernel(query, key_value, Wq, bq, Wk, bk, Wv, bv, in_w, in_b, out_w, out_b,
           adapt_w, adapt_b, ln1_g, ln1_b, ln2_g, ln2_b, gate_w, e_w1, e_b1,
           e_w2, e_b2):
    B, S, E = query.shape
    H = _H
    dh = E // H
    T = B * S
    NE, _, FF = e_w1.shape
    f32 = jnp.float32
    TOPK = 3
    A = T * TOPK
    BLKG = min(_BLKG, T)
    A_PAD = A + NE * BLKG
    NBLKG = A_PAD // BLKG

    wq_i, wk_i, wv_i = in_w[:E], in_w[E:2 * E], in_w[2 * E:]
    bq_i, bk_i, bv_i = in_b[:E], in_b[E:2 * E], in_b[2 * E:]
    row = lambda v: v.reshape(1, E)

    ee = jax.ShapeDtypeStruct((E, E), f32)
    re = jax.ShapeDtypeStruct((1, E), f32)
    Aq, Ak, Av, Ao, cq, ck, cv, co = _pallas_call(
        _fold_body,
        out_shape=[ee, ee, ee, ee, re, re, re, re],
    )(Wq, wq_i, Wk, wk_i, Wv, wv_i, out_w, adapt_w,
      row(bq), row(bq_i), row(bk), row(bk_i), row(bv), row(bv_i),
      row(out_b), row(adapt_b))

    TB = min(512, T)
    nt = T // TB
    qf = query.reshape(T, E)
    kvf = key_value.reshape(T, E)
    blk_te = pl.BlockSpec((TB, E), lambda i: (i, 0))
    blk_ee = pl.BlockSpec((E, E), lambda i: (0, 0))
    blk_1e = pl.BlockSpec((1, E), lambda i: (0, 0))
    te = jax.ShapeDtypeStruct((T, E), f32)
    q2, k2, v2 = _pallas_call(
        _proj_body,
        grid=(nt,),
        in_specs=[blk_te, blk_te, blk_ee, blk_ee, blk_ee, blk_1e, blk_1e, blk_1e],
        out_specs=[blk_te, blk_te, blk_te],
        out_shape=[te, te, te],
    )(qf, kvf, Aq, Ak, Av, cq, ck, cv)

    def heads(x):
        return x.reshape(B, S, H, dh).transpose(0, 2, 1, 3).reshape(B * H, S, dh)

    QB = min(512, S)
    ctx = _pallas_call(
        functools.partial(_attn_body, scale=1.0 / (dh ** 0.5)),
        grid=(B * H, S // QB),
        in_specs=[pl.BlockSpec((1, QB, dh), lambda bh, qb: (bh, qb, 0)),
                  pl.BlockSpec((1, S, dh), lambda bh, qb: (bh, 0, 0)),
                  pl.BlockSpec((1, S, dh), lambda bh, qb: (bh, 0, 0))],
        out_specs=pl.BlockSpec((1, QB, dh), lambda bh, qb: (bh, qb, 0)),
        out_shape=jax.ShapeDtypeStruct((B * H, S, dh), f32),
    )(heads(q2), heads(k2), heads(v2))
    ctxf = ctx.reshape(B, H, S, dh).transpose(0, 2, 1, 3).reshape(T, E)

    blk_th = pl.BlockSpec((TB, E // 2), lambda i: (i, 0))
    x, xpk = _pallas_call(
        _post_body,
        grid=(nt,),
        in_specs=[blk_te, blk_te, blk_ee, blk_1e, blk_1e, blk_1e],
        out_specs=[blk_te, blk_th],
        out_shape=[te, jax.ShapeDtypeStruct((T, E // 2), jnp.int32)],
    )(ctxf, qf, Ao, co, row(ln1_g), row(ln1_b))

    blk_t3 = pl.BlockSpec((TB, TOPK), lambda i: (i, 0))
    blk_11 = pl.BlockSpec((1, 1), lambda i: (0, 0))
    blk_1n = pl.BlockSpec((1, NE), lambda i: (0, 0))
    tv, ti, cnt, aux = _pallas_call(
        functools.partial(_router_body, nblk=nt, ne=NE, t_total=T),
        grid=(nt,),
        in_specs=[blk_te, pl.BlockSpec((E, NE), lambda i: (0, 0))],
        out_specs=[blk_t3, blk_t3, blk_1n, blk_11],
        out_shape=[jax.ShapeDtypeStruct((T, TOPK), f32),
                   jax.ShapeDtypeStruct((T, TOPK), jnp.int32),
                   jax.ShapeDtypeStruct((1, NE), f32),
                   jax.ShapeDtypeStruct((1, 1), f32)],
        scratch_shapes=[pltpu.VMEM((3, NE), f32)],
    )(x, gate_w)

    nab = max(1, A // 1024)
    AB = A // nab
    eids = ti.reshape(A, 1)
    pos, b2e = _pallas_call(
        functools.partial(_pos_body, ab=AB, ne=NE, blkg=BLKG, nblkg=NBLKG),
        grid=(nab,),
        in_specs=[pl.BlockSpec((AB, 1), lambda i: (i, 0)), blk_1n],
        out_specs=[pl.BlockSpec((AB, 1), lambda i: (i, 0)),
                   pl.BlockSpec((NBLKG, 1), lambda i: (0, 0))],
        out_shape=[jax.ShapeDtypeStruct((A, 1), jnp.int32),
                   jax.ShapeDtypeStruct((NBLKG, 1), jnp.int32)],
        scratch_shapes=[pltpu.VMEM((1, NE), f32)],
    )(eids, cnt)

    posf = pos.reshape(A)
    tok = jnp.arange(A, dtype=jnp.int32) // TOPK
    rows_sorted, gates_sorted = _sc_scatter(posf, tok, tv.reshape(A), A_PAD)
    xs = _sc_gather(xpk, rows_sorted)

    FFB = min(1024, FF)
    grid_spec = pltpu.PrefetchScalarGridSpec(
        num_scalar_prefetch=1,
        grid=(NBLKG, FF // FFB),
        in_specs=[pl.BlockSpec((BLKG, E // 2), lambda b, fb, m: (b, 0)),
                  pl.BlockSpec((BLKG, 1), lambda b, fb, m: (b, 0)),
                  pl.BlockSpec((1, E, FFB), lambda b, fb, m: (m[b], 0, fb)),
                  pl.BlockSpec((1, 1, FFB), lambda b, fb, m: (m[b], 0, fb)),
                  pl.BlockSpec((1, FFB, E), lambda b, fb, m: (m[b], fb, 0)),
                  pl.BlockSpec((1, 1, E), lambda b, fb, m: (m[b], 0, 0))],
        out_specs=pl.BlockSpec((BLKG, E // 2), lambda b, fb, m: (b, 0)),
        scratch_shapes=[pltpu.VMEM((BLKG, E), f32)],
    )
    ys = _pallas_call(
        functools.partial(_gffn_body, nfb=FF // FFB),
        grid_spec=grid_spec,
        out_shape=jax.ShapeDtypeStruct((A_PAD, E // 2), jnp.int32),
    )(b2e.reshape(NBLKG), xs, gates_sorted.reshape(A_PAD, 1),
      e_w1, e_b1.reshape(NE, 1, FF), e_w2, e_b2.reshape(NE, 1, E))

    perm = pos.reshape(T, TOPK).T.reshape(A)
    y3 = _sc_gather(ys, perm).reshape(TOPK, T, E // 2)

    out = _pallas_call(
        _fin_body,
        grid=(nt,),
        in_specs=[blk_te,
                  pl.BlockSpec((TOPK, TB, E // 2), lambda i: (0, i, 0)),
                  blk_1e, blk_1e],
        out_specs=blk_te,
        out_shape=te,
    )(x, y3, row(ln2_g), row(ln2_b))

    return out.reshape(B, S, E), aux.reshape(())

# --- scband reference (transcript-rebuilt; emitter-appended) ---
"""Pipeline reference for scband-cross-attention-block-54382875902684 (READ-ONLY COPY).

The authoritative reference and input builder live on the scoring server;
editing this copy changes nothing except your own understanding.
"""

import jax, jax.numpy as jnp
import numpy as np

B, S, E, H, NE, FF = 2, 2048, 1024, 16, 8, 4096
TOPK = 3
THRESH = 0.05
AUX_COEF = 0.01

def _p(key, i, shape):
    return jax.random.normal(jax.random.fold_in(key, i), shape, jnp.float32) * 0.02

def setup_inputs(seed: int = 0) -> dict:
    key = jax.random.key(seed)
    inp = {}
    inp['query'] = jax.random.normal(jax.random.fold_in(key, 100), (B, S, E), jnp.float32)
    inp['key_value'] = jax.random.normal(jax.random.fold_in(key, 101), (B, S, E), jnp.float32)
    inp['Wq'] = _p(key, 1, (E, E)); inp['bq'] = jnp.zeros((E,), jnp.float32)
    inp['Wk'] = _p(key, 2, (E, E)); inp['bk'] = jnp.zeros((E,), jnp.float32)
    inp['Wv'] = _p(key, 3, (E, E)); inp['bv'] = jnp.zeros((E,), jnp.float32)
    inp['in_w'] = _p(key, 4, (3 * E, E)); inp['in_b'] = jnp.zeros((3 * E,), jnp.float32)
    inp['out_w'] = _p(key, 5, (E, E)); inp['out_b'] = jnp.zeros((E,), jnp.float32)
    inp['adapt_w'] = _p(key, 6, (E, E)); inp['adapt_b'] = jnp.zeros((E,), jnp.float32)
    inp['ln1_g'] = jnp.ones((E,), jnp.float32); inp['ln1_b'] = jnp.zeros((E,), jnp.float32)
    inp['ln2_g'] = jnp.ones((E,), jnp.float32); inp['ln2_b'] = jnp.zeros((E,), jnp.float32)
    inp['gate_w'] = _p(key, 7, (E, NE))
    inp['e_w1'] = _p(key, 8, (NE, E, FF)); inp['e_b1'] = jnp.zeros((NE, FF), jnp.float32)
    inp['e_w2'] = _p(key, 9, (NE, FF, E)); inp['e_b2'] = jnp.zeros((NE, E), jnp.float32)
    return inp

def _ln(x, g, b, eps=1e-5):
    m = x.mean(-1, keepdims=True)
    v = x.var(-1, keepdims=True)
    return (x - m) / jnp.sqrt(v + eps) * g + b

def _forward(query, key_value, Wq, bq, Wk, bk, Wv, bv, in_w, in_b, out_w, out_b,
             adapt_w, adapt_b, ln1_g, ln1_b, ln2_g, ln2_b, gate_w, e_w1, e_b1, e_w2, e_b2):
    dh = E // H
    # projections (permute(1,0,2) in torch is just the MHA layout; math identical batch-first)
    Q = query @ Wq.T + bq
    K = key_value @ Wk.T + bk
    V = key_value @ Wv.T + bv
    # nn.MultiheadAttention in_proj / out_proj
    wq_i, wk_i, wv_i = in_w[:E], in_w[E:2 * E], in_w[2 * E:]
    bq_i, bk_i, bv_i = in_b[:E], in_b[E:2 * E], in_b[2 * E:]
    q2 = (Q @ wq_i.T + bq_i).reshape(B, S, H, dh).transpose(0, 2, 1, 3)
    k2 = (K @ wk_i.T + bk_i).reshape(B, S, H, dh).transpose(0, 2, 1, 3)
    v2 = (V @ wv_i.T + bv_i).reshape(B, S, H, dh).transpose(0, 2, 1, 3)
    scores = jnp.einsum('bhqd,bhkd->bhqk', q2, k2) / jnp.sqrt(jnp.float32(dh))
    attn = jax.nn.softmax(scores, axis=-1)
    ctx = jnp.einsum('bhqk,bhkd->bhqd', attn, v2).transpose(0, 2, 1, 3).reshape(B, S, E)
    attn_output = ctx @ out_w.T + out_b
    attn_output = _ln(attn_output @ adapt_w.T + adapt_b + query, ln1_g, ln1_b)
    # MoE (eval mode: no gumbel noise, dropout = identity)
    x = attn_output.reshape(-1, E)  # [T, E]
    logits = x @ gate_w
    probs = jax.nn.softmax(logits, axis=-1)
    topv, topi = jax.lax.top_k(probs, TOPK)
    # gates beyond the first are dropped below threshold_eval
    keep = jnp.concatenate([jnp.ones_like(topv[:, :1], dtype=bool), topv[:, 1:] >= THRESH], axis=1)
    topv = jnp.where(keep, topv, 0.0)
    oh = jax.nn.one_hot(topi, NE, dtype=jnp.float32)  # [T, K, NE]
    combine = (topv[..., None] * oh).sum(axis=1)  # [T, NE]
    moe_out = jnp.zeros_like(x)
    for n in range(NE):
        h = jax.nn.gelu(x @ e_w1[n] + e_b1[n], approximate=False)
        y = h @ e_w2[n] + e_b2[n]
        moe_out = moe_out + combine[:, n:n + 1] * y
    # load-balance aux loss
    me = probs.mean(axis=0)
    ce = jax.nn.one_hot(topi[:, 0], NE, dtype=jnp.float32).mean(axis=0)
    aux_l = AUX_COEF * NE * jnp.sum(me * ce)
    attn_out = _ln(moe_out.reshape(B, S, E) + attn_output, ln2_g, ln2_b)
    return attn_out, aux_l

def reference(query, key_value, Wq, bq, Wk, bk, Wv, bv, in_w, in_b, out_w, out_b,
              adapt_w, adapt_b, ln1_g, ln1_b, ln2_g, ln2_b, gate_w, e_w1, e_b1, e_w2, e_b2):
    return _forward(query, key_value, Wq, bq, Wk, bk, Wv, bv,
                    in_w, in_b, out_w, out_b, adapt_w, adapt_b,
                    ln1_g, ln1_b, ln2_g, ln2_b, gate_w,
                    e_w1, e_b1, e_w2, e_b2)

if __name__ == "__main__":
    import jax
    _d = setup_inputs()
    print(jax.jit(kernel)(*tuple(_d.values())))

</pallas_src>

<mosaic_0001>
#map = affine_map<(d0, d1) -> (0, 0)>
#map1 = affine_map<(d0, d1) -> (0)>
module attributes {stable_mosaic.version = 14 : i64} {
  func.func @k(%arg0: i32, %arg1: i32, %arg2: memref<4096x512xi32, #tpu.memory_space<hbm>>, %arg3: memref<16384xi32, #tpu.memory_space<hbm>>, %arg4: memref<16384x512xi32, #tpu.memory_space<hbm>>, %arg5: memref<512xi32, #tpu.memory_space<vmem>>, %arg6: memref<64x512xi32, #tpu.memory_space<vmem>>, %arg7: memref<64x512xi32, #tpu.memory_space<vmem>>, %arg8: memref<!tpu.dma_semaphore, #tpu.memory_space<semaphore_mem>>, %arg9: memref<!tpu.dma_semaphore, #tpu.memory_space<semaphore_mem>>, %arg10: memref<!tpu.dma_semaphore, #tpu.memory_space<semaphore_mem>>, %arg11: memref<!tpu.dma_semaphore, #tpu.memory_space<semaphore_mem>>) attributes {dimension_semantics = [#tpu.dimension_semantics<core_parallel>, #tpu.dimension_semantics<subcore_parallel>], iteration_bounds = array<i64: 2, 16>, scalar_prefetch = 0 : i64, scratch_operands = 7 : i64, tpu.core_type = #tpu.core_type<sc_vector_subcore>, window_params = [{transform_indices = #map}, {transform_indices = #map1}, {transform_indices = #map}]} {
    %mul3A = arith.constant 2 : i32
    %mul3A_0 = arith.muli %arg1, %mul3A : i32
    %add3A = arith.addi %mul3A_0, %arg0 : i32
    %mul3A_1 = arith.constant 512 : i32
    %mul3A_2 = arith.muli %add3A, %mul3A_1 : i32
    "tpu.region"() ({
      %run_scoped3A = tpu.sem_alloc : memref<!tpu.dma_semaphore, #tpu.memory_space<semaphore_mem>>
      %dma_start3A = tpu.memref_slice %arg3[%mul3A_2] : memref<16384xi32, #tpu.memory_space<hbm>> -> memref<512xi32, #tpu.memory_space<hbm>>
      %dma_start3A_7 = tpu.memref_slice %arg3[%mul3A_2] : memref<16384xi32, #tpu.memory_space<hbm>> -> memref<512xi32, #tpu.memory_space<hbm>>
      tpu.enqueue_dma source(%dma_start3A_7 : memref<512xi32, #tpu.memory_space<hbm>>) target(%arg5 : memref<512xi32, #tpu.memory_space<vmem>>) target_semaphore(%run_scoped3A : memref<!tpu.dma_semaphore, #tpu.memory_space<semaphore_mem>>)
      %dma_wait3A = tpu.memref_slice %arg3[%mul3A_2] : memref<16384xi32, #tpu.memory_space<hbm>> -> memref<512xi32, #tpu.memory_space<hbm>>
      %dma_wait3A_8 = tpu.memref_slice %arg3[%mul3A_2] : memref<16384xi32, #tpu.memory_space<hbm>> -> memref<512xi32, #tpu.memory_space<hbm>>
      tpu.wait_dma2 semaphore(%run_scoped3A : memref<!tpu.dma_semaphore, #tpu.memory_space<semaphore_mem>>) src(%dma_wait3A_8 : memref<512xi32, #tpu.memory_space<hbm>>) dst(%arg5 : memref<512xi32, #tpu.memory_space<vmem>>)
      tpu.yield
    }) : () -> ()
    %scan3A = arith.constant 0 : i32
    %scan3A_3 = arith.constant 4 : i32
    %scan3A_4 = arith.addi %scan3A, %scan3A_3 : i32
    %scan3A_5 = arith.constant 1 : i32
    scf.for %scan3A_7 = %scan3A to %scan3A_4 step %scan3A_5  : i32 {
      %mul3A_8 = arith.constant 2 : i32
      %mul3A_9 = arith.muli %mul3A_8, %scan3A_7 : i32
      %mul3A_10 = arith.constant 2 : i32
      %mul3A_11 = arith.muli %mul3A_10, %scan3A_7 : i32
      %add3A_12 = arith.constant 1 : i32
      %add3A_13 = arith.addi %mul3A_11, %add3A_12 : i32
      %mul3A_14 = arith.constant 64 : i32
      %mul3A_15 = arith.muli %mul3A_9, %mul3A_14 : i32
      %dma_start3A = tpu.memref_slice %arg5[%mul3A_15] : memref<512xi32, #tpu.memory_space<vmem>> -> memref<64xi32, #tpu.memory_space<vmem>>
      %dma_start3A_16 = arith.constant 0 : i32
      %dma_start3A_17 = arith.constant 0 : i32
      %dma_start3A_18 = tpu.memref_slice %arg2[%dma_start3A_16, %dma_start3A_17] : memref<4096x512xi32, #tpu.memory_space<hbm>> -> memref<4096x512xi32, #tpu.memory_space<hbm>>
      tpu.enqueue_indirect_dma source(%dma_start3A_18 : memref<4096x512xi32, #tpu.memory_space<hbm>>) target(%arg6 : memref<64x512xi32, #tpu.memory_space<vmem>>) offsets(%dma_start3A : memref<64xi32, #tpu.memory_space<vmem>>) semaphore(%arg8 : memref<!tpu.dma_semaphore, #tpu.memory_space<semaphore_mem>>)
      %mul3A_19 = arith.constant 64 : i32
      %mul3A_20 = arith.muli %add3A_13, %mul3A_19 : i32
      %dma_start3A_21 = tpu.memref_slice %arg5[%mul3A_20] : memref<512xi32, #tpu.memory_space<vmem>> -> memref<64xi32, #tpu.memory_space<vmem>>
      %dma_start3A_22 = arith.constant 0 : i32
      %dma_start3A_23 = arith.constant 0 : i32
      %dma_start3A_24 = tpu.memref_slice %arg2[%dma_start3A_22, %dma_start3A_23] : memref<4096x512xi32, #tpu.memory_space<hbm>> -> memref<4096x512xi32, #tpu.memory_space<hbm>>
      tpu.enqueue_indirect_dma source(%dma_start3A_24 : memref<4096x512xi32, #tpu.memory_space<hbm>>) target(%arg7 : memref<64x512xi32, #tpu.memory_space<vmem>>) offsets(%dma_start3A_21 : memref<64xi32, #tpu.memory_space<vmem>>) semaphore(%arg9 : memref<!tpu.dma_semaphore, #tpu.memory_space<semaphore_mem>>)
      %dma_wait3A = tpu.memref_slice %arg5[%mul3A_15] : memref<512xi32, #tpu.memory_space<vmem>> -> memref<64xi32, #tpu.memory_space<vmem>>
      %dma_wait3A_25 = arith.constant 0 : i32
      %dma_wait3A_26 = arith.constant 0 : i32
      %dma_wait3A_27 = tpu.memref_slice %arg2[%dma_wait3A_25, %dma_wait3A_26] : memref<4096x512xi32, #tpu.memory_space<hbm>> -> memref<4096x512xi32, #tpu.memory_space<hbm>>
      tpu.wait_indirect_dma semaphore(%arg8 : memref<!tpu.dma_semaphore, #tpu.memory_space<semaphore_mem>>) src(%dma_wait3A_27 : memref<4096x512xi32, #tpu.memory_space<hbm>>) dst(%arg6 : memref<64x512xi32, #tpu.memory_space<vmem>>)
      %mul3A_28 = arith.constant 64 : i32
      %mul3A_29 = arith.muli %mul3A_9, %mul3A_28 : i32
      %add3A_30 = arith.addi %mul3A_2, %mul3A_29 : i32
      %dma_start3A_31 = arith.constant 0 : i32
      %dma_start3A_32 = tpu.memref_slice %arg4[%add3A_30, %dma_start3A_31] : memref<16384x512xi32, #tpu.memory_space<hbm>> -> memref<64x512xi32, #tpu.memory_space<hbm>>
      %dma_start3A_33 = arith.constant 0 : i32
      %dma_start3A_34 = tpu.memref_slice %arg4[%add3A_30, %dma_start3A_33] : memref<16384x512xi32, #tpu.memory_space<hbm>> -> memref<64x512xi32, #tpu.memory_space<hbm>>
      tpu.enqueue_dma source(%arg6 : memref<64x512xi32, #tpu.memory_space<vmem>>) target(%dma_start3A_34 : memref<64x512xi32, #tpu.memory_space<hbm>>) target_semaphore(%arg10 : memref<!tpu.dma_semaphore, #tpu.memory_space<semaphore_mem>>)
      %dma_wait3A_35 = tpu.memref_slice %arg5[%mul3A_20] : memref<512xi32, #tpu.memory_space<vmem>> -> memref<64xi32, #tpu.memory_space<vmem>>
      %dma_wait3A_36 = arith.constant 0 : i32
      %dma_wait3A_37 = arith.constant 0 : i32
      %dma_wait3A_38 = tpu.memref_slice %arg2[%dma_wait3A_36, %dma_wait3A_37] : memref<4096x512xi32, #tpu.memory_space<hbm>> -> memref<4096x512xi32, #tpu.memory_space<hbm>>
      tpu.wait_indirect_dma semaphore(%arg9 : memref<!tpu.dma_semaphore, #tpu.memory_space<semaphore_mem>>) src(%dma_wait3A_38 : memref<4096x512xi32, #tpu.memory_space<hbm>>) dst(%arg7 : memref<64x512xi32, #tpu.memory_space<vmem>>)
      %mul3A_39 = arith.constant 64 : i32
      %mul3A_40 = arith.muli %add3A_13, %mul3A_39 : i32
      %add3A_41 = arith.addi %mul3A_2, %mul3A_40 : i32
      %dma_start3A_42 = arith.constant 0 : i32
      %dma_start3A_43 = tpu.memref_slice %arg4[%add3A_41, %dma_start3A_42] : memref<16384x512xi32, #tpu.memory_space<hbm>> -> memref<64x512xi32, #tpu.memory_space<hbm>>
      %dma_start3A_44 = arith.constant 0 : i32
      %dma_start3A_45 = tpu.memref_slice %arg4[%add3A_41, %dma_start3A_44] : memref<16384x512xi32, #tpu.memory_space<hbm>> -> memref<64x512xi32, #tpu.memory_space<hbm>>
      tpu.enqueue_dma source(%arg7 : memref<64x512xi32, #tpu.memory_space<vmem>>) target(%dma_start3A_45 : memref<64x512xi32, #tpu.memory_space<hbm>>) target_semaphore(%arg11 : memref<!tpu.dma_semaphore, #tpu.memory_space<semaphore_mem>>)
      %dma_wait3A_46 = arith.constant 0 : i32
      %dma_wait3A_47 = tpu.memref_slice %arg4[%add3A_30, %dma_wait3A_46] : memref<16384x512xi32, #tpu.memory_space<hbm>> -> memref<64x512xi32, #tpu.memory_space<hbm>>
      %dma_wait3A_48 = arith.constant 0 : i32
      %dma_wait3A_49 = tpu.memref_slice %arg4[%add3A_30, %dma_wait3A_48] : memref<16384x512xi32, #tpu.memory_space<hbm>> -> memref<64x512xi32, #tpu.memory_space<hbm>>
      tpu.wait_dma2 semaphore(%arg10 : memref<!tpu.dma_semaphore, #tpu.memory_space<semaphore_mem>>) src(%arg6 : memref<64x512xi32, #tpu.memory_space<vmem>>) dst(%dma_wait3A_49 : memref<64x512xi32, #tpu.memory_space<hbm>>)
      %dma_wait3A_50 = arith.constant 0 : i32
      %dma_wait3A_51 = tpu.memref_slice %arg4[%add3A_41, %dma_wait3A_50] : memref<16384x512xi32, #tpu.memory_space<hbm>> -> memref<64x512xi32, #tpu.memory_space<hbm>>
      %dma_wait3A_52 = arith.constant 0 : i32
      %dma_wait3A_53 = tpu.memref_slice %arg4[%add3A_41, %dma_wait3A_52] : memref<16384x512xi32, #tpu.memory_space<hbm>> -> memref<64x512xi32, #tpu.memory_space<hbm>>
      tpu.wait_dma2 semaphore(%arg11 : memref<!tpu.dma_semaphore, #tpu.memory_space<semaphore_mem>>) src(%arg7 : memref<64x512xi32, #tpu.memory_space<vmem>>) dst(%dma_wait3A_53 : memref<64x512xi32, #tpu.memory_space<hbm>>)
    }
    %scan3A_6 = arith.constant 4 : i32
    return
  }
}

#map = affine_map<(d0, d1) -> (0)>
module attributes {stable_mosaic.version = 14 : i64} {
  func.func @k(%arg0: i32, %arg1: i32, %arg2: memref<12288xi32, #tpu.memory_space<hbm>>, %arg3: memref<12288xi32, #tpu.memory_space<hbm>>, %arg4: memref<12288xf32, #tpu.memory_space<hbm>>, %arg5: memref<16384xi32, #tpu.memory_space<hbm>>, %arg6: memref<16384xf32, #tpu.memory_space<hbm>>, %arg7: memref<768xi32, #tpu.memory_space<vmem>>, %arg8: memref<768xi32, #tpu.memory_space<vmem>>, %arg9: memref<768xf32, #tpu.memory_space<vmem>>, %arg10: memref<1024xi32, #tpu.memory_space<vmem>>, %arg11: memref<1024xf32, #tpu.memory_space<vmem>>, %arg12: memref<16384xi32, #tpu.memory_space<vmem_shared>>, %arg13: memref<16384xf32, #tpu.memory_space<vmem_shared>>, %arg14: memref<!tpu.dma_semaphore, #tpu.memory_space<semaphore_mem>>, %arg15: memref<!tpu.dma_semaphore, #tpu.memory_space<semaphore_mem>>) attributes {dimension_semantics = [#tpu.dimension_semantics<core_parallel>, #tpu.dimension_semantics<subcore_parallel>], iteration_bounds = array<i64: 2, 16>, scalar_prefetch = 0 : i64, scratch_operands = 9 : i64, tpu.core_type = #tpu.core_type<sc_vector_subcore>, window_params = [{transform_indices = #map}, {transform_indices = #map}, {transform_indices = #map}, {transform_indices = #map}, {transform_indices = #map}]} {
    %eq3A = arith.constant 0 : i32
    %eq3A_0 = arith.cmpi eq, %arg0, %eq3A : i32
    %convert_element_type3A = arith.extui %eq3A_0 : i1 to i32
    %cond3A = arith.constant 0 : i32
    %cond3A_1 = arith.cmpi ne, %convert_element_type3A, %cond3A : i32
    scf.if %cond3A_1 {
      %scan3A = arith.constant 0 : i32
      %scan3A_2 = arith.constant 64 : i32
      %scan3A_3 = arith.addi %scan3A, %scan3A_2 : i32
      %scan3A_4 = arith.constant 1 : i32
      scf.for %scan3A_172 = %scan3A to %scan3A_3 step %scan3A_4  : i32 {
        %broadcast_in_dim3A = arith.constant 0 : i32
        %broadcast_in_dim3A_173 = vector.broadcast %broadcast_in_dim3A : i32 to vector<16xi32>
        %mul3A_174 = arith.constant 16 : i32
        %mul3A_175 = arith.muli %scan3A_172, %mul3A_174 : i32
        %swap3A = arith.index_cast %mul3A_175 : i32 to index
        %swap3A_176 = tpu.vector_load %arg10[%swap3A] {strides = array<i32>} : memref<1024xi32, #tpu.memory_space<vmem>>, vector<16xi32>,
        tpu.vector_store %arg10[%swap3A], %broadcast_in_dim3A_173 {strides = array<i32>} : memref<1024xi32, #tpu.memory_space<vmem>>, vector<16xi32>,
        %broadcast_in_dim3A_177 = arith.constant 0.000000e+00 : f32
        %broadcast_in_dim3A_178 = vector.broadcast %broadcast_in_dim3A_177 : f32 to vector<16xf32>
        %mul3A_179 = arith.constant 16 : i32
        %mul3A_180 = arith.muli %scan3A_172, %mul3A_179 : i32
        %swap3A_181 = arith.index_cast %mul3A_180 : i32 to index
        %swap3A_182 = tpu.vector_load %arg11[%swap3A_181] {strides = array<i32>} : memref<1024xf32, #tpu.memory_space<vmem>>, vector<16xf32>,
        tpu.vector_store %arg11[%swap3A_181], %broadcast_in_dim3A_178 {strides = array<i32>} : memref<1024xf32, #tpu.memory_space<vmem>>, vector<16xf32>,
      }
      %scan3A_5 = arith.constant 64 : i32
      %mul3A = arith.constant 6 : i32
      %mul3A_6 = arith.muli %arg1, %mul3A : i32
      %mul3A_7 = arith.constant 128 : i32
      %mul3A_8 = arith.muli %mul3A_6, %mul3A_7 : i32
      "tpu.region"() ({
        %run_scoped3A = tpu.sem_alloc : memref<!tpu.dma_semaphore, #tpu.memory_space<semaphore_mem>>
        %dma_start3A_172 = tpu.memref_slice %arg2[%mul3A_8] : memref<12288xi32, #tpu.memory_space<hbm>> -> memref<768xi32, #tpu.memory_space<hbm>>
        %dma_start3A_173 = tpu.memref_slice %arg2[%mul3A_8] : memref<12288xi32, #tpu.memory_space<hbm>> -> memref<768xi32, #tpu.memory_space<hbm>>
        tpu.enqueue_dma source(%dma_start3A_173 : memref<768xi32, #tpu.memory_space<hbm>>) target(%arg7 : memref<768xi32, #tpu.memory_space<vmem>>) target_semaphore(%run_scoped3A : memref<!tpu.dma_semaphore, #tpu.memory_space<semaphore_mem>>)
        %dma_wait3A_174 = tpu.memref_slice %arg2[%mul3A_8] : memref<12288xi32, #tpu.memory_space<hbm>> -> memref<768xi32, #tpu.memory_space<hbm>>
        %dma_wait3A_175 = tpu.memref_slice %arg2[%mul3A_8] : memref<12288xi32, #tpu.memory_space<hbm>> -> memref<768xi32, #tpu.memory_space<hbm>>
        tpu.wait_dma2 semaphore(%run_scoped3A : memref<!tpu.dma_semaphore, #tpu.memory_space<semaphore_mem>>) src(%dma_wait3A_175 : memref<768xi32, #tpu.memory_space<hbm>>) dst(%arg7 : memref<768xi32, #tpu.memory_space<vmem>>)
        tpu.yield
      }) : () -> ()
      %mul3A_9 = arith.constant 6 : i32
      %mul3A_10 = arith.muli %arg1, %mul3A_9 : i32
      %mul3A_11 = arith.constant 128 : i32
      %mul3A_12 = arith.muli %mul3A_10, %mul3A_11 : i32
      "tpu.region"() ({
        %run_scoped3A = tpu.sem_alloc : memref<!tpu.dma_semaphore, #tpu.memory_space<semaphore_mem>>
        %dma_start3A_172 = tpu.memref_slice %arg3[%mul3A_12] : memref<12288xi32, #tpu.memory_space<hbm>> -> memref<768xi32, #tpu.memory_space<hbm>>
        %dma_start3A_173 = tpu.memref_slice %arg3[%mul3A_12] : memref<12288xi32, #tpu.memory_space<hbm>> -> memref<768xi32, #tpu.memory_space<hbm>>
        tpu.enqueue_dma source(%dma_start3A_173 : memref<768xi32, #tpu.memory_space<hbm>>) target(%arg8 : memref<768xi32, #tpu.memory_space<vmem>>) target_semaphore(%run_scoped3A : memref<!tpu.dma_semaphore, #tpu.memory_space<semaphore_mem>>)
        %dma_wait3A_174 = tpu.memref_slice %arg3[%mul3A_12] : memref<12288xi32, #tpu.memory_space<hbm>> -> memref<768xi32, #tpu.memory_space<hbm>>
        %dma_wait3A_175 = tpu.memref_slice %arg3[%mul3A_12] : memref<12288xi32, #tpu.memory_space<hbm>> -> memref<768xi32, #tpu.memory_space<hbm>>
        tpu.wait_dma2 semaphore(%run_scoped3A : memref<!tpu.dma_semaphore, #tpu.memory_space<semaphore_mem>>) src(%dma_wait3A_175 : memref<768xi32, #tpu.memory_space<hbm>>) dst(%arg8 : memref<768xi32, #tpu.memory_space<vmem>>)
        tpu.yield
      }) : () -> ()
      %mul3A_13 = arith.constant 6 : i32
      %mul3A_14 = arith.muli %arg1, %mul3A_13 : i32
      %mul3A_15 = arith.constant 128 : i32
      %mul3A_16 = arith.muli %mul3A_14, %mul3A_15 : i32
      "tpu.region"() ({
        %run_scoped3A = tpu.sem_alloc : memref<!tpu.dma_semaphore, #tpu.memory_space<semaphore_mem>>
        %dma_start3A_172 = tpu.memref_slice %arg4[%mul3A_16] : memref<12288xf32, #tpu.memory_space<hbm>> -> memref<768xf32, #tpu.memory_space<hbm>>
        %dma_start3A_173 = tpu.memref_slice %arg4[%mul3A_16] : memref<12288xf32, #tpu.memory_space<hbm>> -> memref<768xf32, #tpu.memory_space<hbm>>
        tpu.enqueue_dma source(%dma_start3A_173 : memref<768xf32, #tpu.memory_space<hbm>>) target(%arg9 : memref<768xf32, #tpu.memory_space<vmem>>) target_semaphore(%run_scoped3A : memref<!tpu.dma_semaphore, #tpu.memory_space<semaphore_mem>>)
        %dma_wait3A_174 = tpu.memref_slice %arg4[%mul3A_16] : memref<12288xf32, #tpu.memory_space<hbm>> -> memref<768xf32, #tpu.memory_space<hbm>>
        %dma_wait3A_175 = tpu.memref_slice %arg4[%mul3A_16] : memref<12288xf32, #tpu.memory_space<hbm>> -> memref<768xf32, #tpu.memory_space<hbm>>
        tpu.wait_dma2 semaphore(%run_scoped3A : memref<!tpu.dma_semaphore, #tpu.memory_space<semaphore_mem>>) src(%dma_wait3A_175 : memref<768xf32, #tpu.memory_space<hbm>>) dst(%arg9 : memref<768xf32, #tpu.memory_space<vmem>>)
        tpu.yield
      }) : () -> ()
      %mul3A_17 = arith.constant 1024 : i32
      %mul3A_18 = arith.muli %arg1, %mul3A_17 : i32
      "tpu.region"() ({
        %run_scoped3A = tpu.sem_alloc : memref<!tpu.dma_semaphore, #tpu.memory_space<semaphore_mem>>
        %dma_start3A_172 = tpu.memref_slice %arg12[%mul3A_18] : memref<16384xi32, #tpu.memory_space<vmem_shared>> -> memref<1024xi32, #tpu.memory_space<vmem_shared>>
        %dma_start3A_173 = tpu.memref_slice %arg12[%mul3A_18] : memref<16384xi32, #tpu.memory_space<vmem_shared>> -> memref<1024xi32, #tpu.memory_space<vmem_shared>>
        tpu.enqueue_dma source(%arg10 : memref<1024xi32, #tpu.memory_space<vmem>>) target(%dma_start3A_173 : memref<1024xi32, #tpu.memory_space<vmem_shared>>) target_semaphore(%run_scoped3A : memref<!tpu.dma_semaphore, #tpu.memory_space<semaphore_mem>>)
        %dma_wait3A_174 = tpu.memref_slice %arg12[%mul3A_18] : memref<16384xi32, #tpu.memory_space<vmem_shared>> -> memref<1024xi32, #tpu.memory_space<vmem_shared>>
        %dma_wait3A_175 = tpu.memref_slice %arg12[%mul3A_18] : memref<16384xi32, #tpu.memory_space<vmem_shared>> -> memref<1024xi32, #tpu.memory_space<vmem_shared>>
        tpu.wait_dma2 semaphore(%run_scoped3A : memref<!tpu.dma_semaphore, #tpu.memory_space<semaphore_mem>>) src(%arg10 : memref<1024xi32, #tpu.memory_space<vmem>>) dst(%dma_wait3A_175 : memref<1024xi32, #tpu.memory_space<vmem_shared>>)
        tpu.yield
      }) : () -> ()
      %mul3A_19 = arith.constant 1024 : i32
      %mul3A_20 = arith.muli %arg1, %mul3A_19 : i32
      "tpu.region"() ({
        %run_scoped3A = tpu.sem_alloc : memref<!tpu.dma_semaphore, #tpu.memory_space<semaphore_mem>>
        %dma_start3A_172 = tpu.memref_slice %arg13[%mul3A_20] : memref<16384xf32, #tpu.memory_space<vmem_shared>> -> memref<1024xf32, #tpu.memory_space<vmem_shared>>
        %dma_start3A_173 = tpu.memref_slice %arg13[%mul3A_20] : memref<16384xf32, #tpu.memory_space<vmem_shared>> -> memref<1024xf32, #tpu.memory_space<vmem_shared>>
        tpu.enqueue_dma source(%arg11 : memref<1024xf32, #tpu.memory_space<vmem>>) target(%dma_start3A_173 : memref<1024xf32, #tpu.memory_space<vmem_shared>>) target_semaphore(%run_scoped3A : memref<!tpu.dma_semaphore, #tpu.memory_space<semaphore_mem>>)
        %dma_wait3A_174 = tpu.memref_slice %arg13[%mul3A_20] : memref<16384xf32, #tpu.memory_space<vmem_shared>> -> memref<1024xf32, #tpu.memory_space<vmem_shared>>
        %dma_wait3A_175 = tpu.memref_slice %arg13[%mul3A_20] : memref<16384xf32, #tpu.memory_space<vmem_shared>> -> memref<1024xf32, #tpu.memory_space<vmem_shared>>
        tpu.wait_dma2 semaphore(%run_scoped3A : memref<!tpu.dma_semaphore, #tpu.memory_space<semaphore_mem>>) src(%arg11 : memref<1024xf32, #tpu.memory_space<vmem>>) dst(%dma_wait3A_175 : memref<1024xf32, #tpu.memory_space<vmem_shared>>)
        tpu.yield
      }) : () -> ()
      %barrier3A = arith.constant 0 : index
      tpu.barrier barrier_id(%barrier3A)
      %dma_start3A = arith.constant 0 : i32
      %dma_start3A_21 = tpu.memref_slice %arg8[%dma_start3A] : memref<768xi32, #tpu.memory_space<vmem>> -> memref<128xi32, #tpu.memory_space<vmem>>
      %dma_start3A_22 = arith.constant 0 : i32
      %dma_start3A_23 = tpu.memref_slice %arg7[%dma_start3A_22] : memref<768xi32, #tpu.memory_space<vmem>> -> memref<128xi32, #tpu.memory_space<vmem>>
      %dma_start3A_24 = arith.constant 0 : i32
      %dma_start3A_25 = tpu.memref_slice %arg12[%dma_start3A_24] : memref<16384xi32, #tpu.memory_space<vmem_shared>> -> memref<16384xi32, #tpu.memory_space<vmem_shared>>
      tpu.enqueue_indirect_dma source(%dma_start3A_21 : memref<128xi32, #tpu.memory_space<vmem>>) target(%dma_start3A_25 : memref<16384xi32, #tpu.memory_space<vmem_shared>>) offsets(%dma_start3A_23 : memref<128xi32, #tpu.memory_space<vmem>>) semaphore(%arg14 : memref<!tpu.dma_semaphore, #tpu.memory_space<semaphore_mem>>) {add = true}
      %dma_start3A_26 = arith.constant 0 : i32
      %dma_start3A_27 = tpu.memref_slice %arg9[%dma_start3A_26] : memref<768xf32, #tpu.memory_space<vmem>> -> memref<128xf32, #tpu.memory_space<vmem>>
      %dma_start3A_28 = arith.constant 0 : i32
      %dma_start3A_29 = tpu.memref_slice %arg7[%dma_start3A_28] : memref<768xi32, #tpu.memory_space<vmem>> -> memref<128xi32, #tpu.memory_space<vmem>>
      %dma_start3A_30 = arith.constant 0 : i32
      %dma_start3A_31 = tpu.memref_slice %arg13[%dma_start3A_30] : memref<16384xf32, #tpu.memory_space<vmem_shared>> -> memref<16384xf32, #tpu.memory_space<vmem_shared>>
      tpu.enqueue_indirect_dma source(%dma_start3A_27 : memref<128xf32, #tpu.memory_space<vmem>>) target(%dma_start3A_31 : memref<16384xf32, #tpu.memory_space<vmem_shared>>) offsets(%dma_start3A_29 : memref<128xi32, #tpu.memory_space<vmem>>) semaphore(%arg15 : memref<!tpu.dma_semaphore, #tpu.memory_space<semaphore_mem>>) {add = true}
      %dma_start3A_32 = arith.constant 128 : i32
      %dma_start3A_33 = tpu.memref_slice %arg8[%dma_start3A_32] : memref<768xi32, #tpu.memory_space<vmem>> -> memref<128xi32, #tpu.memory_space<vmem>>
      %dma_start3A_34 = arith.constant 128 : i32
      %dma_start3A_35 = tpu.memref_slice %arg7[%dma_start3A_34] : memref<768xi32, #tpu.memory_space<vmem>> -> memref<128xi32, #tpu.memory_space<vmem>>
      %dma_start3A_36 = arith.constant 0 : i32
      %dma_start3A_37 = tpu.memref_slice %arg12[%dma_start3A_36] : memref<16384xi32, #tpu.memory_space<vmem_shared>> -> memref<16384xi32, #tpu.memory_space<vmem_shared>>
      tpu.enqueue_indirect_dma source(%dma_start3A_33 : memref<128xi32, #tpu.memory_space<vmem>>) target(%dma_start3A_37 : memref<16384xi32, #tpu.memory_space<vmem_shared>>) offsets(%dma_start3A_35 : memref<128xi32, #tpu.memory_space<vmem>>) semaphore(%arg14 : memref<!tpu.dma_semaphore, #tpu.memory_space<semaphore_mem>>) {add = true}
      %dma_start3A_38 = arith.constant 128 : i32
      %dma_start3A_39 = tpu.memref_slice %arg9[%dma_start3A_38] : memref<768xf32, #tpu.memory_space<vmem>> -> memref<128xf32, #tpu.memory_space<vmem>>
      %dma_start3A_40 = arith.constant 128 : i32
      %dma_start3A_41 = tpu.memref_slice %arg7[%dma_start3A_40] : memref<768xi32, #tpu.memory_space<vmem>> -> memref<128xi32, #tpu.memory_space<vmem>>
      %dma_start3A_42 = arith.constant 0 : i32
      %dma_start3A_43 = tpu.memref_slice %arg13[%dma_start3A_42] : memref<16384xf32, #tpu.memory_space<vmem_shared>> -> memref<16384xf32, #tpu.memory_space<vmem_shared>>
      tpu.enqueue_indirect_dma source(%dma_start3A_39 : memref<128xf32, #tpu.memory_space<vmem>>) target(%dma_start3A_43 : memref<16384xf32, #tpu.memory_space<vmem_shared>>) offsets(%dma_start3A_41 : memref<128xi32, #tpu.memory_space<vmem>>) semaphore(%arg15 : memref<!tpu.dma_semaphore, #tpu.memory_space<semaphore_mem>>) {add = true}
      %dma_start3A_44 = arith.constant 256 : i32
      %dma_start3A_45 = tpu.memref_slice %arg8[%dma_start3A_44] : memref<768xi32, #tpu.memory_space<vmem>> -> memref<128xi32, #tpu.memory_space<vmem>>
      %dma_start3A_46 = arith.constant 256 : i32
      %dma_start3A_47 = tpu.memref_slice %arg7[%dma_start3A_46] : memref<768xi32, #tpu.memory_space<vmem>> -> memref<128xi32, #tpu.memory_space<vmem>>
      %dma_start3A_48 = arith.constant 0 : i32
      %dma_start3A_49 = tpu.memref_slice %arg12[%dma_start3A_48] : memref<16384xi32, #tpu.memory_space<vmem_shared>> -> memref<16384xi32, #tpu.memory_space<vmem_shared>>
      tpu.enqueue_indirect_dma source(%dma_start3A_45 : memref<128xi32, #tpu.memory_space<vmem>>) target(%dma_start3A_49 : memref<16384xi32, #tpu.memory_space<vmem_shared>>) offsets(%dma_start3A_47 : memref<128xi32, #tpu.memory_space<vmem>>) semaphore(%arg14 : memref<!tpu.dma_semaphore, #tpu.memory_space<semaphore_mem>>) {add = true}
      %dma_start3A_50 = arith.constant 256 : i32
      %dma_start3A_51 = tpu.memref_slice %arg9[%dma_start3A_50] : memref<768xf32, #tpu.memory_space<vmem>> -> memref<128xf32, #tpu.memory_space<vmem>>
      %dma_start3A_52 = arith.constant 256 : i32
      %dma_start3A_53 = tpu.memref_slice %arg7[%dma_start3A_52] : memref<768xi32, #tpu.memory_space<vmem>> -> memref<128xi32, #tpu.memory_space<vmem>>
      %dma_start3A_54 = arith.constant 0 : i32
      %dma_start3A_55 = tpu.memref_slice %arg13[%dma_start3A_54] : memref<16384xf32, #tpu.memory_space<vmem_shared>> -> memref<16384xf32, #tpu.memory_space<vmem_shared>>
      tpu.enqueue_indirect_dma source(%dma_start3A_51 : memref<128xf32, #tpu.memory_space<vmem>>) target(%dma_start3A_55 : memref<16384xf32, #tpu.memory_space<vmem_shared>>) offsets(%dma_start3A_53 : memref<128xi32, #tpu.memory_space<vmem>>) semaphore(%arg15 : memref<!tpu.dma_semaphore, #tpu.memory_space<semaphore_mem>>) {add = true}
      %dma_start3A_56 = arith.constant 384 : i32
      %dma_start3A_57 = tpu.memref_slice %arg8[%dma_start3A_56] : memref<768xi32, #tpu.memory_space<vmem>> -> memref<128xi32, #tpu.memory_space<vmem>>
      %dma_start3A_58 = arith.constant 384 : i32
      %dma_start3A_59 = tpu.memref_slice %arg7[%dma_start3A_58] : memref<768xi32, #tpu.memory_space<vmem>> -> memref<128xi32, #tpu.memory_space<vmem>>
      %dma_start3A_60 = arith.constant 0 : i32
      %dma_start3A_61 = tpu.memref_slice %arg12[%dma_start3A_60] : memref<16384xi32, #tpu.memory_space<vmem_shared>> -> memref<16384xi32, #tpu.memory_space<vmem_shared>>
      tpu.enqueue_indirect_dma source(%dma_start3A_57 : memref<128xi32, #tpu.memory_space<vmem>>) target(%dma_start3A_61 : memref<16384xi32, #tpu.memory_space<vmem_shared>>) offsets(%dma_start3A_59 : memref<128xi32, #tpu.memory_space<vmem>>) semaphore(%arg14 : memref<!tpu.dma_semaphore, #tpu.memory_space<semaphore_mem>>) {add = true}
      %dma_start3A_62 = arith.constant 384 : i32
      %dma_start3A_63 = tpu.memref_slice %arg9[%dma_start3A_62] : memref<768xf32, #tpu.memory_space<vmem>> -> memref<128xf32, #tpu.memory_space<vmem>>
      %dma_start3A_64 = arith.constant 384 : i32
      %dma_start3A_65 = tpu.memref_slice %arg7[%dma_start3A_64] : memref<768xi32, #tpu.memory_space<vmem>> -> memref<128xi32, #tpu.memory_space<vmem>>
      %dma_start3A_66 = arith.constant 0 : i32
      %dma_start3A_67 = tpu.memref_slice %arg13[%dma_start3A_66] : memref<16384xf32, #tpu.memory_space<vmem_shared>> -> memref<16384xf32, #tpu.memory_space<vmem_shared>>
      tpu.enqueue_indirect_dma source(%dma_start3A_63 : memref<128xf32, #tpu.memory_space<vmem>>) target(%dma_start3A_67 : memref<16384xf32, #tpu.memory_space<vmem_shared>>) offsets(%dma_start3A_65 : memref<128xi32, #tpu.memory_space<vmem>>) semaphore(%arg15 : memref<!tpu.dma_semaphore, #tpu.memory_space<semaphore_mem>>) {add = true}
      %dma_start3A_68 = arith.constant 512 : i32
      %dma_start3A_69 = tpu.memref_slice %arg8[%dma_start3A_68] : memref<768xi32, #tpu.memory_space<vmem>> -> memref<128xi32, #tpu.memory_space<vmem>>
      %dma_start3A_70 = arith.constant 512 : i32
      %dma_start3A_71 = tpu.memref_slice %arg7[%dma_start3A_70] : memref<768xi32, #tpu.memory_space<vmem>> -> memref<128xi32, #tpu.memory_space<vmem>>
      %dma_start3A_72 = arith.constant 0 : i32
      %dma_start3A_73 = tpu.memref_slice %arg12[%dma_start3A_72] : memref<16384xi32, #tpu.memory_space<vmem_shared>> -> memref<16384xi32, #tpu.memory_space<vmem_shared>>
      tpu.enqueue_indirect_dma source(%dma_start3A_69 : memref<128xi32, #tpu.memory_space<vmem>>) target(%dma_start3A_73 : memref<16384xi32, #tpu.memory_space<vmem_shared>>) offsets(%dma_start3A_71 : memref<128xi32, #tpu.memory_space<vmem>>) semaphore(%arg14 : memref<!tpu.dma_semaphore, #tpu.memory_space<semaphore_mem>>) {add = true}
      %dma_start3A_74 = arith.constant 512 : i32
      %dma_start3A_75 = tpu.memref_slice %arg9[%dma_start3A_74] : memref<768xf32, #tpu.memory_space<vmem>> -> memref<128xf32, #tpu.memory_space<vmem>>
      %dma_start3A_76 = arith.constant 512 : i32
      %dma_start3A_77 = tpu.memref_slice %arg7[%dma_start3A_76] : memref<768xi32, #tpu.memory_space<vmem>> -> memref<128xi32, #tpu.memory_space<vmem>>
      %dma_start3A_78 = arith.constant 0 : i32
      %dma_start3A_79 = tpu.memref_slice %arg13[%dma_start3A_78] : memref<16384xf32, #tpu.memory_space<vmem_shared>> -> memref<16384xf32, #tpu.memory_space<vmem_shared>>
      tpu.enqueue_indirect_dma source(%dma_start3A_75 : memref<128xf32, #tpu.memory_space<vmem>>) target(%dma_start3A_79 : memref<16384xf32, #tpu.memory_space<vmem_shared>>) offsets(%dma_start3A_77 : memref<128xi32, #tpu.memory_space<vmem>>) semaphore(%arg15 : memref<!tpu.dma_semaphore, #tpu.memory_space<semaphore_mem>>) {add = true}
      %dma_start3A_80 = arith.constant 640 : i32
      %dma_start3A_81 = tpu.memref_slice %arg8[%dma_start3A_80] : memref<768xi32, #tpu.memory_space<vmem>> -> memref<128xi32, #tpu.memory_space<vmem>>
      %dma_start3A_82 = arith.constant 640 : i32
      %dma_start3A_83 = tpu.memref_slice %arg7[%dma_start3A_82] : memref<768xi32, #tpu.memory_space<vmem>> -> memref<128xi32, #tpu.memory_space<vmem>>
      %dma_start3A_84 = arith.constant 0 : i32
      %dma_start3A_85 = tpu.memref_slice %arg12[%dma_start3A_84] : memref<16384xi32, #tpu.memory_space<vmem_shared>> -> memref<16384xi32, #tpu.memory_space<vmem_shared>>
      tpu.enqueue_indirect_dma source(%dma_start3A_81 : memref<128xi32, #tpu.memory_space<vmem>>) target(%dma_start3A_85 : memref<16384xi32, #tpu.memory_space<vmem_shared>>) offsets(%dma_start3A_83 : memref<128xi32, #tpu.memory_space<vmem>>) semaphore(%arg14 : memref<!tpu.dma_semaphore, #tpu.memory_space<semaphore_mem>>) {add = true}
      %dma_start3A_86 = arith.constant 640 : i32
      %dma_start3A_87 = tpu.memref_slice %arg9[%dma_start3A_86] : memref<768xf32, #tpu.memory_space<vmem>> -> memref<128xf32, #tpu.memory_space<vmem>>
      %dma_start3A_88 = arith.constant 640 : i32
      %dma_start3A_89 = tpu.memref_slice %arg7[%dma_start3A_88] : memref<768xi32, #tpu.memory_space<vmem>> -> memref<128xi32, #tpu.memory_space<vmem>>
      %dma_start3A_90 = arith.constant 0 : i32
      %dma_start3A_91 = tpu.memref_slice %arg13[%dma_start3A_90] : memref<16384xf32, #tpu.memory_space<vmem_shared>> -> memref<16384xf32, #tpu.memory_space<vmem_shared>>
      tpu.enqueue_indirect_dma source(%dma_start3A_87 : memref<128xf32, #tpu.memory_space<vmem>>) target(%dma_start3A_91 : memref<16384xf32, #tpu.memory_space<vmem_shared>>) offsets(%dma_start3A_89 : memref<128xi32, #tpu.memory_space<vmem>>) semaphore(%arg15 : memref<!tpu.dma_semaphore, #tpu.memory_space<semaphore_mem>>) {add = true}
      %dma_wait3A = arith.constant 0 : i32
      %dma_wait3A_92 = tpu.memref_slice %arg8[%dma_wait3A] : memref<768xi32, #tpu.memory_space<vmem>> -> memref<128xi32, #tpu.memory_space<vmem>>
      %dma_wait3A_93 = arith.constant 0 : i32
      %dma_wait3A_94 = tpu.memref_slice %arg7[%dma_wait3A_93] : memref<768xi32, #tpu.memory_space<vmem>> -> memref<128xi32, #tpu.memory_space<vmem>>
      %dma_wait3A_95 = arith.constant 0 : i32
      %dma_wait3A_96 = tpu.memref_slice %arg12[%dma_wait3A_95] : memref<16384xi32, #tpu.memory_space<vmem_shared>> -> memref<16384xi32, #tpu.memory_space<vmem_shared>>
      tpu.wait_indirect_dma semaphore(%arg14 : memref<!tpu.dma_semaphore, #tpu.memory_space<semaphore_mem>>) src(%dma_wait3A_92 : memref<128xi32, #tpu.memory_space<vmem>>) dst(%dma_wait3A_96 : memref<16384xi32, #tpu.memory_space<vmem_shared>>)
      %dma_wait3A_97 = arith.constant 0 : i32
      %dma_wait3A_98 = tpu.memref_slice %arg9[%dma_wait3A_97] : memref<768xf32, #tpu.memory_space<vmem>> -> memref<128xf32, #tpu.memory_space<vmem>>
      %dma_wait3A_99 = arith.constant 0 : i32
      %dma_wait3A_100 = tpu.memref_slice %arg7[%dma_wait3A_99] : memref<768xi32, #tpu.memory_space<vmem>> -> memref<128xi32, #tpu.memory_space<vmem>>
      %dma_wait3A_101 = arith.constant 0 : i32
      %dma_wait3A_102 = tpu.memref_slice %arg13[%dma_wait3A_101] : memref<16384xf32, #tpu.memory_space<vmem_shared>> -> memref<16384xf32, #tpu.memory_space<vmem_shared>>
      tpu.wait_indirect_dma semaphore(%arg15 : memref<!tpu.dma_semaphore, #tpu.memory_space<semaphore_mem>>) src(%dma_wait3A_98 : memref<128xf32, #tpu.memory_space<vmem>>) dst(%dma_wait3A_102 : memref<16384xf32, #tpu.memory_space<vmem_shared>>)
      %dma_wait3A_103 = arith.constant 128 : i32
      %dma_wait3A_104 = tpu.memref_slice %arg8[%dma_wait3A_103] : memref<768xi32, #tpu.memory_space<vmem>> -> memref<128xi32, #tpu.memory_space<vmem>>
      %dma_wait3A_105 = arith.constant 128 : i32
      %dma_wait3A_106 = tpu.memref_slice %arg7[%dma_wait3A_105] : memref<768xi32, #tpu.memory_space<vmem>> -> memref<128xi32, #tpu.memory_space<vmem>>
      %dma_wait3A_107 = arith.constant 0 : i32
      %dma_wait3A_108 = tpu.memref_slice %arg12[%dma_wait3A_107] : memref<16384xi32, #tpu.memory_space<vmem_shared>> -> memref<16384xi32, #tpu.memory_space<vmem_shared>>
      tpu.wait_indirect_dma semaphore(%arg14 : memref<!tpu.dma_semaphore, #tpu.memory_space<semaphore_mem>>) src(%dma_wait3A_104 : memref<128xi32, #tpu.memory_space<vmem>>) dst(%dma_wait3A_108 : memref<16384xi32, #tpu.memory_space<vmem_shared>>)
      %dma_wait3A_109 = arith.constant 128 : i32
      %dma_wait3A_110 = tpu.memref_slice %arg9[%dma_wait3A_109] : memref<768xf32, #tpu.memory_space<vmem>> -> memref<128xf32, #tpu.memory_space<vmem>>
      %dma_wait3A_111 = arith.constant 128 : i32
      %dma_wait3A_112 = tpu.memref_slice %arg7[%dma_wait3A_111] : memref<768xi32, #tpu.memory_space<vmem>> -> memref<128xi32, #tpu.memory_space<vmem>>
      %dma_wait3A_113 = arith.constant 0 : i32
      %dma_wait3A_114 = tpu.memref_slice %arg13[%dma_wait3A_113] : memref<16384xf32, #tpu.memory_space<vmem_shared>> -> memref<16384xf32, #tpu.memory_space<vmem_shared>>
      tpu.wait_indirect_dma semaphore(%arg15 : memref<!tpu.dma_semaphore, #tpu.memory_space<semaphore_mem>>) src(%dma_wait3A_110 : memref<128xf32, #tpu.memory_space<vmem>>) dst(%dma_wait3A_114 : memref<16384xf32, #tpu.memory_space<vmem_shared>>)
      %dma_wait3A_115 = arith.constant 256 : i32
      %dma_wait3A_116 = tpu.memref_slice %arg8[%dma_wait3A_115] : memref<768xi32, #tpu.memory_space<vmem>> -> memref<128xi32, #tpu.memory_space<vmem>>
      %dma_wait3A_117 = arith.constant 256 : i32
      %dma_wait3A_118 = tpu.memref_slice %arg7[%dma_wait3A_117] : memref<768xi32, #tpu.memory_space<vmem>> -> memref<128xi32, #tpu.memory_space<vmem>>
      %dma_wait3A_119 = arith.constant 0 : i32
      %dma_wait3A_120 = tpu.memref_slice %arg12[%dma_wait3A_119] : memref<16384xi32, #tpu.memory_space<vmem_shared>> -> memref<16384xi32, #tpu.memory_space<vmem_shared>>
      tpu.wait_indirect_dma semaphore(%arg14 : memref<!tpu.dma_semaphore, #tpu.memory_space<semaphore_mem>>) src(%dma_wait3A_116 : memref<128xi32, #tpu.memory_space<vmem>>) dst(%dma_wait3A_120 : memref<16384xi32, #tpu.memory_space<vmem_shared>>)
      %dma_wait3A_121 = arith.constant 256 : i32
      %dma_wait3A_122 = tpu.memref_slice %arg9[%dma_wait3A_121] : memref<768xf32, #tpu.memory_space<vmem>> -> memref<128xf32, #tpu.memory_space<vmem>>
      %dma_wait3A_123 = arith.constant 256 : i32
      %dma_wait3A_124 = tpu.memref_slice %arg7[%dma_wait3A_123] : memref<768xi32, #tpu.memory_space<vmem>> -> memref<128xi32, #tpu.memory_space<vmem>>
      %dma_wait3A_125 = arith.constant 0 : i32
      %dma_wait3A_126 = tpu.memref_slice %arg13[%dma_wait3A_125] : memref<16384xf32, #tpu.memory_space<vmem_shared>> -> memref<16384xf32, #tpu.memory_space<vmem_shared>>
      tpu.wait_indirect_dma semaphore(%arg15 : memref<!tpu.dma_semaphore, #tpu.memory_space<semaphore_mem>>) src(%dma_wait3A_122 : memref<128xf32, #tpu.memory_space<vmem>>) dst(%dma_wait3A_126 : memref<16384xf32, #tpu.memory_space<vmem_shared>>)
      %dma_wait3A_127 = arith.constant 384 : i32
      %dma_wait3A_128 = tpu.memref_slice %arg8[%dma_wait3A_127] : memref<768xi32, #tpu.memory_space<vmem>> -> memref<128xi32, #tpu.memory_space<vmem>>
      %dma_wait3A_129 = arith.constant 384 : i32
      %dma_wait3A_130 = tpu.memref_slice %arg7[%dma_wait3A_129] : memref<768xi32, #tpu.memory_space<vmem>> -> memref<128xi32, #tpu.memory_space<vmem>>
      %dma_wait3A_131 = arith.constant 0 : i32
      %dma_wait3A_132 = tpu.memref_slice %arg12[%dma_wait3A_131] : memref<16384xi32, #tpu.memory_space<vmem_shared>> -> memref<16384xi32, #tpu.memory_space<vmem_shared>>
      tpu.wait_indirect_dma semaphore(%arg14 : memref<!tpu.dma_semaphore, #tpu.memory_space<semaphore_mem>>) src(%dma_wait3A_128 : memref<128xi32, #tpu.memory_space<vmem>>) dst(%dma_wait3A_132 : memref<16384xi32, #tpu.memory_space<vmem_shared>>)
      %dma_wait3A_133 = arith.constant 384 : i32
      %dma_wait3A_134 = tpu.memref_slice %arg9[%dma_wait3A_133] : memref<768xf32, #tpu.memory_space<vmem>> -> memref<128xf32, #tpu.memory_space<vmem>>
      %dma_wait3A_135 = arith.constant 384 : i32
      %dma_wait3A_136 = tpu.memref_slice %arg7[%dma_wait3A_135] : memref<768xi32, #tpu.memory_space<vmem>> -> memref<128xi32, #tpu.memory_space<vmem>>
      %dma_wait3A_137 = arith.constant 0 : i32
      %dma_wait3A_138 = tpu.memref_slice %arg13[%dma_wait3A_137] : memref<16384xf32, #tpu.memory_space<vmem_shared>> -> memref<16384xf32, #tpu.memory_space<vmem_shared>>
      tpu.wait_indirect_dma semaphore(%arg15 : memref<!tpu.dma_semaphore, #tpu.memory_space<semaphore_mem>>) src(%dma_wait3A_134 : memref<128xf32, #tpu.memory_space<vmem>>) dst(%dma_wait3A_138 : memref<16384xf32, #tpu.memory_space<vmem_shared>>)
      %dma_wait3A_139 = arith.constant 512 : i32
      %dma_wait3A_140 = tpu.memref_slice %arg8[%dma_wait3A_139] : memref<768xi32, #tpu.memory_space<vmem>> -> memref<128xi32, #tpu.memory_space<vmem>>
      %dma_wait3A_141 = arith.constant 512 : i32
      %dma_wait3A_142 = tpu.memref_slice %arg7[%dma_wait3A_141] : memref<768xi32, #tpu.memory_space<vmem>> -> memref<128xi32, #tpu.memory_space<vmem>>
      %dma_wait3A_143 = arith.constant 0 : i32
      %dma_wait3A_144 = tpu.memref_slice %arg12[%dma_wait3A_143] : memref<16384xi32, #tpu.memory_space<vmem_shared>> -> memref<16384xi32, #tpu.memory_space<vmem_shared>>
      tpu.wait_indirect_dma semaphore(%arg14 : memref<!tpu.dma_semaphore, #tpu.memory_space<semaphore_mem>>) src(%dma_wait3A_140 : memref<128xi32, #tpu.memory_space<vmem>>) dst(%dma_wait3A_144 : memref<16384xi32, #tpu.memory_space<vmem_shared>>)
      %dma_wait3A_145 = arith.constant 512 : i32
      %dma_wait3A_146 = tpu.memref_slice %arg9[%dma_wait3A_145] : memref<768xf32, #tpu.memory_space<vmem>> -> memref<128xf32, #tpu.memory_space<vmem>>
      %dma_wait3A_147 = arith.constant 512 : i32
      %dma_wait3A_148 = tpu.memref_slice %arg7[%dma_wait3A_147] : memref<768xi32, #tpu.memory_space<vmem>> -> memref<128xi32, #tpu.memory_space<vmem>>
      %dma_wait3A_149 = arith.constant 0 : i32
      %dma_wait3A_150 = tpu.memref_slice %arg13[%dma_wait3A_149] : memref<16384xf32, #tpu.memory_space<vmem_shared>> -> memref<16384xf32, #tpu.memory_space<vmem_shared>>
      tpu.wait_indirect_dma semaphore(%arg15 : memref<!tpu.dma_semaphore, #tpu.memory_space<semaphore_mem>>) src(%dma_wait3A_146 : memref<128xf32, #tpu.memory_space<vmem>>) dst(%dma_wait3A_150 : memref<16384xf32, #tpu.memory_space<vmem_shared>>)
      %dma_wait3A_151 = arith.constant 640 : i32
      %dma_wait3A_152 = tpu.memref_slice %arg8[%dma_wait3A_151] : memref<768xi32, #tpu.memory_space<vmem>> -> memref<128xi32, #tpu.memory_space<vmem>>
      %dma_wait3A_153 = arith.constant 640 : i32
      %dma_wait3A_154 = tpu.memref_slice %arg7[%dma_wait3A_153] : memref<768xi32, #tpu.memory_space<vmem>> -> memref<128xi32, #tpu.memory_space<vmem>>
      %dma_wait3A_155 = arith.constant 0 : i32
      %dma_wait3A_156 = tpu.memref_slice %arg12[%dma_wait3A_155] : memref<16384xi32, #tpu.memory_space<vmem_shared>> -> memref<16384xi32, #tpu.memory_space<vmem_shared>>
      tpu.wait_indirect_dma semaphore(%arg14 : memref<!tpu.dma_semaphore, #tpu.memory_space<semaphore_mem>>) src(%dma_wait3A_152 : memref<128xi32, #tpu.memory_space<vmem>>) dst(%dma_wait3A_156 : memref<16384xi32, #tpu.memory_space<vmem_shared>>)
      %dma_wait3A_157 = arith.constant 640 : i32
      %dma_wait3A_158 = tpu.memref_slice %arg9[%dma_wait3A_157] : memref<768xf32, #tpu.memory_space<vmem>> -> memref<128xf32, #tpu.memory_space<vmem>>
      %dma_wait3A_159 = arith.constant 640 : i32
      %dma_wait3A_160 = tpu.memref_slice %arg7[%dma_wait3A_159] : memref<768xi32, #tpu.memory_space<vmem>> -> memref<128xi32, #tpu.memory_space<vmem>>
      %dma_wait3A_161 = arith.constant 0 : i32
      %dma_wait3A_162 = tpu.memref_slice %arg13[%dma_wait3A_161] : memref<16384xf32, #tpu.memory_space<vmem_shared>> -> memref<16384xf32, #tpu.memory_space<vmem_shared>>
      tpu.wait_indirect_dma semaphore(%arg15 : memref<!tpu.dma_semaphore, #tpu.memory_space<semaphore_mem>>) src(%dma_wait3A_158 : memref<128xf32, #tpu.memory_space<vmem>>) dst(%dma_wait3A_162 : memref<16384xf32, #tpu.memory_space<vmem_shared>>)
      %barrier3A_163 = arith.constant 0 : index
      tpu.barrier barrier_id(%barrier3A_163)
      %mul3A_164 = arith.constant 1024 : i32
      %mul3A_165 = arith.muli %arg1, %mul3A_164 : i32
      %mul3A_166 = arith.constant 1024 : i32
      %mul3A_167 = arith.muli %arg1, %mul3A_166 : i32
      "tpu.region"() ({
        %run_scoped3A = tpu.sem_alloc : memref<!tpu.dma_semaphore, #tpu.memory_space<semaphore_mem>>
        %dma_start3A_172 = tpu.memref_slice %arg5[%mul3A_167] : memref<16384xi32, #tpu.memory_space<hbm>> -> memref<1024xi32, #tpu.memory_space<hbm>>
        %dma_start3A_173 = tpu.memref_slice %arg12[%mul3A_165] : memref<16384xi32, #tpu.memory_space<vmem_shared>> -> memref<1024xi32, #tpu.memory_space<vmem_shared>>
        tpu.enqueue_dma source(%dma_start3A_173 : memref<1024xi32, #tpu.memory_space<vmem_shared>>) target(%dma_start3A_172 : memref<1024xi32, #tpu.memory_space<hbm>>) target_semaphore(%run_scoped3A : memref<!tpu.dma_semaphore, #tpu.memory_space<semaphore_mem>>)
        %dma_wait3A_174 = tpu.memref_slice %arg5[%mul3A_167] : memref<16384xi32, #tpu.memory_space<hbm>> -> memref<1024xi32, #tpu.memory_space<hbm>>
        %dma_wait3A_175 = tpu.memref_slice %arg12[%mul3A_165] : memref<16384xi32, #tpu.memory_space<vmem_shared>> -> memref<1024xi32, #tpu.memory_space<vmem_shared>>
        tpu.wait_dma2 semaphore(%run_scoped3A : memref<!tpu.dma_semaphore, #tpu.memory_space<semaphore_mem>>) src(%dma_wait3A_175 : memref<1024xi32, #tpu.memory_space<vmem_shared>>) dst(%dma_wait3A_174 : memref<1024xi32, #tpu.memory_space<hbm>>)
        tpu.yield
      }) : () -> ()
      %mul3A_168 = arith.constant 1024 : i32
      %mul3A_169 = arith.muli %arg1, %mul3A_168 : i32
      %mul3A_170 = arith.constant 1024 : i32
      %mul3A_171 = arith.muli %arg1, %mul3A_170 : i32
      "tpu.region"() ({
        %run_scoped3A = tpu.sem_alloc : memref<!tpu.dma_semaphore, #tpu.memory_space<semaphore_mem>>
        %dma_start3A_172 = tpu.memref_slice %arg6[%mul3A_171] : memref<16384xf32, #tpu.memory_space<hbm>> -> memref<1024xf32, #tpu.memory_space<hbm>>
        %dma_start3A_173 = tpu.memref_slice %arg13[%mul3A_169] : memref<16384xf32, #tpu.memory_space<vmem_shared>> -> memref<1024xf32, #tpu.memory_space<vmem_shared>>
        tpu.enqueue_dma source(%dma_start3A_173 : memref<1024xf32, #tpu.memory_space<vmem_shared>>) target(%dma_start3A_172 : memref<1024xf32, #tpu.memory_space<hbm>>) target_semaphore(%run_scoped3A : memref<!tpu.dma_semaphore, #tpu.memory_space<semaphore_mem>>)
        %dma_wait3A_174 = tpu.memref_slice %arg6[%mul3A_171] : memref<16384xf32, #tpu.memory_space<hbm>> -> memref<1024xf32, #tpu.memory_space<hbm>>
        %dma_wait3A_175 = tpu.memref_slice %arg13[%mul3A_169] : memref<16384xf32, #tpu.memory_space<vmem_shared>> -> memref<1024xf32, #tpu.memory_space<vmem_shared>>
        tpu.wait_dma2 semaphore(%run_scoped3A : memref<!tpu.dma_semaphore, #tpu.memory_space<semaphore_mem>>) src(%dma_wait3A_175 : memref<1024xf32, #tpu.memory_space<vmem_shared>>) dst(%dma_wait3A_174 : memref<1024xf32, #tpu.memory_space<hbm>>)
        tpu.yield
      }) : () -> ()
    } else {
    }
    return
  }
}

#map = affine_map<(d0, d1) -> (0, 0)>
#map1 = affine_map<(d0, d1) -> (0)>
module attributes {stable_mosaic.version = 14 : i64} {
  func.func @k(%arg0: i32, %arg1: i32, %arg2: memref<16384x512xi32, #tpu.memory_space<hbm>>, %arg3: memref<12288xi32, #tpu.memory_space<hbm>>, %arg4: memref<12288x512xi32, #tpu.memory_space<hbm>>, %arg5: memref<384xi32, #tpu.memory_space<vmem>>, %arg6: memref<48x512xi32, #tpu.memory_space<vmem>>, %arg7: memref<48x512xi32, #tpu.memory_space<vmem>>, %arg8: memref<!tpu.dma_semaphore, #tpu.memory_space<semaphore_mem>>, %arg9: memref<!tpu.dma_semaphore, #tpu.memory_space<semaphore_mem>>, %arg10: memref<!tpu.dma_semaphore, #tpu.memory_space<semaphore_mem>>, %arg11: memref<!tpu.dma_semaphore, #tpu.memory_space<semaphore_mem>>) attributes {dimension_semantics = [#tpu.dimension_semantics<core_parallel>, #tpu.dimension_semantics<subcore_parallel>], iteration_bounds = array<i64: 2, 16>, scalar_prefetch = 0 : i64, scratch_operands = 7 : i64, tpu.core_type = #tpu.core_type<sc_vector_subcore>, window_params = [{transform_indices = #map}, {transform_indices = #map1}, {transform_indices = #map}]} {
    %mul3A = arith.constant 2 : i32
    %mul3A_0 = arith.muli %arg1, %mul3A : i32
    %add3A = arith.addi %mul3A_0, %arg0 : i32
    %mul3A_1 = arith.constant 384 : i32
    %mul3A_2 = arith.muli %add3A, %mul3A_1 : i32
    "tpu.region"() ({
      %run_scoped3A = tpu.sem_alloc : memref<!tpu.dma_semaphore, #tpu.memory_space<semaphore_mem>>
      %dma_start3A = tpu.memref_slice %arg3[%mul3A_2] : memref<12288xi32, #tpu.memory_space<hbm>> -> memref<384xi32, #tpu.memory_space<hbm>>
      %dma_start3A_7 = tpu.memref_slice %arg3[%mul3A_2] : memref<12288xi32, #tpu.memory_space<hbm>> -> memref<384xi32, #tpu.memory_space<hbm>>
      tpu.enqueue_dma source(%dma_start3A_7 : memref<384xi32, #tpu.memory_space<hbm>>) target(%arg5 : memref<384xi32, #tpu.memory_space<vmem>>) target_semaphore(%run_scoped3A : memref<!tpu.dma_semaphore, #tpu.memory_space<semaphore_mem>>)
      %dma_wait3A = tpu.memref_slice %arg3[%mul3A_2] : memref<12288xi32, #tpu.memory_space<hbm>> -> memref<384xi32, #tpu.memory_space<hbm>>
      %dma_wait3A_8 = tpu.memref_slice %arg3[%mul3A_2] : memref<12288xi32, #tpu.memory_space<hbm>> -> memref<384xi32, #tpu.memory_space<hbm>>
      tpu.wait_dma2 semaphore(%run_scoped3A : memref<!tpu.dma_semaphore, #tpu.memory_space<semaphore_mem>>) src(%dma_wait3A_8 : memref<384xi32, #tpu.memory_space<hbm>>) dst(%arg5 : memref<384xi32, #tpu.memory_space<vmem>>)
      tpu.yield
    }) : () -> ()
    %scan3A = arith.constant 0 : i32
    %scan3A_3 = arith.constant 4 : i32
    %scan3A_4 = arith.addi %scan3A, %scan3A_3 : i32
    %scan3A_5 = arith.constant 1 : i32
    scf.for %scan3A_7 = %scan3A to %scan3A_4 step %scan3A_5  : i32 {
      %mul3A_8 = arith.constant 2 : i32
      %mul3A_9 = arith.muli %mul3A_8, %scan3A_7 : i32
      %mul3A_10 = arith.constant 2 : i32
      %mul3A_11 = arith.muli %mul3A_10, %scan3A_7 : i32
      %add3A_12 = arith.constant 1 : i32
      %add3A_13 = arith.addi %mul3A_11, %add3A_12 : i32
      %mul3A_14 = arith.constant 48 : i32
      %mul3A_15 = arith.muli %mul3A_9, %mul3A_14 : i32
      %dma_start3A = tpu.memref_slice %arg5[%mul3A_15] : memref<384xi32, #tpu.memory_space<vmem>> -> memref<48xi32, #tpu.memory_space<vmem>>
      %dma_start3A_16 = arith.constant 0 : i32
      %dma_start3A_17 = arith.constant 0 : i32
      %dma_start3A_18 = tpu.memref_slice %arg2[%dma_start3A_16, %dma_start3A_17] : memref<16384x512xi32, #tpu.memory_space<hbm>> -> memref<16384x512xi32, #tpu.memory_space<hbm>>
      tpu.enqueue_indirect_dma source(%dma_start3A_18 : memref<16384x512xi32, #tpu.memory_space<hbm>>) target(%arg6 : memref<48x512xi32, #tpu.memory_space<vmem>>) offsets(%dma_start3A : memref<48xi32, #tpu.memory_space<vmem>>) semaphore(%arg8 : memref<!tpu.dma_semaphore, #tpu.memory_space<semaphore_mem>>)
      %mul3A_19 = arith.constant 48 : i32
      %mul3A_20 = arith.muli %add3A_13, %mul3A_19 : i32
      %dma_start3A_21 = tpu.memref_slice %arg5[%mul3A_20] : memref<384xi32, #tpu.memory_space<vmem>> -> memref<48xi32, #tpu.memory_space<vmem>>
      %dma_start3A_22 = arith.constant 0 : i32
      %dma_start3A_23 = arith.constant 0 : i32
      %dma_start3A_24 = tpu.memref_slice %arg2[%dma_start3A_22, %dma_start3A_23] : memref<16384x512xi32, #tpu.memory_space<hbm>> -> memref<16384x512xi32, #tpu.memory_space<hbm>>
      tpu.enqueue_indirect_dma source(%dma_start3A_24 : memref<16384x512xi32, #tpu.memory_space<hbm>>) target(%arg7 : memref<48x512xi32, #tpu.memory_space<vmem>>) offsets(%dma_start3A_21 : memref<48xi32, #tpu.memory_space<vmem>>) semaphore(%arg9 : memref<!tpu.dma_semaphore, #tpu.memory_space<semaphore_mem>>)
      %dma_wait3A = tpu.memref_slice %arg5[%mul3A_15] : memref<384xi32, #tpu.memory_space<vmem>> -> memref<48xi32, #tpu.memory_space<vmem>>
      %dma_wait3A_25 = arith.constant 0 : i32
      %dma_wait3A_26 = arith.constant 0 : i32
      %dma_wait3A_27 = tpu.memref_slice %arg2[%dma_wait3A_25, %dma_wait3A_26] : memref<16384x512xi32, #tpu.memory_space<hbm>> -> memref<16384x512xi32, #tpu.memory_space<hbm>>
      tpu.wait_indirect_dma semaphore(%arg8 : memref<!tpu.dma_semaphore, #tpu.memory_space<semaphore_mem>>) src(%dma_wait3A_27 : memref<16384x512xi32, #tpu.memory_space<hbm>>) dst(%arg6 : memref<48x512xi32, #tpu.memory_space<vmem>>)
      %mul3A_28 = arith.constant 48 : i32
      %mul3A_29 = arith.muli %mul3A_9, %mul3A_28 : i32
      %add3A_30 = arith.addi %mul3A_2, %mul3A_29 : i32
      %dma_start3A_31 = arith.constant 0 : i32
      %dma_start3A_32 = tpu.memref_slice %arg4[%add3A_30, %dma_start3A_31] : memref<12288x512xi32, #tpu.memory_space<hbm>> -> memref<48x512xi32, #tpu.memory_space<hbm>>
      %dma_start3A_33 = arith.constant 0 : i32
      %dma_start3A_34 = tpu.memref_slice %arg4[%add3A_30, %dma_start3A_33] : memref<12288x512xi32, #tpu.memory_space<hbm>> -> memref<48x512xi32, #tpu.memory_space<hbm>>
      tpu.enqueue_dma source(%arg6 : memref<48x512xi32, #tpu.memory_space<vmem>>) target(%dma_start3A_34 : memref<48x512xi32, #tpu.memory_space<hbm>>) target_semaphore(%arg10 : memref<!tpu.dma_semaphore, #tpu.memory_space<semaphore_mem>>)
      %dma_wait3A_35 = tpu.memref_slice %arg5[%mul3A_20] : memref<384xi32, #tpu.memory_space<vmem>> -> memref<48xi32, #tpu.memory_space<vmem>>
      %dma_wait3A_36 = arith.constant 0 : i32
      %dma_wait3A_37 = arith.constant 0 : i32
      %dma_wait3A_38 = tpu.memref_slice %arg2[%dma_wait3A_36, %dma_wait3A_37] : memref<16384x512xi32, #tpu.memory_space<hbm>> -> memref<16384x512xi32, #tpu.memory_space<hbm>>
      tpu.wait_indirect_dma semaphore(%arg9 : memref<!tpu.dma_semaphore, #tpu.memory_space<semaphore_mem>>) src(%dma_wait3A_38 : memref<16384x512xi32, #tpu.memory_space<hbm>>) dst(%arg7 : memref<48x512xi32, #tpu.memory_space<vmem>>)
      %mul3A_39 = arith.constant 48 : i32
      %mul3A_40 = arith.muli %add3A_13, %mul3A_39 : i32
      %add3A_41 = arith.addi %mul3A_2, %mul3A_40 : i32
      %dma_start3A_42 = arith.constant 0 : i32
      %dma_start3A_43 = tpu.memref_slice %arg4[%add3A_41, %dma_start3A_42] : memref<12288x512xi32, #tpu.memory_space<hbm>> -> memref<48x512xi32, #tpu.memory_space<hbm>>
      %dma_start3A_44 = arith.constant 0 : i32
      %dma_start3A_45 = tpu.memref_slice %arg4[%add3A_41, %dma_start3A_44] : memref<12288x512xi32, #tpu.memory_space<hbm>> -> memref<48x512xi32, #tpu.memory_space<hbm>>
      tpu.enqueue_dma source(%arg7 : memref<48x512xi32, #tpu.memory_space<vmem>>) target(%dma_start3A_45 : memref<48x512xi32, #tpu.memory_space<hbm>>) target_semaphore(%arg11 : memref<!tpu.dma_semaphore, #tpu.memory_space<semaphore_mem>>)
      %dma_wait3A_46 = arith.constant 0 : i32
      %dma_wait3A_47 = tpu.memref_slice %arg4[%add3A_30, %dma_wait3A_46] : memref<12288x512xi32, #tpu.memory_space<hbm>> -> memref<48x512xi32, #tpu.memory_space<hbm>>
      %dma_wait3A_48 = arith.constant 0 : i32
      %dma_wait3A_49 = tpu.memref_slice %arg4[%add3A_30, %dma_wait3A_48] : memref<12288x512xi32, #tpu.memory_space<hbm>> -> memref<48x512xi32, #tpu.memory_space<hbm>>
      tpu.wait_dma2 semaphore(%arg10 : memref<!tpu.dma_semaphore, #tpu.memory_space<semaphore_mem>>) src(%arg6 : memref<48x512xi32, #tpu.memory_space<vmem>>) dst(%dma_wait3A_49 : memref<48x512xi32, #tpu.memory_space<hbm>>)
      %dma_wait3A_50 = arith.constant 0 : i32
      %dma_wait3A_51 = tpu.memref_slice %arg4[%add3A_41, %dma_wait3A_50] : memref<12288x512xi32, #tpu.memory_space<hbm>> -> memref<48x512xi32, #tpu.memory_space<hbm>>
      %dma_wait3A_52 = arith.constant 0 : i32
      %dma_wait3A_53 = tpu.memref_slice %arg4[%add3A_41, %dma_wait3A_52] : memref<12288x512xi32, #tpu.memory_space<hbm>> -> memref<48x512xi32, #tpu.memory_space<hbm>>
      tpu.wait_dma2 semaphore(%arg11 : memref<!tpu.dma_semaphore, #tpu.memory_space<semaphore_mem>>) src(%arg7 : memref<48x512xi32, #tpu.memory_space<vmem>>) dst(%dma_wait3A_53 : memref<48x512xi32, #tpu.memory_space<hbm>>)
    }
    %scan3A_6 = arith.constant 4 : i32
    return
  }
}

module attributes {stable_mosaic.version = 14 : i64} {
  func.func @_fold_body(%arg0: memref<1024x1024xf32, #tpu.memory_space<vmem>>, %arg1: memref<1024x1024xf32, #tpu.memory_space<vmem>>, %arg2: memref<1024x1024xf32, #tpu.memory_space<vmem>>, %arg3: memref<1024x1024xf32, #tpu.memory_space<vmem>>, %arg4: memref<1024x1024xf32, #tpu.memory_space<vmem>>, %arg5: memref<1024x1024xf32, #tpu.memory_space<vmem>>, %arg6: memref<1024x1024xf32, #tpu.memory_space<vmem>>, %arg7: memref<1024x1024xf32, #tpu.memory_space<vmem>>, %arg8: memref<1x1024xf32, #tpu.memory_space<vmem>>, %arg9: memref<1x1024xf32, #tpu.memory_space<vmem>>, %arg10: memref<1x1024xf32, #tpu.memory_space<vmem>>, %arg11: memref<1x1024xf32, #tpu.memory_space<vmem>>, %arg12: memref<1x1024xf32, #tpu.memory_space<vmem>>, %arg13: memref<1x1024xf32, #tpu.memory_space<vmem>>, %arg14: memref<1x1024xf32, #tpu.memory_space<vmem>>, %arg15: memref<1x1024xf32, #tpu.memory_space<vmem>>, %arg16: memref<1024x1024xf32, #tpu.memory_space<vmem>>, %arg17: memref<1024x1024xf32, #tpu.memory_space<vmem>>, %arg18: memref<1024x1024xf32, #tpu.memory_space<vmem>>, %arg19: memref<1024x1024xf32, #tpu.memory_space<vmem>>, %arg20: memref<1x1024xf32, #tpu.memory_space<vmem>>, %arg21: memref<1x1024xf32, #tpu.memory_space<vmem>>, %arg22: memref<1x1024xf32, #tpu.memory_space<vmem>>, %arg23: memref<1x1024xf32, #tpu.memory_space<vmem>>) attributes {dimension_semantics = [], scalar_prefetch = 0 : i64, scratch_operands = 0 : i64, tpu.core_type = #tpu.core_type<tc>} {
    %get3A = arith.constant 0 : index
    %get3A_0 = arith.constant 0 : index
    %get3A_1 = vector.load %arg1[%get3A, %get3A_0] : memref<1024x1024xf32, #tpu.memory_space<vmem>>, vector<1024x1024xf32>
    %get3A_2 = arith.constant 0 : index
    %get3A_3 = arith.constant 0 : index
    %get3A_4 = vector.load %arg0[%get3A_2, %get3A_3] : memref<1024x1024xf32, #tpu.memory_space<vmem>>, vector<1024x1024xf32>
    %dot_general3A = arith.constant dense<0.000000e+00> : vector<1024x1024xf32>
    %dot_general3A_5 = tpu.matmul %get3A_1, %get3A_4, %dot_general3A {dimension_numbers = #tpu.dot_dimension_numbers<[1], [0], [0], [1], [0, 0, 1, 1], [], []>, transpose_lhs_hint = false} : vector<1024x1024xf32>, vector<1024x1024xf32>, vector<1024x1024xf32> -> vector<1024x1024xf32>
    %swap3A = arith.constant 0 : index
    %swap3A_6 = arith.constant 0 : index
    %swap3A_7 = vector.load %arg16[%swap3A, %swap3A_6] : memref<1024x1024xf32, #tpu.memory_space<vmem>>, vector<1024x1024xf32>
    tpu.vector_store %arg16[%swap3A, %swap3A_6], %dot_general3A_5 {strides = array<i32>} : memref<1024x1024xf32, #tpu.memory_space<vmem>>, vector<1024x1024xf32>,
    %get3A_8 = arith.constant 0 : index
    %get3A_9 = arith.constant 0 : index
    %get3A_10 = vector.load %arg3[%get3A_8, %get3A_9] : memref<1024x1024xf32, #tpu.memory_space<vmem>>, vector<1024x1024xf32>
    %get3A_11 = arith.constant 0 : index
    %get3A_12 = arith.constant 0 : index
    %get3A_13 = vector.load %arg2[%get3A_11, %get3A_12] : memref<1024x1024xf32, #tpu.memory_space<vmem>>, vector<1024x1024xf32>
    %dot_general3A_14 = arith.constant dense<0.000000e+00> : vector<1024x1024xf32>
    %dot_general3A_15 = tpu.matmul %get3A_10, %get3A_13, %dot_general3A_14 {dimension_numbers = #tpu.dot_dimension_numbers<[1], [0], [0], [1], [0, 0, 1, 1], [], []>, transpose_lhs_hint = false} : vector<1024x1024xf32>, vector<1024x1024xf32>, vector<1024x1024xf32> -> vector<1024x1024xf32>
    %swap3A_16 = arith.constant 0 : index
    %swap3A_17 = arith.constant 0 : index
    %swap3A_18 = vector.load %arg17[%swap3A_16, %swap3A_17] : memref<1024x1024xf32, #tpu.memory_space<vmem>>, vector<1024x1024xf32>
    tpu.vector_store %arg17[%swap3A_16, %swap3A_17], %dot_general3A_15 {strides = array<i32>} : memref<1024x1024xf32, #tpu.memory_space<vmem>>, vector<1024x1024xf32>,
    %get3A_19 = arith.constant 0 : index
    %get3A_20 = arith.constant 0 : index
    %get3A_21 = vector.load %arg5[%get3A_19, %get3A_20] : memref<1024x1024xf32, #tpu.memory_space<vmem>>, vector<1024x1024xf32>
    %get3A_22 = arith.constant 0 : index
    %get3A_23 = arith.constant 0 : index
    %get3A_24 = vector.load %arg4[%get3A_22, %get3A_23] : memref<1024x1024xf32, #tpu.memory_space<vmem>>, vector<1024x1024xf32>
    %dot_general3A_25 = arith.constant dense<0.000000e+00> : vector<1024x1024xf32>
    %dot_general3A_26 = tpu.matmul %get3A_21, %get3A_24, %dot_general3A_25 {dimension_numbers = #tpu.dot_dimension_numbers<[1], [0], [0], [1], [0, 0, 1, 1], [], []>, transpose_lhs_hint = false} : vector<1024x1024xf32>, vector<1024x1024xf32>, vector<1024x1024xf32> -> vector<1024x1024xf32>
    %swap3A_27 = arith.constant 0 : index
    %swap3A_28 = arith.constant 0 : index
    %swap3A_29 = vector.load %arg18[%swap3A_27, %swap3A_28] : memref<1024x1024xf32, #tpu.memory_space<vmem>>, vector<1024x1024xf32>
    tpu.vector_store %arg18[%swap3A_27, %swap3A_28], %dot_general3A_26 {strides = array<i32>} : memref<1024x1024xf32, #tpu.memory_space<vmem>>, vector<1024x1024xf32>,
    %get3A_30 = arith.constant 0 : index
    %get3A_31 = arith.constant 0 : index
    %get3A_32 = vector.load %arg7[%get3A_30, %get3A_31] : memref<1024x1024xf32, #tpu.memory_space<vmem>>, vector<1024x1024xf32>
    %get3A_33 = arith.constant 0 : index
    %get3A_34 = arith.constant 0 : index
    %get3A_35 = vector.load %arg6[%get3A_33, %get3A_34] : memref<1024x1024xf32, #tpu.memory_space<vmem>>, vector<1024x1024xf32>
    %dot_general3A_36 = arith.constant dense<0.000000e+00> : vector<1024x1024xf32>
    %dot_general3A_37 = tpu.matmul %get3A_32, %get3A_35, %dot_general3A_36 {dimension_numbers = #tpu.dot_dimension_numbers<[1], [0], [0], [1], [0, 0, 1, 1], [], []>, transpose_lhs_hint = false} : vector<1024x1024xf32>, vector<1024x1024xf32>, vector<1024x1024xf32> -> vector<1024x1024xf32>
    %swap3A_38 = arith.constant 0 : index
    %swap3A_39 = arith.constant 0 : index
    %swap3A_40 = vector.load %arg19[%swap3A_38, %swap3A_39] : memref<1024x1024xf32, #tpu.memory_space<vmem>>, vector<1024x1024xf32>
    tpu.vector_store %arg19[%swap3A_38, %swap3A_39], %dot_general3A_37 {strides = array<i32>} : memref<1024x1024xf32, #tpu.memory_space<vmem>>, vector<1024x1024xf32>,
    %get3A_41 = arith.constant 0 : index
    %get3A_42 = arith.constant 0 : index
    %get3A_43 = vector.load %arg8[%get3A_41, %get3A_42] : memref<1x1024xf32, #tpu.memory_space<vmem>>, vector<1x1024xf32>
    %get3A_44 = arith.constant 0 : index
    %get3A_45 = arith.constant 0 : index
    %get3A_46 = vector.load %arg1[%get3A_44, %get3A_45] : memref<1024x1024xf32, #tpu.memory_space<vmem>>, vector<1024x1024xf32>
    %dot_general3A_47 = arith.constant dense<0.000000e+00> : vector<1x1024xf32>
    %dot_general3A_48 = tpu.matmul %get3A_43, %get3A_46, %dot_general3A_47 {dimension_numbers = #tpu.dot_dimension_numbers<[1], [1], [0], [0], [0, 0, 1, 0], [], []>, transpose_lhs_hint = false} : vector<1x1024xf32>, vector<1024x1024xf32>, vector<1x1024xf32> -> vector<1x1024xf32>
    %get3A_49 = arith.constant 0 : index
    %get3A_50 = arith.constant 0 : index
    %get3A_51 = vector.load %arg9[%get3A_49, %get3A_50] : memref<1x1024xf32, #tpu.memory_space<vmem>>, vector<1x1024xf32>
    %add3A = arith.addf %dot_general3A_48, %get3A_51 : vector<1x1024xf32>
    %swap3A_52 = arith.constant 0 : index
    %swap3A_53 = arith.constant 0 : index
    %swap3A_54 = vector.load %arg20[%swap3A_52, %swap3A_53] : memref<1x1024xf32, #tpu.memory_space<vmem>>, vector<1x1024xf32>
    tpu.vector_store %arg20[%swap3A_52, %swap3A_53], %add3A {strides = array<i32>} : memref<1x1024xf32, #tpu.memory_space<vmem>>, vector<1x1024xf32>,
    %get3A_55 = arith.constant 0 : index
    %get3A_56 = arith.constant 0 : index
    %get3A_57 = vector.load %arg10[%get3A_55, %get3A_56] : memref<1x1024xf32, #tpu.memory_space<vmem>>, vector<1x1024xf32>
    %get3A_58 = arith.constant 0 : index
    %get3A_59 = arith.constant 0 : index
    %get3A_60 = vector.load %arg3[%get3A_58, %get3A_59] : memref<1024x1024xf32, #tpu.memory_space<vmem>>, vector<1024x1024xf32>
    %dot_general3A_61 = arith.constant dense<0.000000e+00> : vector<1x1024xf32>
    %dot_general3A_62 = tpu.matmul %get3A_57, %get3A_60, %dot_general3A_61 {dimension_numbers = #tpu.dot_dimension_numbers<[1], [1], [0], [0], [0, 0, 1, 0], [], []>, transpose_lhs_hint = false} : vector<1x1024xf32>, vector<1024x1024xf32>, vector<1x1024xf32> -> vector<1x1024xf32>
    %get3A_63 = arith.constant 0 : index
    %get3A_64 = arith.constant 0 : index
    %get3A_65 = vector.load %arg11[%get3A_63, %get3A_64] : memref<1x1024xf32, #tpu.memory_space<vmem>>, vector<1x1024xf32>
    %add3A_66 = arith.addf %dot_general3A_62, %get3A_65 : vector<1x1024xf32>
    %swap3A_67 = arith.constant 0 : index
    %swap3A_68 = arith.constant 0 : index
    %swap3A_69 = vector.load %arg21[%swap3A_67, %swap3A_68] : memref<1x1024xf32, #tpu.memory_space<vmem>>, vector<1x1024xf32>
    tpu.vector_store %arg21[%swap3A_67, %swap3A_68], %add3A_66 {strides = array<i32>} : memref<1x1024xf32, #tpu.memory_space<vmem>>, vector<1x1024xf32>,
    %get3A_70 = arith.constant 0 : index
    %get3A_71 = arith.constant 0 : index
    %get3A_72 = vector.load %arg12[%get3A_70, %get3A_71] : memref<1x1024xf32, #tpu.memory_space<vmem>>, vector<1x1024xf32>
    %get3A_73 = arith.constant 0 : index
    %get3A_74 = arith.constant 0 : index
    %get3A_75 = vector.load %arg5[%get3A_73, %get3A_74] : memref<1024x1024xf32, #tpu.memory_space<vmem>>, vector<1024x1024xf32>
    %dot_general3A_76 = arith.constant dense<0.000000e+00> : vector<1x1024xf32>
    %dot_general3A_77 = tpu.matmul %get3A_72, %get3A_75, %dot_general3A_76 {dimension_numbers = #tpu.dot_dimension_numbers<[1], [1], [0], [0], [0, 0, 1, 0], [], []>, transpose_lhs_hint = false} : vector<1x1024xf32>, vector<1024x1024xf32>, vector<1x1024xf32> -> vector<1x1024xf32>
    %get3A_78 = arith.constant 0 : index
    %get3A_79 = arith.constant 0 : index
    %get3A_80 = vector.load %arg13[%get3A_78, %get3A_79] : memref<1x1024xf32, #tpu.memory_space<vmem>>, vector<1x1024xf32>
    %add3A_81 = arith.addf %dot_general3A_77, %get3A_80 : vector<1x1024xf32>
    %swap3A_82 = arith.constant 0 : index
    %swap3A_83 = arith.constant 0 : index
    %swap3A_84 = vector.load %arg22[%swap3A_82, %swap3A_83] : memref<1x1024xf32, #tpu.memory_space<vmem>>, vector<1x1024xf32>
    tpu.vector_store %arg22[%swap3A_82, %swap3A_83], %add3A_81 {strides = array<i32>} : memref<1x1024xf32, #tpu.memory_space<vmem>>, vector<1x1024xf32>,
    %get3A_85 = arith.constant 0 : index
    %get3A_86 = arith.constant 0 : index
    %get3A_87 = vector.load %arg14[%get3A_85, %get3A_86] : memref<1x1024xf32, #tpu.memory_space<vmem>>, vector<1x1024xf32>
    %get3A_88 = arith.constant 0 : index
    %get3A_89 = arith.constant 0 : index
    %get3A_90 = vector.load %arg7[%get3A_88, %get3A_89] : memref<1024x1024xf32, #tpu.memory_space<vmem>>, vector<1024x1024xf32>
    %dot_general3A_91 = arith.constant dense<0.000000e+00> : vector<1x1024xf32>
    %dot_general3A_92 = tpu.matmul %get3A_87, %get3A_90, %dot_general3A_91 {dimension_numbers = #tpu.dot_dimension_numbers<[1], [1], [0], [0], [0, 0, 1, 0], [], []>, transpose_lhs_hint = false} : vector<1x1024xf32>, vector<1024x1024xf32>, vector<1x1024xf32> -> vector<1x1024xf32>
    %get3A_93 = arith.constant 0 : index
    %get3A_94 = arith.constant 0 : index
    %get3A_95 = vector.load %arg15[%get3A_93, %get3A_94] : memref<1x1024xf32, #tpu.memory_space<vmem>>, vector<1x1024xf32>
    %add3A_96 = arith.addf %dot_general3A_92, %get3A_95 : vector<1x1024xf32>
    %swap3A_97 = arith.constant 0 : index
    %swap3A_98 = arith.constant 0 : index
    %swap3A_99 = vector.load %arg23[%swap3A_97, %swap3A_98] : memref<1x1024xf32, #tpu.memory_space<vmem>>, vector<1x1024xf32>
    tpu.vector_store %arg23[%swap3A_97, %swap3A_98], %add3A_96 {strides = array<i32>} : memref<1x1024xf32, #tpu.memory_space<vmem>>, vector<1x1024xf32>,
    return
  }
}

module attributes {stable_mosaic.version = 14 : i64} {
  func.func @_proj_body(%arg0: i32, %arg1: memref<512x1024xf32, #tpu.memory_space<vmem>>, %arg2: memref<512x1024xf32, #tpu.memory_space<vmem>>, %arg3: memref<1024x1024xf32, #tpu.memory_space<vmem>>, %arg4: memref<1024x1024xf32, #tpu.memory_space<vmem>>, %arg5: memref<1024x1024xf32, #tpu.memory_space<vmem>>, %arg6: memref<1x1024xf32, #tpu.memory_space<vmem>>, %arg7: memref<1x1024xf32, #tpu.memory_space<vmem>>, %arg8: memref<1x1024xf32, #tpu.memory_space<vmem>>, %arg9: memref<512x1024xf32, #tpu.memory_space<vmem>>, %arg10: memref<512x1024xf32, #tpu.memory_space<vmem>>, %arg11: memref<512x1024xf32, #tpu.memory_space<vmem>>) attributes {dimension_semantics = [#tpu.dimension_semantics<arbitrary>], iteration_bounds = array<i64: 8>, scalar_prefetch = 0 : i64, scratch_operands = 0 : i64, tpu.core_type = #tpu.core_type<tc>, window_params = [{transform_indices = @transform_0, window_bounds = array<i64: 512, 1024>}, {transform_indices = @transform_1, window_bounds = array<i64: 512, 1024>}, {pipeline_mode = #tpu.pipeline_mode<synchronous>, transform_indices = @transform_2, window_bounds = array<i64: 1024, 1024>}, {pipeline_mode = #tpu.pipeline_mode<synchronous>, transform_indices = @transform_3, window_bounds = array<i64: 1024, 1024>}, {pipeline_mode = #tpu.pipeline_mode<synchronous>, transform_indices = @transform_4, window_bounds = array<i64: 1024, 1024>}, {pipeline_mode = #tpu.pipeline_mode<synchronous>, transform_indices = @transform_5, window_bounds = array<i64: 1, 1024>}, {pipeline_mode = #tpu.pipeline_mode<synchronous>, transform_indices = @transform_6, window_bounds = array<i64: 1, 1024>}, {pipeline_mode = #tpu.pipeline_mode<synchronous>, transform_indices = @transform_7, window_bounds = array<i64: 1, 1024>}, {transform_indices = @transform_8, window_bounds = array<i64: 512, 1024>}, {transform_indices = @transform_9, window_bounds = array<i64: 512, 1024>}, {transform_indices = @transform_10, window_bounds = array<i64: 512, 1024>}]} {
    %get3A = arith.constant 0 : index
    %get3A_0 = arith.constant 0 : index
    %get3A_1 = vector.load %arg1[%get3A, %get3A_0] : memref<512x1024xf32, #tpu.memory_space<vmem>>, vector<512x1024xf32>
    %convert_element_type3A = arith.truncf %get3A_1 : vector<512x1024xf32> to vector<512x1024xbf16>
    %get3A_2 = arith.constant 0 : index
    %get3A_3 = arith.constant 0 : index
    %get3A_4 = vector.load %arg2[%get3A_2, %get3A_3] : memref<512x1024xf32, #tpu.memory_space<vmem>>, vector<512x1024xf32>
    %convert_element_type3A_5 = arith.truncf %get3A_4 : vector<512x1024xf32> to vector<512x1024xbf16>
    %get3A_6 = arith.constant 0 : index
    %get3A_7 = arith.constant 0 : index
    %get3A_8 = vector.load %arg3[%get3A_6, %get3A_7] : memref<1024x1024xf32, #tpu.memory_space<vmem>>, vector<1024x1024xf32>
    %convert_element_type3A_9 = arith.truncf %get3A_8 : vector<1024x1024xf32> to vector<1024x1024xbf16>
    %dot_general3A = arith.constant dense<0.000000e+00> : vector<512x1024xf32>
    %dot_general3A_10 = tpu.matmul %convert_element_type3A, %convert_element_type3A_9, %dot_general3A {dimension_numbers = #tpu.dot_dimension_numbers<[1], [1], [0], [0], [0, 0, 1, 0], [], []>, transpose_lhs_hint = false} : vector<512x1024xbf16>, vector<1024x1024xbf16>, vector<512x1024xf32> -> vector<512x1024xf32>
    %get3A_11 = arith.constant 0 : index
    %get3A_12 = arith.constant 0 : index
    %get3A_13 = vector.load %arg6[%get3A_11, %get3A_12] : memref<1x1024xf32, #tpu.memory_space<vmem>>, vector<1x1024xf32>
    %add3A = vector.broadcast %get3A_13 : vector<1x1024xf32> to vector<512x1024xf32>
    %add3A_14 = arith.addf %dot_general3A_10, %add3A : vector<512x1024xf32>
    %swap3A = arith.constant 0 : index
    %swap3A_15 = arith.constant 0 : index
    %swap3A_16 = vector.load %arg9[%swap3A, %swap3A_15] : memref<512x1024xf32, #tpu.memory_space<vmem>>, vector<512x1024xf32>
    tpu.vector_store %arg9[%swap3A, %swap3A_15], %add3A_14 {strides = array<i32>} : memref<512x1024xf32, #tpu.memory_space<vmem>>, vector<512x1024xf32>,
    %get3A_17 = arith.constant 0 : index
    %get3A_18 = arith.constant 0 : index
    %get3A_19 = vector.load %arg4[%get3A_17, %get3A_18] : memref<1024x1024xf32, #tpu.memory_space<vmem>>, vector<1024x1024xf32>
    %convert_element_type3A_20 = arith.truncf %get3A_19 : vector<1024x1024xf32> to vector<1024x1024xbf16>
    %dot_general3A_21 = arith.constant dense<0.000000e+00> : vector<512x1024xf32>
    %dot_general3A_22 = tpu.matmul %convert_element_type3A_5, %convert_element_type3A_20, %dot_general3A_21 {dimension_numbers = #tpu.dot_dimension_numbers<[1], [1], [0], [0], [0, 0, 1, 0], [], []>, transpose_lhs_hint = false} : vector<512x1024xbf16>, vector<1024x1024xbf16>, vector<512x1024xf32> -> vector<512x1024xf32>
    %get3A_23 = arith.constant 0 : index
    %get3A_24 = arith.constant 0 : index
    %get3A_25 = vector.load %arg7[%get3A_23, %get3A_24] : memref<1x1024xf32, #tpu.memory_space<vmem>>, vector<1x1024xf32>
    %add3A_26 = vector.broadcast %get3A_25 : vector<1x1024xf32> to vector<512x1024xf32>
    %add3A_27 = arith.addf %dot_general3A_22, %add3A_26 : vector<512x1024xf32>
    %swap3A_28 = arith.constant 0 : index
    %swap3A_29 = arith.constant 0 : index
    %swap3A_30 = vector.load %arg10[%swap3A_28, %swap3A_29] : memref<512x1024xf32, #tpu.memory_space<vmem>>, vector<512x1024xf32>
    tpu.vector_store %arg10[%swap3A_28, %swap3A_29], %add3A_27 {strides = array<i32>} : memref<512x1024xf32, #tpu.memory_space<vmem>>, vector<512x1024xf32>,
    %get3A_31 = arith.constant 0 : index
    %get3A_32 = arith.constant 0 : index
    %get3A_33 = vector.load %arg5[%get3A_31, %get3A_32] : memref<1024x1024xf32, #tpu.memory_space<vmem>>, vector<1024x1024xf32>
    %convert_element_type3A_34 = arith.truncf %get3A_33 : vector<1024x1024xf32> to vector<1024x1024xbf16>
    %dot_general3A_35 = arith.constant dense<0.000000e+00> : vector<512x1024xf32>
    %dot_general3A_36 = tpu.matmul %convert_element_type3A_5, %convert_element_type3A_34, %dot_general3A_35 {dimension_numbers = #tpu.dot_dimension_numbers<[1], [1], [0], [0], [0, 0, 1, 0], [], []>, transpose_lhs_hint = false} : vector<512x1024xbf16>, vector<1024x1024xbf16>, vector<512x1024xf32> -> vector<512x1024xf32>
    %get3A_37 = arith.constant 0 : index
    %get3A_38 = arith.constant 0 : index
    %get3A_39 = vector.load %arg8[%get3A_37, %get3A_38] : memref<1x1024xf32, #tpu.memory_space<vmem>>, vector<1x1024xf32>
    %add3A_40 = vector.broadcast %get3A_39 : vector<1x1024xf32> to vector<512x1024xf32>
    %add3A_41 = arith.addf %dot_general3A_36, %add3A_40 : vector<512x1024xf32>
    %swap3A_42 = arith.constant 0 : index
    %swap3A_43 = arith.constant 0 : index
    %swap3A_44 = vector.load %arg11[%swap3A_42, %swap3A_43] : memref<512x1024xf32, #tpu.memory_space<vmem>>, vector<512x1024xf32>
    tpu.vector_store %arg11[%swap3A_42, %swap3A_43], %add3A_41 {strides = array<i32>} : memref<512x1024xf32, #tpu.memory_space<vmem>>, vector<512x1024xf32>,
    return
  }
  func.func @transform_0(%arg0: i32) -> (i32, i32) {
    %c0_i32 = arith.constant 0 : i32
    %c0_i32_0 = arith.constant 0 : i32
    return %arg0, %c0_i32 : i32, i32
  }
  func.func @transform_1(%arg0: i32) -> (i32, i32) {
    %c0_i32 = arith.constant 0 : i32
    %c0_i32_0 = arith.constant 0 : i32
    return %arg0, %c0_i32 : i32, i32
  }
  func.func @transform_2(%arg0: i32) -> (i32, i32) {
    %c0_i32 = arith.constant 0 : i32
    %c0_i32_0 = arith.constant 0 : i32
    %c0_i32_1 = arith.constant 0 : i32
    return %c0_i32, %c0_i32_0 : i32, i32
  }
  func.func @transform_3(%arg0: i32) -> (i32, i32) {
    %c0_i32 = arith.constant 0 : i32
    %c0_i32_0 = arith.constant 0 : i32
    %c0_i32_1 = arith.constant 0 : i32
    return %c0_i32, %c0_i32_0 : i32, i32
  }
  func.func @transform_4(%arg0: i32) -> (i32, i32) {
    %c0_i32 = arith.constant 0 : i32
    %c0_i32_0 = arith.constant 0 : i32
    %c0_i32_1 = arith.constant 0 : i32
    return %c0_i32, %c0_i32_0 : i32, i32
  }
  func.func @transform_5(%arg0: i32) -> (i32, i32) {
    %c0_i32 = arith.constant 0 : i32
    %c0_i32_0 = arith.constant 0 : i32
    %c0_i32_1 = arith.constant 0 : i32
    return %c0_i32, %c0_i32_0 : i32, i32
  }
  func.func @transform_6(%arg0: i32) -> (i32, i32) {
    %c0_i32 = arith.constant 0 : i32
    %c0_i32_0 = arith.constant 0 : i32
    %c0_i32_1 = arith.constant 0 : i32
    return %c0_i32, %c0_i32_0 : i32, i32
  }
  func.func @transform_7(%arg0: i32) -> (i32, i32) {
    %c0_i32 = arith.constant 0 : i32
    %c0_i32_0 = arith.constant 0 : i32
    %c0_i32_1 = arith.constant 0 : i32
    return %c0_i32, %c0_i32_0 : i32, i32
  }
  func.func @transform_8(%arg0: i32) -> (i32, i32) {
    %c0_i32 = arith.constant 0 : i32
    %c0_i32_0 = arith.constant 0 : i32
    return %arg0, %c0_i32 : i32, i32
  }
  func.func @transform_9(%arg0: i32) -> (i32, i32) {
    %c0_i32 = arith.constant 0 : i32
    %c0_i32_0 = arith.constant 0 : i32
    return %arg0, %c0_i32 : i32, i32
  }
  func.func @transform_10(%arg0: i32) -> (i32, i32) {
    %c0_i32 = arith.constant 0 : i32
    %c0_i32_0 = arith.constant 0 : i32
    return %arg0, %c0_i32 : i32, i32
  }
}

module attributes {stable_mosaic.version = 14 : i64} {
  func.func @_attn_body(%arg0: i32, %arg1: i32, %arg2: memref<1x512x64xf32, #tpu.memory_space<vmem>>, %arg3: memref<1x2048x64xf32, #tpu.memory_space<vmem>>, %arg4: memref<1x2048x64xf32, #tpu.memory_space<vmem>>, %arg5: memref<1x512x64xf32, #tpu.memory_space<vmem>>) attributes {dimension_semantics = [#tpu.dimension_semantics<arbitrary>, #tpu.dimension_semantics<arbitrary>], iteration_bounds = array<i64: 32, 4>, scalar_prefetch = 0 : i64, scratch_operands = 0 : i64, tpu.core_type = #tpu.core_type<tc>, window_params = [{transform_indices = @transform_0, window_bounds = array<i64: 1, 512, 64>}, {transform_indices = @transform_1, window_bounds = array<i64: 1, 2048, 64>}, {transform_indices = @transform_2, window_bounds = array<i64: 1, 2048, 64>}, {transform_indices = @transform_3, window_bounds = array<i64: 1, 512, 64>}]} {
    %get3A = arith.constant 0 : index
    %get3A_0 = arith.constant 0 : index
    %get3A_1 = arith.constant 0 : index
    %get3A_2 = vector.load %arg2[%get3A, %get3A_0, %get3A_1] : memref<1x512x64xf32, #tpu.memory_space<vmem>>, vector<1x512x64xf32>
    %get3A_3 = vector.shape_cast %get3A_2 : vector<1x512x64xf32> to vector<512x64xf32>
    %get3A_4 = arith.constant 0 : index
    %get3A_5 = arith.constant 0 : index
    %get3A_6 = arith.constant 0 : index
    %get3A_7 = vector.load %arg3[%get3A_4, %get3A_5, %get3A_6] : memref<1x2048x64xf32, #tpu.memory_space<vmem>>, vector<1x2048x64xf32>
    %get3A_8 = vector.shape_cast %get3A_7 : vector<1x2048x64xf32> to vector<2048x64xf32>
    %get3A_9 = arith.constant 0 : index
    %get3A_10 = arith.constant 0 : index
    %get3A_11 = arith.constant 0 : index
    %get3A_12 = vector.load %arg4[%get3A_9, %get3A_10, %get3A_11] : memref<1x2048x64xf32, #tpu.memory_space<vmem>>, vector<1x2048x64xf32>
    %get3A_13 = vector.shape_cast %get3A_12 : vector<1x2048x64xf32> to vector<2048x64xf32>
    %convert_element_type3A = arith.truncf %get3A_3 : vector<512x64xf32> to vector<512x64xbf16>
    %convert_element_type3A_14 = arith.truncf %get3A_8 : vector<2048x64xf32> to vector<2048x64xbf16>
    %dot_general3A = arith.constant dense<0.000000e+00> : vector<512x2048xf32>
    %dot_general3A_15 = tpu.matmul %convert_element_type3A, %convert_element_type3A_14, %dot_general3A {dimension_numbers = #tpu.dot_dimension_numbers<[1], [1], [0], [0], [0, 0, 1, 0], [], []>, transpose_lhs_hint = false} : vector<512x64xbf16>, vector<2048x64xbf16>, vector<512x2048xf32> -> vector<512x2048xf32>
    %mul3A = arith.constant 1.250000e-01 : f32
    %mul3A_16 = vector.broadcast %mul3A : f32 to vector<512x2048xf32>
    %mul3A_17 = arith.mulf %dot_general3A_15, %mul3A_16 : vector<512x2048xf32>
    %reduce_max3A = arith.constant dense<0xFF800000> : vector<512xf32>
    %reduce_max3A_18 = vector.multi_reduction <maximumf>, %mul3A_17, %reduce_max3A [1] : vector<512x2048xf32> to vector<512xf32>
    %broadcast_in_dim3A = vector.shape_cast %reduce_max3A_18 : vector<512xf32> to vector<512x1xf32>
    %sub3A = vector.broadcast %broadcast_in_dim3A : vector<512x1xf32> to vector<512x2048xf32>
    %sub3A_19 = arith.subf %mul3A_17, %sub3A : vector<512x2048xf32>
    %exp3A = math.exp %sub3A_19 : vector<512x2048xf32>
    %reduce_sum3A = arith.constant dense<0.000000e+00> : vector<512xf32>
    %reduce_sum3A_20 = vector.multi_reduction <add>, %exp3A, %reduce_sum3A [1] : vector<512x2048xf32> to vector<512xf32>
    %broadcast_in_dim3A_21 = vector.shape_cast %reduce_sum3A_20 : vector<512xf32> to vector<512x1xf32>
    %convert_element_type3A_22 = arith.truncf %exp3A : vector<512x2048xf32> to vector<512x2048xbf16>
    %convert_element_type3A_23 = arith.truncf %get3A_13 : vector<2048x64xf32> to vector<2048x64xbf16>
    %dot_general3A_24 = arith.constant dense<0.000000e+00> : vector<512x64xf32>
    %dot_general3A_25 = tpu.matmul %convert_element_type3A_22, %convert_element_type3A_23, %dot_general3A_24 {dimension_numbers = #tpu.dot_dimension_numbers<[1], [0], [0], [1], [0, 0, 1, 1], [], []>, transpose_lhs_hint = false} : vector<512x2048xbf16>, vector<2048x64xbf16>, vector<512x64xf32> -> vector<512x64xf32>
    %div3A = vector.broadcast %broadcast_in_dim3A_21 : vector<512x1xf32> to vector<512x64xf32>
    %div3A_26 = arith.divf %dot_general3A_25, %div3A : vector<512x64xf32>
    %swap3A = arith.constant 0 : index
    %swap3A_27 = arith.constant 0 : index
    %swap3A_28 = arith.constant 0 : index
    %swap3A_29 = vector.load %arg5[%swap3A, %swap3A_27, %swap3A_28] : memref<1x512x64xf32, #tpu.memory_space<vmem>>, vector<1x512x64xf32>
    %swap3A_30 = vector.shape_cast %swap3A_29 : vector<1x512x64xf32> to vector<512x64xf32>
    %swap3A_31 = vector.shape_cast %div3A_26 : vector<512x64xf32> to vector<1x512x64xf32>
    tpu.vector_store %arg5[%swap3A, %swap3A_27, %swap3A_28], %swap3A_31 {strides = array<i32>} : memref<1x512x64xf32, #tpu.memory_space<vmem>>, vector<1x512x64xf32>,
    return
  }
  func.func @transform_0(%arg0: i32, %arg1: i32) -> (i32, i32, i32) {
    %c0_i32 = arith.constant 0 : i32
    %c0_i32_0 = arith.constant 0 : i32
    return %arg0, %arg1, %c0_i32 : i32, i32, i32
  }
  func.func @transform_1(%arg0: i32, %arg1: i32) -> (i32, i32, i32) {
    %c0_i32 = arith.constant 0 : i32
    %c0_i32_0 = arith.constant 0 : i32
    %c0_i32_1 = arith.constant 0 : i32
    return %arg0, %c0_i32, %c0_i32_0 : i32, i32, i32
  }
  func.func @transform_2(%arg0: i32, %arg1: i32) -> (i32, i32, i32) {
    %c0_i32 = arith.constant 0 : i32
    %c0_i32_0 = arith.constant 0 : i32
    %c0_i32_1 = arith.constant 0 : i32
    return %arg0, %c0_i32, %c0_i32_0 : i32, i32, i32
  }
  func.func @transform_3(%arg0: i32, %arg1: i32) -> (i32, i32, i32) {
    %c0_i32 = arith.constant 0 : i32
    %c0_i32_0 = arith.constant 0 : i32
    return %arg0, %arg1, %c0_i32 : i32, i32, i32
  }
}

module attributes {stable_mosaic.version = 14 : i64} {
  func.func @_post_body(%arg0: i32, %arg1: memref<512x1024xf32, #tpu.memory_space<vmem>>, %arg2: memref<512x1024xf32, #tpu.memory_space<vmem>>, %arg3: memref<1024x1024xf32, #tpu.memory_space<vmem>>, %arg4: memref<1x1024xf32, #tpu.memory_space<vmem>>, %arg5: memref<1x1024xf32, #tpu.memory_space<vmem>>, %arg6: memref<1x1024xf32, #tpu.memory_space<vmem>>, %arg7: memref<512x1024xf32, #tpu.memory_space<vmem>>, %arg8: memref<512x512xi32, #tpu.memory_space<vmem>>) attributes {dimension_semantics = [#tpu.dimension_semantics<arbitrary>], iteration_bounds = array<i64: 8>, scalar_prefetch = 0 : i64, scratch_operands = 0 : i64, tpu.core_type = #tpu.core_type<tc>, window_params = [{transform_indices = @transform_0, window_bounds = array<i64: 512, 1024>}, {transform_indices = @transform_1, window_bounds = array<i64: 512, 1024>}, {pipeline_mode = #tpu.pipeline_mode<synchronous>, transform_indices = @transform_2, window_bounds = array<i64: 1024, 1024>}, {pipeline_mode = #tpu.pipeline_mode<synchronous>, transform_indices = @transform_3, window_bounds = array<i64: 1, 1024>}, {pipeline_mode = #tpu.pipeline_mode<synchronous>, transform_indices = @transform_4, window_bounds = array<i64: 1, 1024>}, {pipeline_mode = #tpu.pipeline_mode<synchronous>, transform_indices = @transform_5, window_bounds = array<i64: 1, 1024>}, {transform_indices = @transform_6, window_bounds = array<i64: 512, 1024>}, {transform_indices = @transform_7, window_bounds = array<i64: 512, 512>}]} {
    %get3A = arith.constant 0 : index
    %get3A_0 = arith.constant 0 : index
    %get3A_1 = vector.load %arg1[%get3A, %get3A_0] : memref<512x1024xf32, #tpu.memory_space<vmem>>, vector<512x1024xf32>
    %convert_element_type3A = arith.truncf %get3A_1 : vector<512x1024xf32> to vector<512x1024xbf16>
    %get3A_2 = arith.constant 0 : index
    %get3A_3 = arith.constant 0 : index
    %get3A_4 = vector.load %arg3[%get3A_2, %get3A_3] : memref<1024x1024xf32, #tpu.memory_space<vmem>>, vector<1024x1024xf32>
    %convert_element_type3A_5 = arith.truncf %get3A_4 : vector<1024x1024xf32> to vector<1024x1024xbf16>
    %dot_general3A = arith.constant dense<0.000000e+00> : vector<512x1024xf32>
    %dot_general3A_6 = tpu.matmul %convert_element_type3A, %convert_element_type3A_5, %dot_general3A {dimension_numbers = #tpu.dot_dimension_numbers<[1], [1], [0], [0], [0, 0, 1, 0], [], []>, transpose_lhs_hint = false} : vector<512x1024xbf16>, vector<1024x1024xbf16>, vector<512x1024xf32> -> vector<512x1024xf32>
    %get3A_7 = arith.constant 0 : index
    %get3A_8 = arith.constant 0 : index
    %get3A_9 = vector.load %arg4[%get3A_7, %get3A_8] : memref<1x1024xf32, #tpu.memory_space<vmem>>, vector<1x1024xf32>
    %add3A = vector.broadcast %get3A_9 : vector<1x1024xf32> to vector<512x1024xf32>
    %add3A_10 = arith.addf %dot_general3A_6, %add3A : vector<512x1024xf32>
    %get3A_11 = arith.constant 0 : index
    %get3A_12 = arith.constant 0 : index
    %get3A_13 = vector.load %arg2[%get3A_11, %get3A_12] : memref<512x1024xf32, #tpu.memory_space<vmem>>, vector<512x1024xf32>
    %add3A_14 = arith.addf %add3A_10, %get3A_13 : vector<512x1024xf32>
    %get3A_15 = arith.constant 0 : index
    %get3A_16 = arith.constant 0 : index
    %get3A_17 = vector.load %arg5[%get3A_15, %get3A_16] : memref<1x1024xf32, #tpu.memory_space<vmem>>, vector<1x1024xf32>
    %get3A_18 = arith.constant 0 : index
    %get3A_19 = arith.constant 0 : index
    %get3A_20 = vector.load %arg6[%get3A_18, %get3A_19] : memref<1x1024xf32, #tpu.memory_space<vmem>>, vector<1x1024xf32>
    %reduce_sum3A = arith.constant dense<0.000000e+00> : vector<512xf32>
    %reduce_sum3A_21 = vector.multi_reduction <add>, %add3A_14, %reduce_sum3A [1] : vector<512x1024xf32> to vector<512xf32>
    %broadcast_in_dim3A = vector.shape_cast %reduce_sum3A_21 : vector<512xf32> to vector<512x1xf32>
    %div3A = arith.constant 1.024000e+03 : f32
    %div3A_22 = vector.broadcast %div3A : f32 to vector<512x1xf32>
    %div3A_23 = arith.divf %broadcast_in_dim3A, %div3A_22 : vector<512x1xf32>
    %jit3A = arith.constant 0 : i32
    %reduce_sum3A_24 = arith.constant dense<0.000000e+00> : vector<512xf32>
    %reduce_sum3A_25 = vector.multi_reduction <add>, %add3A_14, %reduce_sum3A_24 [1] : vector<512x1024xf32> to vector<512xf32>
    %broadcast_in_dim3A_26 = vector.shape_cast %reduce_sum3A_25 : vector<512xf32> to vector<512x1xf32>
    %div3A_27 = arith.constant 1.024000e+03 : f32
    %div3A_28 = vector.broadcast %div3A_27 : f32 to vector<512x1xf32>
    %div3A_29 = arith.divf %broadcast_in_dim3A_26, %div3A_28 : vector<512x1xf32>
    %sub3A = vector.broadcast %div3A_29 : vector<512x1xf32> to vector<512x1024xf32>
    %sub3A_30 = arith.subf %add3A_14, %sub3A : vector<512x1024xf32>
    %square3A = arith.mulf %sub3A_30, %sub3A_30 : vector<512x1024xf32>
    %convert_element_type3A_31 = arith.sitofp %jit3A : i32 to f32
    %sub3A_32 = arith.constant 1.024000e+03 : f32
    %sub3A_33 = arith.subf %sub3A_32, %convert_element_type3A_31 : f32
    %reduce_sum3A_34 = arith.constant dense<0.000000e+00> : vector<512xf32>
    %reduce_sum3A_35 = vector.multi_reduction <add>, %square3A, %reduce_sum3A_34 [1] : vector<512x1024xf32> to vector<512xf32>
    %broadcast_in_dim3A_36 = vector.shape_cast %reduce_sum3A_35 : vector<512xf32> to vector<512x1xf32>
    %div3A_37 = vector.broadcast %sub3A_33 : f32 to vector<512x1xf32>
    %div3A_38 = arith.divf %broadcast_in_dim3A_36, %div3A_37 : vector<512x1xf32>
    %gt3A = arith.constant 0.000000e+00 : f32
    %gt3A_39 = arith.cmpf ogt, %sub3A_33, %gt3A : f32
    %jit3A_40 = arith.constant 0x7FC00000 : f32
    %broadcast_in_dim3A_41 = vector.broadcast %jit3A_40 : f32 to vector<512x1xf32>
    %select_n3A = arith.select %gt3A_39, %div3A_38, %broadcast_in_dim3A_41 : vector<512x1xf32>
    %sub3A_42 = vector.broadcast %div3A_23 : vector<512x1xf32> to vector<512x1024xf32>
    %sub3A_43 = arith.subf %add3A_14, %sub3A_42 : vector<512x1024xf32>
    %add3A_44 = arith.constant 9.99999974E-6 : f32
    %add3A_45 = vector.broadcast %add3A_44 : f32 to vector<512x1xf32>
    %add3A_46 = arith.addf %select_n3A, %add3A_45 : vector<512x1xf32>
    %sqrt3A = math.sqrt %add3A_46 : vector<512x1xf32>
    %div3A_47 = vector.broadcast %sqrt3A : vector<512x1xf32> to vector<512x1024xf32>
    %div3A_48 = arith.divf %sub3A_43, %div3A_47 : vector<512x1024xf32>
    %mul3A = vector.broadcast %get3A_17 : vector<1x1024xf32> to vector<512x1024xf32>
    %mul3A_49 = arith.mulf %div3A_48, %mul3A : vector<512x1024xf32>
    %add3A_50 = vector.broadcast %get3A_20 : vector<1x1024xf32> to vector<512x1024xf32>
    %add3A_51 = arith.addf %mul3A_49, %add3A_50 : vector<512x1024xf32>
    %swap3A = arith.constant 0 : index
    %swap3A_52 = arith.constant 0 : index
    %swap3A_53 = vector.load %arg7[%swap3A, %swap3A_52] : memref<512x1024xf32, #tpu.memory_space<vmem>>, vector<512x1024xf32>
    tpu.vector_store %arg7[%swap3A, %swap3A_52], %add3A_51 {strides = array<i32>} : memref<512x1024xf32, #tpu.memory_space<vmem>>, vector<512x1024xf32>,
    %slice3A = vector.extract_strided_slice %add3A_51 {offsets = [0, 0], sizes = [512, 512], strides = [1, 1]} : vector<512x1024xf32> to vector<512x512xf32>
    %convert_element_type3A_54 = arith.truncf %slice3A : vector<512x512xf32> to vector<512x512xbf16>
    %bitcast_convert_type3A = tpu.bitcast %convert_element_type3A_54 : vector<512x512xbf16> -> vector<512x512xi16>
    %convert_element_type3A_55 = arith.extui %bitcast_convert_type3A : vector<512x512xi16> to vector<512x512xi32>
    %slice3A_56 = vector.extract_strided_slice %add3A_51 {offsets = [0, 512], sizes = [512, 512], strides = [1, 1]} : vector<512x1024xf32> to vector<512x512xf32>
    %convert_element_type3A_57 = arith.truncf %slice3A_56 : vector<512x512xf32> to vector<512x512xbf16>
    %bitcast_convert_type3A_58 = tpu.bitcast %convert_element_type3A_57 : vector<512x512xbf16> -> vector<512x512xi16>
    %convert_element_type3A_59 = arith.extui %bitcast_convert_type3A_58 : vector<512x512xi16> to vector<512x512xi32>
    %shift_left3A = arith.constant 16 : i32
    %shift_left3A_60 = vector.broadcast %shift_left3A : i32 to vector<512x512xi32>
    %shift_left3A_61 = arith.shli %convert_element_type3A_59, %shift_left3A_60 : vector<512x512xi32>
    %or3A = arith.ori %convert_element_type3A_55, %shift_left3A_61 : vector<512x512xi32>
    %bitcast_convert_type3A_62 = tpu.bitcast %or3A : vector<512x512xi32> -> vector<512x512xi32>
    %swap3A_63 = arith.constant 0 : index
    %swap3A_64 = arith.constant 0 : index
    %swap3A_65 = vector.load %arg8[%swap3A_63, %swap3A_64] : memref<512x512xi32, #tpu.memory_space<vmem>>, vector<512x512xi32>
    tpu.vector_store %arg8[%swap3A_63, %swap3A_64], %bitcast_convert_type3A_62 {strides = array<i32>} : memref<512x512xi32, #tpu.memory_space<vmem>>, vector<512x512xi32>,
    return
  }
  func.func @transform_0(%arg0: i32) -> (i32, i32) {
    %c0_i32 = arith.constant 0 : i32
    %c0_i32_0 = arith.constant 0 : i32
    return %arg0, %c0_i32 : i32, i32
  }
  func.func @transform_1(%arg0: i32) -> (i32, i32) {
    %c0_i32 = arith.constant 0 : i32
    %c0_i32_0 = arith.constant 0 : i32
    return %arg0, %c0_i32 : i32, i32
  }
  func.func @transform_2(%arg0: i32) -> (i32, i32) {
    %c0_i32 = arith.constant 0 : i32
    %c0_i32_0 = arith.constant 0 : i32
    %c0_i32_1 = arith.constant 0 : i32
    return %c0_i32, %c0_i32_0 : i32, i32
  }
  func.func @transform_3(%arg0: i32) -> (i32, i32) {
    %c0_i32 = arith.constant 0 : i32
    %c0_i32_0 = arith.constant 0 : i32
    %c0_i32_1 = arith.constant 0 : i32
    return %c0_i32, %c0_i32_0 : i32, i32
  }
  func.func @transform_4(%arg0: i32) -> (i32, i32) {
    %c0_i32 = arith.constant 0 : i32
    %c0_i32_0 = arith.constant 0 : i32
    %c0_i32_1 = arith.constant 0 : i32
    return %c0_i32, %c0_i32_0 : i32, i32
  }
  func.func @transform_5(%arg0: i32) -> (i32, i32) {
    %c0_i32 = arith.constant 0 : i32
    %c0_i32_0 = arith.constant 0 : i32
    %c0_i32_1 = arith.constant 0 : i32
    return %c0_i32, %c0_i32_0 : i32, i32
  }
  func.func @transform_6(%arg0: i32) -> (i32, i32) {
    %c0_i32 = arith.constant 0 : i32
    %c0_i32_0 = arith.constant 0 : i32
    return %arg0, %c0_i32 : i32, i32
  }
  func.func @transform_7(%arg0: i32) -> (i32, i32) {
    %c0_i32 = arith.constant 0 : i32
    %c0_i32_0 = arith.constant 0 : i32
    return %arg0, %c0_i32 : i32, i32
  }
}

module attributes {stable_mosaic.version = 14 : i64} {
  func.func @_router_body(%arg0: i32, %arg1: memref<512x1024xf32, #tpu.memory_space<vmem>>, %arg2: memref<1024x8xf32, #tpu.memory_space<vmem>>, %arg3: memref<512x3xf32, #tpu.memory_space<vmem>>, %arg4: memref<512x3xi32, #tpu.memory_space<vmem>>, %arg5: memref<1x8xf32, #tpu.memory_space<vmem>>, %arg6: memref<1x1xf32, #tpu.memory_space<vmem>>, %arg7: memref<3x8xf32, #tpu.memory_space<vmem>>) attributes {dimension_semantics = [#tpu.dimension_semantics<arbitrary>], iteration_bounds = array<i64: 8>, scalar_prefetch = 0 : i64, scratch_operands = 1 : i64, tpu.core_type = #tpu.core_type<tc>, window_params = [{transform_indices = @transform_0, window_bounds = array<i64: 512, 1024>}, {pipeline_mode = #tpu.pipeline_mode<synchronous>, transform_indices = @transform_1, window_bounds = array<i64: 1024, 8>}, {transform_indices = @transform_2, window_bounds = array<i64: 512, 3>}, {transform_indices = @transform_3, window_bounds = array<i64: 512, 3>}, {pipeline_mode = #tpu.pipeline_mode<synchronous>, transform_indices = @transform_4, window_bounds = array<i64: 1, 8>}, {pipeline_mode = #tpu.pipeline_mode<synchronous>, transform_indices = @transform_5, window_bounds = array<i64: 1, 1>}]} {
    %get3A = arith.constant 0 : index
    %get3A_0 = arith.constant 0 : index
    %get3A_1 = vector.load %arg1[%get3A, %get3A_0] : memref<512x1024xf32, #tpu.memory_space<vmem>>, vector<512x1024xf32>
    %get3A_2 = arith.constant 0 : index
    %get3A_3 = arith.constant 0 : index
    %get3A_4 = vector.load %arg2[%get3A_2, %get3A_3] : memref<1024x8xf32, #tpu.memory_space<vmem>>, vector<1024x8xf32>
    %dot_general3A = arith.constant dense<0.000000e+00> : vector<512x8xf32>
    %dot_general3A_5 = tpu.matmul %get3A_1, %get3A_4, %dot_general3A {dimension_numbers = #tpu.dot_dimension_numbers<[1], [0], [0], [1], [0, 0, 1, 1], [], []>, transpose_lhs_hint = false} : vector<512x1024xf32>, vector<1024x8xf32>, vector<512x8xf32> -> vector<512x8xf32>
    %reduce_max3A = arith.constant dense<0xFF800000> : vector<512xf32>
    %reduce_max3A_6 = vector.multi_reduction <maximumf>, %dot_general3A_5, %reduce_max3A [1] : vector<512x8xf32> to vector<512xf32>
    %broadcast_in_dim3A = vector.shape_cast %reduce_max3A_6 : vector<512xf32> to vector<512x1xf32>
    %sub3A = vector.broadcast %broadcast_in_dim3A : vector<512x1xf32> to vector<512x8xf32>
    %sub3A_7 = arith.subf %dot_general3A_5, %sub3A : vector<512x8xf32>
    %exp3A = math.exp %sub3A_7 : vector<512x8xf32>
    %reduce_sum3A = arith.constant dense<0.000000e+00> : vector<512xf32>
    %reduce_sum3A_8 = vector.multi_reduction <add>, %exp3A, %reduce_sum3A [1] : vector<512x8xf32> to vector<512xf32>
    %broadcast_in_dim3A_9 = vector.shape_cast %reduce_sum3A_8 : vector<512xf32> to vector<512x1xf32>
    %div3A = vector.broadcast %broadcast_in_dim3A_9 : vector<512x1xf32> to vector<512x8xf32>
    %div3A_10 = arith.divf %exp3A, %div3A : vector<512x8xf32>
    %iota3A = tpu.iota {dimensions = array<i32: 1>} : vector<512x8xi32>
    %reduce_max3A_11 = arith.constant dense<0xFF800000> : vector<512xf32>
    %reduce_max3A_12 = vector.multi_reduction <maximumf>, %div3A_10, %reduce_max3A_11 [1] : vector<512x8xf32> to vector<512xf32>
    %broadcast_in_dim3A_13 = vector.shape_cast %reduce_max3A_12 : vector<512xf32> to vector<512x1xf32>
    %eq3A = vector.broadcast %broadcast_in_dim3A_13 : vector<512x1xf32> to vector<512x8xf32>
    %eq3A_14 = arith.cmpf oeq, %div3A_10, %eq3A : vector<512x8xf32>
    %jit3A = arith.constant 8 : i32
    %broadcast_in_dim3A_15 = vector.broadcast %jit3A : i32 to vector<512x8xi32>
    %select_n3A = arith.select %eq3A_14, %iota3A, %broadcast_in_dim3A_15 : vector<512x8xi1>, vector<512x8xi32>
    %reduce_min3A = arith.constant dense<2147483647> : vector<512xi32>
    %reduce_min3A_16 = vector.multi_reduction <minsi>, %select_n3A, %reduce_min3A [1] : vector<512x8xi32> to vector<512xi32>
    %broadcast_in_dim3A_17 = vector.shape_cast %reduce_min3A_16 : vector<512xi32> to vector<512x1xi32>
    %eq3A_18 = vector.broadcast %broadcast_in_dim3A_17 : vector<512x1xi32> to vector<512x8xi32>
    %eq3A_19 = arith.cmpi eq, %iota3A, %eq3A_18 : vector<512x8xi32>
    %jit3A_20 = arith.constant -1.000000e+00 : f32
    %broadcast_in_dim3A_21 = vector.broadcast %jit3A_20 : f32 to vector<512x8xf32>
    %select_n3A_22 = arith.select %eq3A_19, %broadcast_in_dim3A_21, %div3A_10 : vector<512x8xi1>, vector<512x8xf32>
    %reduce_max3A_23 = arith.constant dense<0xFF800000> : vector<512xf32>
    %reduce_max3A_24 = vector.multi_reduction <maximumf>, %select_n3A_22, %reduce_max3A_23 [1] : vector<512x8xf32> to vector<512xf32>
    %broadcast_in_dim3A_25 = vector.shape_cast %reduce_max3A_24 : vector<512xf32> to vector<512x1xf32>
    %eq3A_26 = vector.broadcast %broadcast_in_dim3A_25 : vector<512x1xf32> to vector<512x8xf32>
    %eq3A_27 = arith.cmpf oeq, %select_n3A_22, %eq3A_26 : vector<512x8xf32>
    %jit3A_28 = arith.constant 8 : i32
    %broadcast_in_dim3A_29 = vector.broadcast %jit3A_28 : i32 to vector<512x8xi32>
    %select_n3A_30 = arith.select %eq3A_27, %iota3A, %broadcast_in_dim3A_29 : vector<512x8xi1>, vector<512x8xi32>
    %reduce_min3A_31 = arith.constant dense<2147483647> : vector<512xi32>
    %reduce_min3A_32 = vector.multi_reduction <minsi>, %select_n3A_30, %reduce_min3A_31 [1] : vector<512x8xi32> to vector<512xi32>
    %broadcast_in_dim3A_33 = vector.shape_cast %reduce_min3A_32 : vector<512xi32> to vector<512x1xi32>
    %eq3A_34 = vector.broadcast %broadcast_in_dim3A_33 : vector<512x1xi32> to vector<512x8xi32>
    %eq3A_35 = arith.cmpi eq, %iota3A, %eq3A_34 : vector<512x8xi32>
    %jit3A_36 = arith.constant -1.000000e+00 : f32
    %broadcast_in_dim3A_37 = vector.broadcast %jit3A_36 : f32 to vector<512x8xf32>
    %select_n3A_38 = arith.select %eq3A_35, %broadcast_in_dim3A_37, %select_n3A_22 : vector<512x8xi1>, vector<512x8xf32>
    %reduce_max3A_39 = arith.constant dense<0xFF800000> : vector<512xf32>
    %reduce_max3A_40 = vector.multi_reduction <maximumf>, %select_n3A_38, %reduce_max3A_39 [1] : vector<512x8xf32> to vector<512xf32>
    %broadcast_in_dim3A_41 = vector.shape_cast %reduce_max3A_40 : vector<512xf32> to vector<512x1xf32>
    %eq3A_42 = vector.broadcast %broadcast_in_dim3A_41 : vector<512x1xf32> to vector<512x8xf32>
    %eq3A_43 = arith.cmpf oeq, %select_n3A_38, %eq3A_42 : vector<512x8xf32>
    %jit3A_44 = arith.constant 8 : i32
    %broadcast_in_dim3A_45 = vector.broadcast %jit3A_44 : i32 to vector<512x8xi32>
    %select_n3A_46 = arith.select %eq3A_43, %iota3A, %broadcast_in_dim3A_45 : vector<512x8xi1>, vector<512x8xi32>
    %reduce_min3A_47 = arith.constant dense<2147483647> : vector<512xi32>
    %reduce_min3A_48 = vector.multi_reduction <minsi>, %select_n3A_46, %reduce_min3A_47 [1] : vector<512x8xi32> to vector<512xi32>
    %broadcast_in_dim3A_49 = vector.shape_cast %reduce_min3A_48 : vector<512xi32> to vector<512x1xi32>
    %ge3A = arith.constant 5.000000e-02 : f32
    %ge3A_50 = vector.broadcast %ge3A : f32 to vector<512x1xf32>
    %ge3A_51 = arith.cmpf oge, %broadcast_in_dim3A_25, %ge3A_50 : vector<512x1xf32>
    %jit3A_52 = arith.constant 0.000000e+00 : f32
    %broadcast_in_dim3A_53 = vector.broadcast %jit3A_52 : f32 to vector<512x1xf32>
    %select_n3A_54 = arith.select %ge3A_51, %broadcast_in_dim3A_25, %broadcast_in_dim3A_53 : vector<512x1xi1>, vector<512x1xf32>
    %ge3A_55 = arith.constant 5.000000e-02 : f32
    %ge3A_56 = vector.broadcast %ge3A_55 : f32 to vector<512x1xf32>
    %ge3A_57 = arith.cmpf oge, %broadcast_in_dim3A_41, %ge3A_56 : vector<512x1xf32>
    %jit3A_58 = arith.constant 0.000000e+00 : f32
    %broadcast_in_dim3A_59 = vector.broadcast %jit3A_58 : f32 to vector<512x1xf32>
    %select_n3A_60 = arith.select %ge3A_57, %broadcast_in_dim3A_41, %broadcast_in_dim3A_59 : vector<512x1xi1>, vector<512x1xf32>
    %concatenate3A = tpu.concatenate %broadcast_in_dim3A_13, %select_n3A_54, %select_n3A_60 in 1 : vector<512x1xf32>, vector<512x1xf32>, vector<512x1xf32> -> vector<512x3xf32>
    %swap3A = arith.constant 0 : index
    %swap3A_61 = arith.constant 0 : index
    %swap3A_62 = vector.load %arg3[%swap3A, %swap3A_61] : memref<512x3xf32, #tpu.memory_space<vmem>>, vector<512x3xf32>
    tpu.vector_store %arg3[%swap3A, %swap3A_61], %concatenate3A {strides = array<i32>} : memref<512x3xf32, #tpu.memory_space<vmem>>, vector<512x3xf32>,
    %concatenate3A_63 = tpu.concatenate %broadcast_in_dim3A_17, %broadcast_in_dim3A_33, %broadcast_in_dim3A_49 in 1 : vector<512x1xi32>, vector<512x1xi32>, vector<512x1xi32> -> vector<512x3xi32>
    %swap3A_64 = arith.constant 0 : index
    %swap3A_65 = arith.constant 0 : index
    %swap3A_66 = vector.load %arg4[%swap3A_64, %swap3A_65] : memref<512x3xi32, #tpu.memory_space<vmem>>, vector<512x3xi32>
    tpu.vector_store %arg4[%swap3A_64, %swap3A_65], %concatenate3A_63 {strides = array<i32>} : memref<512x3xi32, #tpu.memory_space<vmem>>, vector<512x3xi32>,
    %eq3A_67 = vector.broadcast %broadcast_in_dim3A_17 : vector<512x1xi32> to vector<512x8xi32>
    %eq3A_68 = arith.cmpi eq, %iota3A, %eq3A_67 : vector<512x8xi32>
    %jit3A_69 = arith.constant 1.000000e+00 : f32
    %jit3A_70 = arith.constant 0.000000e+00 : f32
    %broadcast_in_dim3A_71 = vector.broadcast %jit3A_69 : f32 to vector<512x8xf32>
    %broadcast_in_dim3A_72 = vector.broadcast %jit3A_70 : f32 to vector<512x8xf32>
    %select_n3A_73 = arith.select %eq3A_68, %broadcast_in_dim3A_71, %broadcast_in_dim3A_72 : vector<512x8xi1>, vector<512x8xf32>
    %eq3A_74 = vector.broadcast %broadcast_in_dim3A_33 : vector<512x1xi32> to vector<512x8xi32>
    %eq3A_75 = arith.cmpi eq, %iota3A, %eq3A_74 : vector<512x8xi32>
    %jit3A_76 = arith.constant 1.000000e+00 : f32
    %jit3A_77 = arith.constant 0.000000e+00 : f32
    %broadcast_in_dim3A_78 = vector.broadcast %jit3A_76 : f32 to vector<512x8xf32>
    %broadcast_in_dim3A_79 = vector.broadcast %jit3A_77 : f32 to vector<512x8xf32>
    %select_n3A_80 = arith.select %eq3A_75, %broadcast_in_dim3A_78, %broadcast_in_dim3A_79 : vector<512x8xi1>, vector<512x8xf32>
    %add3A = arith.addf %select_n3A_73, %select_n3A_80 : vector<512x8xf32>
    %eq3A_81 = vector.broadcast %broadcast_in_dim3A_49 : vector<512x1xi32> to vector<512x8xi32>
    %eq3A_82 = arith.cmpi eq, %iota3A, %eq3A_81 : vector<512x8xi32>
    %jit3A_83 = arith.constant 1.000000e+00 : f32
    %jit3A_84 = arith.constant 0.000000e+00 : f32
    %broadcast_in_dim3A_85 = vector.broadcast %jit3A_83 : f32 to vector<512x8xf32>
    %broadcast_in_dim3A_86 = vector.broadcast %jit3A_84 : f32 to vector<512x8xf32>
    %select_n3A_87 = arith.select %eq3A_82, %broadcast_in_dim3A_85, %broadcast_in_dim3A_86 : vector<512x8xi1>, vector<512x8xf32>
    %add3A_88 = arith.addf %add3A, %select_n3A_87 : vector<512x8xf32>
    %reduce_sum3A_89 = arith.constant dense<0.000000e+00> : vector<8xf32>
    %reduce_sum3A_90 = vector.multi_reduction <add>, %div3A_10, %reduce_sum3A_89 [0] : vector<512x8xf32> to vector<8xf32>
    %broadcast_in_dim3A_91 = vector.shape_cast %reduce_sum3A_90 : vector<8xf32> to vector<1x8xf32>
    %reduce_sum3A_92 = arith.constant dense<0.000000e+00> : vector<8xf32>
    %reduce_sum3A_93 = vector.multi_reduction <add>, %select_n3A_73, %reduce_sum3A_92 [0] : vector<512x8xf32> to vector<8xf32>
    %broadcast_in_dim3A_94 = vector.shape_cast %reduce_sum3A_93 : vector<8xf32> to vector<1x8xf32>
    %reduce_sum3A_95 = arith.constant dense<0.000000e+00> : vector<8xf32>
    %reduce_sum3A_96 = vector.multi_reduction <add>, %add3A_88, %reduce_sum3A_95 [0] : vector<512x8xf32> to vector<8xf32>
    %broadcast_in_dim3A_97 = vector.shape_cast %reduce_sum3A_96 : vector<8xf32> to vector<1x8xf32>
    %eq3A_98 = arith.constant 0 : i32
    %eq3A_99 = arith.cmpi eq, %arg0, %eq3A_98 : i32
    %convert_element_type3A = arith.extui %eq3A_99 : i1 to i32
    %cond3A = arith.constant 0 : i32
    %cond3A_100 = arith.cmpi ne, %convert_element_type3A, %cond3A : i32
    scf.if %cond3A_100 {
      %broadcast_in_dim3A_127 = arith.constant 0.000000e+00 : f32
      %broadcast_in_dim3A_128 = vector.broadcast %broadcast_in_dim3A_127 : f32 to vector<3x8xf32>
      %swap3A_129 = arith.constant 0 : index
      %swap3A_130 = arith.constant 0 : index
      %swap3A_131 = vector.load %arg7[%swap3A_129, %swap3A_130] : memref<3x8xf32, #tpu.memory_space<vmem>>, vector<3x8xf32>
      tpu.vector_store %arg7[%swap3A_129, %swap3A_130], %broadcast_in_dim3A_128 {strides = array<i32>} : memref<3x8xf32, #tpu.memory_space<vmem>>, vector<3x8xf32>,
    } else {
    }
    %get3A_101 = arith.constant 0 : index
    %get3A_102 = arith.constant 0 : index
    %get3A_103 = vector.load %arg7[%get3A_101, %get3A_102] : memref<3x8xf32, #tpu.memory_space<vmem>>, vector<1x8xf32>
    %add3A_104 = arith.addf %get3A_103, %broadcast_in_dim3A_91 : vector<1x8xf32>
    %swap3A_105 = arith.constant 0 : index
    %swap3A_106 = arith.constant 0 : index
    %swap3A_107 = vector.load %arg7[%swap3A_105, %swap3A_106] : memref<3x8xf32, #tpu.memory_space<vmem>>, vector<1x8xf32>
    tpu.vector_store %arg7[%swap3A_105, %swap3A_106], %add3A_104 {strides = array<i32>} : memref<3x8xf32, #tpu.memory_space<vmem>>, vector<1x8xf32>,
    %get3A_108 = arith.constant 1 : index
    %get3A_109 = arith.constant 0 : index
    %get3A_110 = vector.load %arg7[%get3A_108, %get3A_109] : memref<3x8xf32, #tpu.memory_space<vmem>>, vector<1x8xf32>
    %add3A_111 = arith.addf %get3A_110, %broadcast_in_dim3A_94 : vector<1x8xf32>
    %swap3A_112 = arith.constant 1 : index
    %swap3A_113 = arith.constant 0 : index
    %swap3A_114 = vector.load %arg7[%swap3A_112, %swap3A_113] : memref<3x8xf32, #tpu.memory_space<vmem>>, vector<1x8xf32>
    tpu.vector_store %arg7[%swap3A_112, %swap3A_113], %add3A_111 {strides = array<i32>} : memref<3x8xf32, #tpu.memory_space<vmem>>, vector<1x8xf32>,
    %get3A_115 = arith.constant 2 : index
    %get3A_116 = arith.constant 0 : index
    %get3A_117 = vector.load %arg7[%get3A_115, %get3A_116] : memref<3x8xf32, #tpu.memory_space<vmem>>, vector<1x8xf32>
    %add3A_118 = arith.addf %get3A_117, %broadcast_in_dim3A_97 : vector<1x8xf32>
    %swap3A_119 = arith.constant 2 : index
    %swap3A_120 = arith.constant 0 : index
    %swap3A_121 = vector.load %arg7[%swap3A_119, %swap3A_120] : memref<3x8xf32, #tpu.memory_space<vmem>>, vector<1x8xf32>
    tpu.vector_store %arg7[%swap3A_119, %swap3A_120], %add3A_118 {strides = array<i32>} : memref<3x8xf32, #tpu.memory_space<vmem>>, vector<1x8xf32>,
    %eq3A_122 = arith.constant 7 : i32
    %eq3A_123 = arith.cmpi eq, %arg0, %eq3A_122 : i32
    %convert_element_type3A_124 = arith.extui %eq3A_123 : i1 to i32
    %cond3A_125 = arith.constant 0 : i32
    %cond3A_126 = arith.cmpi ne, %convert_element_type3A_124, %cond3A_125 : i32
    scf.if %cond3A_126 {
      %get3A_127 = arith.constant 0 : index
      %get3A_128 = arith.constant 0 : index
      %get3A_129 = vector.load %arg7[%get3A_127, %get3A_128] : memref<3x8xf32, #tpu.memory_space<vmem>>, vector<1x8xf32>
      %div3A_130 = arith.constant 4.096000e+03 : f32
      %div3A_131 = vector.broadcast %div3A_130 : f32 to vector<1x8xf32>
      %div3A_132 = arith.divf %get3A_129, %div3A_131 : vector<1x8xf32>
      %get3A_133 = arith.constant 1 : index
      %get3A_134 = arith.constant 0 : index
      %get3A_135 = vector.load %arg7[%get3A_133, %get3A_134] : memref<3x8xf32, #tpu.memory_space<vmem>>, vector<1x8xf32>
      %div3A_136 = arith.constant 4.096000e+03 : f32
      %div3A_137 = vector.broadcast %div3A_136 : f32 to vector<1x8xf32>
      %div3A_138 = arith.divf %get3A_135, %div3A_137 : vector<1x8xf32>
      %mul3A = arith.mulf %div3A_132, %div3A_138 : vector<1x8xf32>
      %reduce_sum3A_139 = arith.constant dense<0.000000e+00> : vector<1xf32>
      %reduce_sum3A_140 = vector.multi_reduction <add>, %mul3A, %reduce_sum3A_139 [1] : vector<1x8xf32> to vector<1xf32>
      %broadcast_in_dim3A_141 = vector.shape_cast %reduce_sum3A_140 : vector<1xf32> to vector<1x1xf32>
      %mul3A_142 = arith.constant 8.000000e-02 : f32
      %mul3A_143 = vector.broadcast %mul3A_142 : f32 to vector<1x1xf32>
      %mul3A_144 = arith.mulf %mul3A_143, %broadcast_in_dim3A_141 : vector<1x1xf32>
      %swap3A_145 = arith.constant 0 : index
      %swap3A_146 = arith.constant 0 : index
      %swap3A_147 = vector.load %arg6[%swap3A_145, %swap3A_146] : memref<1x1xf32, #tpu.memory_space<vmem>>, vector<1x1xf32>
      tpu.vector_store %arg6[%swap3A_145, %swap3A_146], %mul3A_144 {strides = array<i32>} : memref<1x1xf32, #tpu.memory_space<vmem>>, vector<1x1xf32>,
      %get3A_148 = arith.constant 2 : index
      %get3A_149 = arith.constant 0 : index
      %get3A_150 = vector.load %arg7[%get3A_148, %get3A_149] : memref<3x8xf32, #tpu.memory_space<vmem>>, vector<1x8xf32>
      %swap3A_151 = arith.constant 0 : index
      %swap3A_152 = arith.constant 0 : index
      %swap3A_153 = vector.load %arg5[%swap3A_151, %swap3A_152] : memref<1x8xf32, #tpu.memory_space<vmem>>, vector<1x8xf32>
      tpu.vector_store %arg5[%swap3A_151, %swap3A_152], %get3A_150 {strides = array<i32>} : memref<1x8xf32, #tpu.memory_space<vmem>>, vector<1x8xf32>,
    } else {
    }
    return
  }
  func.func @transform_0(%arg0: i32) -> (i32, i32) {
    %c0_i32 = arith.constant 0 : i32
    %c0_i32_0 = arith.constant 0 : i32
    return %arg0, %c0_i32 : i32, i32
  }
  func.func @transform_1(%arg0: i32) -> (i32, i32) {
    %c0_i32 = arith.constant 0 : i32
    %c0_i32_0 = arith.constant 0 : i32
    %c0_i32_1 = arith.constant 0 : i32
    return %c0_i32, %c0_i32_0 : i32, i32
  }
  func.func @transform_2(%arg0: i32) -> (i32, i32) {
    %c0_i32 = arith.constant 0 : i32
    %c0_i32_0 = arith.constant 0 : i32
    return %arg0, %c0_i32 : i32, i32
  }
  func.func @transform_3(%arg0: i32) -> (i32, i32) {
    %c0_i32 = arith.constant 0 : i32
    %c0_i32_0 = arith.constant 0 : i32
    return %arg0, %c0_i32 : i32, i32
  }
  func.func @transform_4(%arg0: i32) -> (i32, i32) {
    %c0_i32 = arith.constant 0 : i32
    %c0_i32_0 = arith.constant 0 : i32
    %c0_i32_1 = arith.constant 0 : i32
    return %c0_i32, %c0_i32_0 : i32, i32
  }
  func.func @transform_5(%arg0: i32) -> (i32, i32) {
    %c0_i32 = arith.constant 0 : i32
    %c0_i32_0 = arith.constant 0 : i32
    %c0_i32_1 = arith.constant 0 : i32
    return %c0_i32, %c0_i32_0 : i32, i32
  }
}

module attributes {stable_mosaic.version = 14 : i64} {
  func.func @_pos_body(%arg0: i32, %arg1: memref<1024x1xi32, #tpu.memory_space<vmem>>, %arg2: memref<1x8xf32, #tpu.memory_space<vmem>>, %arg3: memref<1024x1xi32, #tpu.memory_space<vmem>>, %arg4: memref<32x1xi32, #tpu.memory_space<vmem>>, %arg5: memref<1x8xf32, #tpu.memory_space<vmem>>) attributes {dimension_semantics = [#tpu.dimension_semantics<arbitrary>], iteration_bounds = array<i64: 12>, scalar_prefetch = 0 : i64, scratch_operands = 1 : i64, tpu.core_type = #tpu.core_type<tc>, window_params = [{transform_indices = @transform_0, window_bounds = array<i64: 1024, 1>}, {pipeline_mode = #tpu.pipeline_mode<synchronous>, transform_indices = @transform_1, window_bounds = array<i64: 1, 8>}, {transform_indices = @transform_2, window_bounds = array<i64: 1024, 1>}, {pipeline_mode = #tpu.pipeline_mode<synchronous>, transform_indices = @transform_3, window_bounds = array<i64: 32, 1>}]} {
    %get3A = arith.constant 0 : index
    %get3A_0 = arith.constant 0 : index
    %get3A_1 = vector.load %arg2[%get3A, %get3A_0] : memref<1x8xf32, #tpu.memory_space<vmem>>, vector<1x8xf32>
    %div3A = arith.constant 5.120000e+02 : f32
    %div3A_2 = vector.broadcast %div3A : f32 to vector<1x8xf32>
    %div3A_3 = arith.divf %get3A_1, %div3A_2 : vector<1x8xf32>
    %ceil3A = math.ceil %div3A_3 : vector<1x8xf32>
    %mul3A = arith.constant 5.120000e+02 : f32
    %mul3A_4 = vector.broadcast %mul3A : f32 to vector<1x8xf32>
    %mul3A_5 = arith.mulf %ceil3A, %mul3A_4 : vector<1x8xf32>
    %iota3A = tpu.iota {dimensions = array<i32: 0>} : vector<8x8xi32>
    %iota3A_6 = tpu.iota {dimensions = array<i32: 1>} : vector<8x8xi32>
    %lt3A = arith.cmpi slt, %iota3A, %iota3A_6 : vector<8x8xi32>
    %jit3A = arith.constant 1.000000e+00 : f32
    %jit3A_7 = arith.constant 0.000000e+00 : f32
    %broadcast_in_dim3A = vector.broadcast %jit3A : f32 to vector<8x8xf32>
    %broadcast_in_dim3A_8 = vector.broadcast %jit3A_7 : f32 to vector<8x8xf32>
    %select_n3A = arith.select %lt3A, %broadcast_in_dim3A, %broadcast_in_dim3A_8 : vector<8x8xi1>, vector<8x8xf32>
    %dot_general3A = arith.constant dense<0.000000e+00> : vector<1x8xf32>
    %dot_general3A_9 = tpu.matmul %mul3A_5, %select_n3A, %dot_general3A {dimension_numbers = #tpu.dot_dimension_numbers<[1], [0], [0], [1], [0, 0, 1, 1], [], []>, transpose_lhs_hint = false} : vector<1x8xf32>, vector<8x8xf32>, vector<1x8xf32> -> vector<1x8xf32>
    %get3A_10 = arith.constant 0 : index
    %get3A_11 = arith.constant 0 : index
    %get3A_12 = vector.load %arg1[%get3A_10, %get3A_11] : memref<1024x1xi32, #tpu.memory_space<vmem>>, vector<1024x1xi32>
    %iota3A_13 = tpu.iota {dimensions = array<i32: 1>} : vector<1024x8xi32>
    %eq3A = vector.broadcast %get3A_12 : vector<1024x1xi32> to vector<1024x8xi32>
    %eq3A_14 = arith.cmpi eq, %eq3A, %iota3A_13 : vector<1024x8xi32>
    %jit3A_15 = arith.constant 1.000000e+00 : f32
    %jit3A_16 = arith.constant 0.000000e+00 : f32
    %broadcast_in_dim3A_17 = vector.broadcast %jit3A_15 : f32 to vector<1024x8xf32>
    %broadcast_in_dim3A_18 = vector.broadcast %jit3A_16 : f32 to vector<1024x8xf32>
    %select_n3A_19 = arith.select %eq3A_14, %broadcast_in_dim3A_17, %broadcast_in_dim3A_18 : vector<1024x8xi1>, vector<1024x8xf32>
    %iota3A_20 = tpu.iota {dimensions = array<i32: 0>} : vector<1024x1024xi32>
    %iota3A_21 = tpu.iota {dimensions = array<i32: 1>} : vector<1024x1024xi32>
    %gt3A = arith.cmpi sgt, %iota3A_20, %iota3A_21 : vector<1024x1024xi32>
    %jit3A_22 = arith.constant 1.000000e+00 : f32
    %jit3A_23 = arith.constant 0.000000e+00 : f32
    %broadcast_in_dim3A_24 = vector.broadcast %jit3A_22 : f32 to vector<1024x1024xf32>
    %broadcast_in_dim3A_25 = vector.broadcast %jit3A_23 : f32 to vector<1024x1024xf32>
    %select_n3A_26 = arith.select %gt3A, %broadcast_in_dim3A_24, %broadcast_in_dim3A_25 : vector<1024x1024xi1>, vector<1024x1024xf32>
    %dot_general3A_27 = arith.constant dense<0.000000e+00> : vector<1024x8xf32>
    %dot_general3A_28 = tpu.matmul %select_n3A_26, %select_n3A_19, %dot_general3A_27 {dimension_numbers = #tpu.dot_dimension_numbers<[1], [0], [0], [1], [0, 0, 1, 1], [], []>, transpose_lhs_hint = false} : vector<1024x1024xf32>, vector<1024x8xf32>, vector<1024x8xf32> -> vector<1024x8xf32>
    %eq3A_29 = arith.constant 0 : i32
    %eq3A_30 = arith.cmpi eq, %arg0, %eq3A_29 : i32
    %convert_element_type3A = arith.extui %eq3A_30 : i1 to i32
    %cond3A = arith.constant 0 : i32
    %cond3A_31 = arith.cmpi ne, %convert_element_type3A, %cond3A : i32
    scf.if %cond3A_31 {
      %broadcast_in_dim3A_54 = arith.constant 0.000000e+00 : f32
      %broadcast_in_dim3A_55 = vector.broadcast %broadcast_in_dim3A_54 : f32 to vector<1x8xf32>
      %swap3A_56 = arith.constant 0 : index
      %swap3A_57 = arith.constant 0 : index
      %swap3A_58 = vector.load %arg5[%swap3A_56, %swap3A_57] : memref<1x8xf32, #tpu.memory_space<vmem>>, vector<1x8xf32>
      tpu.vector_store %arg5[%swap3A_56, %swap3A_57], %broadcast_in_dim3A_55 {strides = array<i32>} : memref<1x8xf32, #tpu.memory_space<vmem>>, vector<1x8xf32>,
      %iota3A_59 = tpu.iota {dimensions = array<i32: 0>} : vector<32x1xi32>
      %convert_element_type3A_60 = arith.sitofp %iota3A_59 : vector<32x1xi32> to vector<32x1xf32>
      %mul3A_61 = arith.constant 5.120000e+02 : f32
      %mul3A_62 = vector.broadcast %mul3A_61 : f32 to vector<32x1xf32>
      %mul3A_63 = arith.mulf %convert_element_type3A_60, %mul3A_62 : vector<32x1xf32>
      %ge3A = vector.broadcast %mul3A_63 : vector<32x1xf32> to vector<32x8xf32>
      %ge3A_64 = vector.broadcast %dot_general3A_9 : vector<1x8xf32> to vector<32x8xf32>
      %ge3A_65 = arith.cmpf oge, %ge3A, %ge3A_64 : vector<32x8xf32>
      %jit3A_66 = arith.constant 1.000000e+00 : f32
      %jit3A_67 = arith.constant 0.000000e+00 : f32
      %broadcast_in_dim3A_68 = vector.broadcast %jit3A_66 : f32 to vector<32x8xf32>
      %broadcast_in_dim3A_69 = vector.broadcast %jit3A_67 : f32 to vector<32x8xf32>
      %select_n3A_70 = arith.select %ge3A_65, %broadcast_in_dim3A_68, %broadcast_in_dim3A_69 : vector<32x8xi1>, vector<32x8xf32>
      %reduce_sum3A_71 = arith.constant dense<0.000000e+00> : vector<32xf32>
      %reduce_sum3A_72 = vector.multi_reduction <add>, %select_n3A_70, %reduce_sum3A_71 [1] : vector<32x8xf32> to vector<32xf32>
      %broadcast_in_dim3A_73 = vector.shape_cast %reduce_sum3A_72 : vector<32xf32> to vector<32x1xf32>
      %sub3A = arith.constant 1.000000e+00 : f32
      %sub3A_74 = vector.broadcast %sub3A : f32 to vector<32x1xf32>
      %sub3A_75 = arith.subf %broadcast_in_dim3A_73, %sub3A_74 : vector<32x1xf32>
      %convert_element_type3A_76 = arith.fptosi %sub3A_75 : vector<32x1xf32> to vector<32x1xi32>
      %swap3A_77 = arith.constant 0 : index
      %swap3A_78 = arith.constant 0 : index
      %swap3A_79 = vector.load %arg4[%swap3A_77, %swap3A_78] : memref<32x1xi32, #tpu.memory_space<vmem>>, vector<32x1xi32>
      tpu.vector_store %arg4[%swap3A_77, %swap3A_78], %convert_element_type3A_76 {strides = array<i32>} : memref<32x1xi32, #tpu.memory_space<vmem>>, vector<32x1xi32>,
    } else {
    }
    %get3A_32 = arith.constant 0 : index
    %get3A_33 = arith.constant 0 : index
    %get3A_34 = vector.load %arg5[%get3A_32, %get3A_33] : memref<1x8xf32, #tpu.memory_space<vmem>>, vector<1x8xf32>
    %add3A = vector.broadcast %get3A_34 : vector<1x8xf32> to vector<1024x8xf32>
    %add3A_35 = arith.addf %dot_general3A_28, %add3A : vector<1024x8xf32>
    %add3A_36 = vector.broadcast %dot_general3A_9 : vector<1x8xf32> to vector<1024x8xf32>
    %add3A_37 = arith.addf %add3A_36, %add3A_35 : vector<1024x8xf32>
    %mul3A_38 = arith.mulf %select_n3A_19, %add3A_37 : vector<1024x8xf32>
    %reduce_sum3A = arith.constant dense<0.000000e+00> : vector<1024xf32>
    %reduce_sum3A_39 = vector.multi_reduction <add>, %mul3A_38, %reduce_sum3A [1] : vector<1024x8xf32> to vector<1024xf32>
    %broadcast_in_dim3A_40 = vector.shape_cast %reduce_sum3A_39 : vector<1024xf32> to vector<1024x1xf32>
    %convert_element_type3A_41 = arith.fptosi %broadcast_in_dim3A_40 : vector<1024x1xf32> to vector<1024x1xi32>
    %swap3A = arith.constant 0 : index
    %swap3A_42 = arith.constant 0 : index
    %swap3A_43 = vector.load %arg3[%swap3A, %swap3A_42] : memref<1024x1xi32, #tpu.memory_space<vmem>>, vector<1024x1xi32>
    tpu.vector_store %arg3[%swap3A, %swap3A_42], %convert_element_type3A_41 {strides = array<i32>} : memref<1024x1xi32, #tpu.memory_space<vmem>>, vector<1024x1xi32>,
    %get3A_44 = arith.constant 0 : index
    %get3A_45 = arith.constant 0 : index
    %get3A_46 = vector.load %arg5[%get3A_44, %get3A_45] : memref<1x8xf32, #tpu.memory_space<vmem>>, vector<1x8xf32>
    %reduce_sum3A_47 = arith.constant dense<0.000000e+00> : vector<8xf32>
    %reduce_sum3A_48 = vector.multi_reduction <add>, %select_n3A_19, %reduce_sum3A_47 [0] : vector<1024x8xf32> to vector<8xf32>
    %broadcast_in_dim3A_49 = vector.shape_cast %reduce_sum3A_48 : vector<8xf32> to vector<1x8xf32>
    %add3A_50 = arith.addf %get3A_46, %broadcast_in_dim3A_49 : vector<1x8xf32>
    %swap3A_51 = arith.constant 0 : index
    %swap3A_52 = arith.constant 0 : index
    %swap3A_53 = vector.load %arg5[%swap3A_51, %swap3A_52] : memref<1x8xf32, #tpu.memory_space<vmem>>, vector<1x8xf32>
    tpu.vector_store %arg5[%swap3A_51, %swap3A_52], %add3A_50 {strides = array<i32>} : memref<1x8xf32, #tpu.memory_space<vmem>>, vector<1x8xf32>,
    return
  }
  func.func @transform_0(%arg0: i32) -> (i32, i32) {
    %c0_i32 = arith.constant 0 : i32
    %c0_i32_0 = arith.constant 0 : i32
    return %arg0, %c0_i32 : i32, i32
  }
  func.func @transform_1(%arg0: i32) -> (i32, i32) {
    %c0_i32 = arith.constant 0 : i32
    %c0_i32_0 = arith.constant 0 : i32
    %c0_i32_1 = arith.constant 0 : i32
    return %c0_i32, %c0_i32_0 : i32, i32
  }
  func.func @transform_2(%arg0: i32) -> (i32, i32) {
    %c0_i32 = arith.constant 0 : i32
    %c0_i32_0 = arith.constant 0 : i32
    return %arg0, %c0_i32 : i32, i32
  }
  func.func @transform_3(%arg0: i32) -> (i32, i32) {
    %c0_i32 = arith.constant 0 : i32
    %c0_i32_0 = arith.constant 0 : i32
    %c0_i32_1 = arith.constant 0 : i32
    return %c0_i32, %c0_i32_0 : i32, i32
  }
}

module attributes {stable_mosaic.version = 14 : i64} {
  func.func @_gffn_body(%arg0: i32, %arg1: i32, %arg2: memref<32xi32, #tpu.memory_space<smem>>, %arg3: memref<512x512xi32, #tpu.memory_space<vmem>>, %arg4: memref<512x1xf32, #tpu.memory_space<vmem>>, %arg5: memref<1x1024x1024xf32, #tpu.memory_space<vmem>>, %arg6: memref<1x1x1024xf32, #tpu.memory_space<vmem>>, %arg7: memref<1x1024x1024xf32, #tpu.memory_space<vmem>>, %arg8: memref<1x1x1024xf32, #tpu.memory_space<vmem>>, %arg9: memref<512x512xi32, #tpu.memory_space<vmem>>, %arg10: memref<512x1024xf32, #tpu.memory_space<vmem>>) attributes {dimension_semantics = [#tpu.dimension_semantics<arbitrary>, #tpu.dimension_semantics<arbitrary>], iteration_bounds = array<i64: 32, 4>, scalar_prefetch = 1 : i64, scratch_operands = 1 : i64, tpu.core_type = #tpu.core_type<tc>, window_params = [{transform_indices = @transform_0, window_bounds = array<i64: 512, 512>}, {transform_indices = @transform_1, window_bounds = array<i64: 512, 1>}, {transform_indices = @transform_2, window_bounds = array<i64: 1, 1024, 1024>}, {transform_indices = @transform_3, window_bounds = array<i64: 1, 1, 1024>}, {transform_indices = @transform_4, window_bounds = array<i64: 1, 1024, 1024>}, {transform_indices = @transform_5, window_bounds = array<i64: 1, 1, 1024>}, {transform_indices = @transform_6, window_bounds = array<i64: 512, 512>}]} {
    %get3A = arith.constant 0 : index
    %get3A_0 = arith.constant 0 : index
    %get3A_1 = vector.load %arg3[%get3A, %get3A_0] : memref<512x512xi32, #tpu.memory_space<vmem>>, vector<512x512xi32>
    %bitcast_convert_type3A = tpu.bitcast %get3A_1 : vector<512x512xi32> -> vector<512x512xi32>
    %and3A = arith.constant 65535 : i32
    %and3A_2 = vector.broadcast %and3A : i32 to vector<512x512xi32>
    %and3A_3 = arith.andi %bitcast_convert_type3A, %and3A_2 : vector<512x512xi32>
    %convert_element_type3A = arith.trunci %and3A_3 : vector<512x512xi32> to vector<512x512xi16>
    %bitcast_convert_type3A_4 = tpu.bitcast %convert_element_type3A : vector<512x512xi16> -> vector<512x512xbf16>
    %shift_right_logical3A = arith.constant 16 : i32
    %shift_right_logical3A_5 = vector.broadcast %shift_right_logical3A : i32 to vector<512x512xi32>
    %shift_right_logical3A_6 = arith.shrui %bitcast_convert_type3A, %shift_right_logical3A_5 : vector<512x512xi32>
    %convert_element_type3A_7 = arith.trunci %shift_right_logical3A_6 : vector<512x512xi32> to vector<512x512xi16>
    %bitcast_convert_type3A_8 = tpu.bitcast %convert_element_type3A_7 : vector<512x512xi16> -> vector<512x512xbf16>
    %concatenate3A = tpu.concatenate %bitcast_convert_type3A_4, %bitcast_convert_type3A_8 in 1 : vector<512x512xbf16>, vector<512x512xbf16> -> vector<512x1024xbf16>
    %get3A_9 = arith.constant 0 : index
    %get3A_10 = arith.constant 0 : index
    %get3A_11 = arith.constant 0 : index
    %get3A_12 = vector.load %arg5[%get3A_9, %get3A_10, %get3A_11] : memref<1x1024x1024xf32, #tpu.memory_space<vmem>>, vector<1x1024x1024xf32>
    %get3A_13 = vector.shape_cast %get3A_12 : vector<1x1024x1024xf32> to vector<1024x1024xf32>
    %convert_element_type3A_14 = arith.truncf %get3A_13 : vector<1024x1024xf32> to vector<1024x1024xbf16>
    %dot_general3A = arith.constant dense<0.000000e+00> : vector<512x1024xf32>
    %dot_general3A_15 = tpu.matmul %concatenate3A, %convert_element_type3A_14, %dot_general3A {dimension_numbers = #tpu.dot_dimension_numbers<[1], [0], [0], [1], [0, 0, 1, 1], [], []>, transpose_lhs_hint = false} : vector<512x1024xbf16>, vector<1024x1024xbf16>, vector<512x1024xf32> -> vector<512x1024xf32>
    %get3A_16 = arith.constant 0 : index
    %get3A_17 = arith.constant 0 : index
    %get3A_18 = arith.constant 0 : index
    %get3A_19 = vector.load %arg6[%get3A_16, %get3A_17, %get3A_18] : memref<1x1x1024xf32, #tpu.memory_space<vmem>>, vector<1x1x1024xf32>
    %get3A_20 = vector.shape_cast %get3A_19 : vector<1x1x1024xf32> to vector<1x1024xf32>
    %add3A = vector.broadcast %get3A_20 : vector<1x1024xf32> to vector<512x1024xf32>
    %add3A_21 = arith.addf %dot_general3A_15, %add3A : vector<512x1024xf32>
    %mul3A = arith.constant 5.000000e-01 : f32
    %mul3A_22 = vector.broadcast %mul3A : f32 to vector<512x1024xf32>
    %mul3A_23 = arith.mulf %mul3A_22, %add3A_21 : vector<512x1024xf32>
    %mul3A_24 = arith.constant 0.707106769 : f32
    %mul3A_25 = vector.broadcast %mul3A_24 : f32 to vector<512x1024xf32>
    %mul3A_26 = arith.mulf %add3A_21, %mul3A_25 : vector<512x1024xf32>
    %erf3A = math.erf %mul3A_26 : vector<512x1024xf32>
    %add3A_27 = arith.constant 1.000000e+00 : f32
    %add3A_28 = vector.broadcast %add3A_27 : f32 to vector<512x1024xf32>
    %add3A_29 = arith.addf %add3A_28, %erf3A : vector<512x1024xf32>
    %mul3A_30 = arith.mulf %mul3A_23, %add3A_29 : vector<512x1024xf32>
    %convert_element_type3A_31 = arith.truncf %mul3A_30 : vector<512x1024xf32> to vector<512x1024xbf16>
    %get3A_32 = arith.constant 0 : index
    %get3A_33 = arith.constant 0 : index
    %get3A_34 = arith.constant 0 : index
    %get3A_35 = vector.load %arg7[%get3A_32, %get3A_33, %get3A_34] : memref<1x1024x1024xf32, #tpu.memory_space<vmem>>, vector<1x1024x1024xf32>
    %get3A_36 = vector.shape_cast %get3A_35 : vector<1x1024x1024xf32> to vector<1024x1024xf32>
    %convert_element_type3A_37 = arith.truncf %get3A_36 : vector<1024x1024xf32> to vector<1024x1024xbf16>
    %dot_general3A_38 = arith.constant dense<0.000000e+00> : vector<512x1024xf32>
    %dot_general3A_39 = tpu.matmul %convert_element_type3A_31, %convert_element_type3A_37, %dot_general3A_38 {dimension_numbers = #tpu.dot_dimension_numbers<[1], [0], [0], [1], [0, 0, 1, 1], [], []>, transpose_lhs_hint = false} : vector<512x1024xbf16>, vector<1024x1024xbf16>, vector<512x1024xf32> -> vector<512x1024xf32>
    %get3A_40 = arith.constant 0 : index
    %get3A_41 = arith.constant 0 : index
    %get3A_42 = arith.constant 0 : index
    %get3A_43 = vector.load %arg8[%get3A_40, %get3A_41, %get3A_42] : memref<1x1x1024xf32, #tpu.memory_space<vmem>>, vector<1x1x1024xf32>
    %get3A_44 = vector.shape_cast %get3A_43 : vector<1x1x1024xf32> to vector<1x1024xf32>
    %eq3A = arith.constant 0 : i32
    %eq3A_45 = arith.cmpi eq, %arg1, %eq3A : i32
    %convert_element_type3A_46 = arith.extui %eq3A_45 : i1 to i32
    %convert_element_type3A_47 = arith.sitofp %convert_element_type3A_46 : i32 to f32
    %mul3A_48 = vector.broadcast %convert_element_type3A_47 : f32 to vector<1x1024xf32>
    %mul3A_49 = arith.mulf %get3A_44, %mul3A_48 : vector<1x1024xf32>
    %add3A_50 = vector.broadcast %mul3A_49 : vector<1x1024xf32> to vector<512x1024xf32>
    %add3A_51 = arith.addf %dot_general3A_39, %add3A_50 : vector<512x1024xf32>
    %eq3A_52 = arith.constant 0 : i32
    %eq3A_53 = arith.cmpi eq, %arg1, %eq3A_52 : i32
    %get3A_54 = arith.constant 0 : index
    %get3A_55 = arith.constant 0 : index
    %get3A_56 = vector.load %arg10[%get3A_54, %get3A_55] : memref<512x1024xf32, #tpu.memory_space<vmem>>, vector<512x1024xf32>
    %add3A_57 = arith.addf %get3A_56, %add3A_51 : vector<512x1024xf32>
    %select_n3A = arith.select %eq3A_53, %add3A_51, %add3A_57 : vector<512x1024xf32>
    %ne3A = arith.constant 3 : i32
    %ne3A_58 = arith.cmpi ne, %arg1, %ne3A : i32
    %convert_element_type3A_59 = arith.extui %ne3A_58 : i1 to i32
    %cond3A = arith.constant 0 : i32
    %cond3A_60 = arith.cmpi ne, %convert_element_type3A_59, %cond3A : i32
    scf.if %cond3A_60 {
      %swap3A = arith.constant 0 : index
      %swap3A_66 = arith.constant 0 : index
      %swap3A_67 = vector.load %arg10[%swap3A, %swap3A_66] : memref<512x1024xf32, #tpu.memory_space<vmem>>, vector<512x1024xf32>
      tpu.vector_store %arg10[%swap3A, %swap3A_66], %select_n3A {strides = array<i32>} : memref<512x1024xf32, #tpu.memory_space<vmem>>, vector<512x1024xf32>,
    } else {
    }
    %eq3A_61 = arith.constant 3 : i32
    %eq3A_62 = arith.cmpi eq, %arg1, %eq3A_61 : i32
    %convert_element_type3A_63 = arith.extui %eq3A_62 : i1 to i32
    %cond3A_64 = arith.constant 0 : i32
    %cond3A_65 = arith.cmpi ne, %convert_element_type3A_63, %cond3A_64 : i32
    scf.if %cond3A_65 {
      %get3A_66 = arith.constant 0 : index
      %get3A_67 = arith.constant 0 : index
      %get3A_68 = vector.load %arg4[%get3A_66, %get3A_67] : memref<512x1xf32, #tpu.memory_space<vmem>>, vector<512x1xf32>
      %mul3A_69 = vector.broadcast %get3A_68 : vector<512x1xf32> to vector<512x1024xf32>
      %mul3A_70 = arith.mulf %select_n3A, %mul3A_69 : vector<512x1024xf32>
      %slice3A = vector.extract_strided_slice %mul3A_70 {offsets = [0, 0], sizes = [512, 512], strides = [1, 1]} : vector<512x1024xf32> to vector<512x512xf32>
      %convert_element_type3A_71 = arith.truncf %slice3A : vector<512x512xf32> to vector<512x512xbf16>
      %bitcast_convert_type3A_72 = tpu.bitcast %convert_element_type3A_71 : vector<512x512xbf16> -> vector<512x512xi16>
      %convert_element_type3A_73 = arith.extui %bitcast_convert_type3A_72 : vector<512x512xi16> to vector<512x512xi32>
      %slice3A_74 = vector.extract_strided_slice %mul3A_70 {offsets = [0, 512], sizes = [512, 512], strides = [1, 1]} : vector<512x1024xf32> to vector<512x512xf32>
      %convert_element_type3A_75 = arith.truncf %slice3A_74 : vector<512x512xf32> to vector<512x512xbf16>
      %bitcast_convert_type3A_76 = tpu.bitcast %convert_element_type3A_75 : vector<512x512xbf16> -> vector<512x512xi16>
      %convert_element_type3A_77 = arith.extui %bitcast_convert_type3A_76 : vector<512x512xi16> to vector<512x512xi32>
      %shift_left3A = arith.constant 16 : i32
      %shift_left3A_78 = vector.broadcast %shift_left3A : i32 to vector<512x512xi32>
      %shift_left3A_79 = arith.shli %convert_element_type3A_77, %shift_left3A_78 : vector<512x512xi32>
      %or3A = arith.ori %convert_element_type3A_73, %shift_left3A_79 : vector<512x512xi32>
      %bitcast_convert_type3A_80 = tpu.bitcast %or3A : vector<512x512xi32> -> vector<512x512xi32>
      %swap3A = arith.constant 0 : index
      %swap3A_81 = arith.constant 0 : index
      %swap3A_82 = vector.load %arg9[%swap3A, %swap3A_81] : memref<512x512xi32, #tpu.memory_space<vmem>>, vector<512x512xi32>
      tpu.vector_store %arg9[%swap3A, %swap3A_81], %bitcast_convert_type3A_80 {strides = array<i32>} : memref<512x512xi32, #tpu.memory_space<vmem>>, vector<512x512xi32>,
    } else {
    }
    return
  }
  func.func @transform_0(%arg0: i32, %arg1: i32, %arg2: memref<32xi32, #tpu.memory_space<smem>>) -> (i32, i32) {
    %c0_i32 = arith.constant 0 : i32
    %c0_i32_0 = arith.constant 0 : i32
    return %arg0, %c0_i32 : i32, i32
  }
  func.func @transform_1(%arg0: i32, %arg1: i32, %arg2: memref<32xi32, #tpu.memory_space<smem>>) -> (i32, i32) {
    %c0_i32 = arith.constant 0 : i32
    %c0_i32_0 = arith.constant 0 : i32
    return %arg0, %c0_i32 : i32, i32
  }
  func.func @transform_2(%arg0: i32, %arg1: i32, %arg2: memref<32xi32, #tpu.memory_space<smem>>) -> (i32, i32, i32) {
    %get3A = arith.index_cast %arg0 : i32 to index
    %get3A_0 = memref.load %arg2[%get3A] : memref<32xi32, #tpu.memory_space<smem>>
    %c0_i32 = arith.constant 0 : i32
    %c0_i32_1 = arith.constant 0 : i32
    return %get3A_0, %c0_i32, %arg1 : i32, i32, i32
  }
  func.func @transform_3(%arg0: i32, %arg1: i32, %arg2: memref<32xi32, #tpu.memory_space<smem>>) -> (i32, i32, i32) {
    %get3A = arith.index_cast %arg0 : i32 to index
    %get3A_0 = memref.load %arg2[%get3A] : memref<32xi32, #tpu.memory_space<smem>>
    %c0_i32 = arith.constant 0 : i32
    %c0_i32_1 = arith.constant 0 : i32
    return %get3A_0, %c0_i32, %arg1 : i32, i32, i32
  }
  func.func @transform_4(%arg0: i32, %arg1: i32, %arg2: memref<32xi32, #tpu.memory_space<smem>>) -> (i32, i32, i32) {
    %get3A = arith.index_cast %arg0 : i32 to index
    %get3A_0 = memref.load %arg2[%get3A] : memref<32xi32, #tpu.memory_space<smem>>
    %c0_i32 = arith.constant 0 : i32
    %c0_i32_1 = arith.constant 0 : i32
    return %get3A_0, %arg1, %c0_i32 : i32, i32, i32
  }
  func.func @transform_5(%arg0: i32, %arg1: i32, %arg2: memref<32xi32, #tpu.memory_space<smem>>) -> (i32, i32, i32) {
    %get3A = arith.index_cast %arg0 : i32 to index
    %get3A_0 = memref.load %arg2[%get3A] : memref<32xi32, #tpu.memory_space<smem>>
    %c0_i32 = arith.constant 0 : i32
    %c0_i32_1 = arith.constant 0 : i32
    %c0_i32_2 = arith.constant 0 : i32
    return %get3A_0, %c0_i32, %c0_i32_1 : i32, i32, i32
  }
  func.func @transform_6(%arg0: i32, %arg1: i32, %arg2: memref<32xi32, #tpu.memory_space<smem>>) -> (i32, i32) {
    %c0_i32 = arith.constant 0 : i32
    %c0_i32_0 = arith.constant 0 : i32
    return %arg0, %c0_i32 : i32, i32
  }
}

module attributes {stable_mosaic.version = 14 : i64} {
  func.func @_fin_body(%arg0: i32, %arg1: memref<512x1024xf32, #tpu.memory_space<vmem>>, %arg2: memref<3x512x512xi32, #tpu.memory_space<vmem>>, %arg3: memref<1x1024xf32, #tpu.memory_space<vmem>>, %arg4: memref<1x1024xf32, #tpu.memory_space<vmem>>, %arg5: memref<512x1024xf32, #tpu.memory_space<vmem>>) attributes {dimension_semantics = [#tpu.dimension_semantics<arbitrary>], iteration_bounds = array<i64: 8>, scalar_prefetch = 0 : i64, scratch_operands = 0 : i64, tpu.core_type = #tpu.core_type<tc>, window_params = [{transform_indices = @transform_0, window_bounds = array<i64: 512, 1024>}, {transform_indices = @transform_1, window_bounds = array<i64: 3, 512, 512>}, {pipeline_mode = #tpu.pipeline_mode<synchronous>, transform_indices = @transform_2, window_bounds = array<i64: 1, 1024>}, {pipeline_mode = #tpu.pipeline_mode<synchronous>, transform_indices = @transform_3, window_bounds = array<i64: 1, 1024>}, {transform_indices = @transform_4, window_bounds = array<i64: 512, 1024>}]} {
    %get3A = arith.constant 0 : index
    %get3A_0 = arith.constant 0 : index
    %get3A_1 = arith.constant 0 : index
    %get3A_2 = vector.load %arg2[%get3A, %get3A_0, %get3A_1] : memref<3x512x512xi32, #tpu.memory_space<vmem>>, vector<1x512x512xi32>
    %get3A_3 = vector.shape_cast %get3A_2 : vector<1x512x512xi32> to vector<512x512xi32>
    %bitcast_convert_type3A = tpu.bitcast %get3A_3 : vector<512x512xi32> -> vector<512x512xi32>
    %and3A = arith.constant 65535 : i32
    %and3A_4 = vector.broadcast %and3A : i32 to vector<512x512xi32>
    %and3A_5 = arith.andi %bitcast_convert_type3A, %and3A_4 : vector<512x512xi32>
    %convert_element_type3A = arith.trunci %and3A_5 : vector<512x512xi32> to vector<512x512xi16>
    %bitcast_convert_type3A_6 = tpu.bitcast %convert_element_type3A : vector<512x512xi16> -> vector<512x512xbf16>
    %shift_right_logical3A = arith.constant 16 : i32
    %shift_right_logical3A_7 = vector.broadcast %shift_right_logical3A : i32 to vector<512x512xi32>
    %shift_right_logical3A_8 = arith.shrui %bitcast_convert_type3A, %shift_right_logical3A_7 : vector<512x512xi32>
    %convert_element_type3A_9 = arith.trunci %shift_right_logical3A_8 : vector<512x512xi32> to vector<512x512xi16>
    %bitcast_convert_type3A_10 = tpu.bitcast %convert_element_type3A_9 : vector<512x512xi16> -> vector<512x512xbf16>
    %concatenate3A = tpu.concatenate %bitcast_convert_type3A_6, %bitcast_convert_type3A_10 in 1 : vector<512x512xbf16>, vector<512x512xbf16> -> vector<512x1024xbf16>
    %convert_element_type3A_11 = arith.extf %concatenate3A : vector<512x1024xbf16> to vector<512x1024xf32>
    %get3A_12 = arith.constant 1 : index
    %get3A_13 = arith.constant 0 : index
    %get3A_14 = arith.constant 0 : index
    %get3A_15 = vector.load %arg2[%get3A_12, %get3A_13, %get3A_14] : memref<3x512x512xi32, #tpu.memory_space<vmem>>, vector<1x512x512xi32>
    %get3A_16 = vector.shape_cast %get3A_15 : vector<1x512x512xi32> to vector<512x512xi32>
    %bitcast_convert_type3A_17 = tpu.bitcast %get3A_16 : vector<512x512xi32> -> vector<512x512xi32>
    %and3A_18 = arith.constant 65535 : i32
    %and3A_19 = vector.broadcast %and3A_18 : i32 to vector<512x512xi32>
    %and3A_20 = arith.andi %bitcast_convert_type3A_17, %and3A_19 : vector<512x512xi32>
    %convert_element_type3A_21 = arith.trunci %and3A_20 : vector<512x512xi32> to vector<512x512xi16>
    %bitcast_convert_type3A_22 = tpu.bitcast %convert_element_type3A_21 : vector<512x512xi16> -> vector<512x512xbf16>
    %shift_right_logical3A_23 = arith.constant 16 : i32
    %shift_right_logical3A_24 = vector.broadcast %shift_right_logical3A_23 : i32 to vector<512x512xi32>
    %shift_right_logical3A_25 = arith.shrui %bitcast_convert_type3A_17, %shift_right_logical3A_24 : vector<512x512xi32>
    %convert_element_type3A_26 = arith.trunci %shift_right_logical3A_25 : vector<512x512xi32> to vector<512x512xi16>
    %bitcast_convert_type3A_27 = tpu.bitcast %convert_element_type3A_26 : vector<512x512xi16> -> vector<512x512xbf16>
    %concatenate3A_28 = tpu.concatenate %bitcast_convert_type3A_22, %bitcast_convert_type3A_27 in 1 : vector<512x512xbf16>, vector<512x512xbf16> -> vector<512x1024xbf16>
    %convert_element_type3A_29 = arith.extf %concatenate3A_28 : vector<512x1024xbf16> to vector<512x1024xf32>
    %add3A = arith.addf %convert_element_type3A_11, %convert_element_type3A_29 : vector<512x1024xf32>
    %get3A_30 = arith.constant 2 : index
    %get3A_31 = arith.constant 0 : index
    %get3A_32 = arith.constant 0 : index
    %get3A_33 = vector.load %arg2[%get3A_30, %get3A_31, %get3A_32] : memref<3x512x512xi32, #tpu.memory_space<vmem>>, vector<1x512x512xi32>
    %get3A_34 = vector.shape_cast %get3A_33 : vector<1x512x512xi32> to vector<512x512xi32>
    %bitcast_convert_type3A_35 = tpu.bitcast %get3A_34 : vector<512x512xi32> -> vector<512x512xi32>
    %and3A_36 = arith.constant 65535 : i32
    %and3A_37 = vector.broadcast %and3A_36 : i32 to vector<512x512xi32>
    %and3A_38 = arith.andi %bitcast_convert_type3A_35, %and3A_37 : vector<512x512xi32>
    %convert_element_type3A_39 = arith.trunci %and3A_38 : vector<512x512xi32> to vector<512x512xi16>
    %bitcast_convert_type3A_40 = tpu.bitcast %convert_element_type3A_39 : vector<512x512xi16> -> vector<512x512xbf16>
    %shift_right_logical3A_41 = arith.constant 16 : i32
    %shift_right_logical3A_42 = vector.broadcast %shift_right_logical3A_41 : i32 to vector<512x512xi32>
    %shift_right_logical3A_43 = arith.shrui %bitcast_convert_type3A_35, %shift_right_logical3A_42 : vector<512x512xi32>
    %convert_element_type3A_44 = arith.trunci %shift_right_logical3A_43 : vector<512x512xi32> to vector<512x512xi16>
    %bitcast_convert_type3A_45 = tpu.bitcast %convert_element_type3A_44 : vector<512x512xi16> -> vector<512x512xbf16>
    %concatenate3A_46 = tpu.concatenate %bitcast_convert_type3A_40, %bitcast_convert_type3A_45 in 1 : vector<512x512xbf16>, vector<512x512xbf16> -> vector<512x1024xbf16>
    %convert_element_type3A_47 = arith.extf %concatenate3A_46 : vector<512x1024xbf16> to vector<512x1024xf32>
    %add3A_48 = arith.addf %add3A, %convert_element_type3A_47 : vector<512x1024xf32>
    %get3A_49 = arith.constant 0 : index
    %get3A_50 = arith.constant 0 : index
    %get3A_51 = vector.load %arg1[%get3A_49, %get3A_50] : memref<512x1024xf32, #tpu.memory_space<vmem>>, vector<512x1024xf32>
    %add3A_52 = arith.addf %get3A_51, %add3A_48 : vector<512x1024xf32>
    %get3A_53 = arith.constant 0 : index
    %get3A_54 = arith.constant 0 : index
    %get3A_55 = vector.load %arg3[%get3A_53, %get3A_54] : memref<1x1024xf32, #tpu.memory_space<vmem>>, vector<1x1024xf32>
    %get3A_56 = arith.constant 0 : index
    %get3A_57 = arith.constant 0 : index
    %get3A_58 = vector.load %arg4[%get3A_56, %get3A_57] : memref<1x1024xf32, #tpu.memory_space<vmem>>, vector<1x1024xf32>
    %reduce_sum3A = arith.constant dense<0.000000e+00> : vector<512xf32>
    %reduce_sum3A_59 = vector.multi_reduction <add>, %add3A_52, %reduce_sum3A [1] : vector<512x1024xf32> to vector<512xf32>
    %broadcast_in_dim3A = vector.shape_cast %reduce_sum3A_59 : vector<512xf32> to vector<512x1xf32>
    %div3A = arith.constant 1.024000e+03 : f32
    %div3A_60 = vector.broadcast %div3A : f32 to vector<512x1xf32>
    %div3A_61 = arith.divf %broadcast_in_dim3A, %div3A_60 : vector<512x1xf32>
    %jit3A = arith.constant 0 : i32
    %reduce_sum3A_62 = arith.constant dense<0.000000e+00> : vector<512xf32>
    %reduce_sum3A_63 = vector.multi_reduction <add>, %add3A_52, %reduce_sum3A_62 [1] : vector<512x1024xf32> to vector<512xf32>
    %broadcast_in_dim3A_64 = vector.shape_cast %reduce_sum3A_63 : vector<512xf32> to vector<512x1xf32>
    %div3A_65 = arith.constant 1.024000e+03 : f32
    %div3A_66 = vector.broadcast %div3A_65 : f32 to vector<512x1xf32>
    %div3A_67 = arith.divf %broadcast_in_dim3A_64, %div3A_66 : vector<512x1xf32>
    %sub3A = vector.broadcast %div3A_67 : vector<512x1xf32> to vector<512x1024xf32>
    %sub3A_68 = arith.subf %add3A_52, %sub3A : vector<512x1024xf32>
    %square3A = arith.mulf %sub3A_68, %sub3A_68 : vector<512x1024xf32>
    %convert_element_type3A_69 = arith.sitofp %jit3A : i32 to f32
    %sub3A_70 = arith.constant 1.024000e+03 : f32
    %sub3A_71 = arith.subf %sub3A_70, %convert_element_type3A_69 : f32
    %reduce_sum3A_72 = arith.constant dense<0.000000e+00> : vector<512xf32>
    %reduce_sum3A_73 = vector.multi_reduction <add>, %square3A, %reduce_sum3A_72 [1] : vector<512x1024xf32> to vector<512xf32>
    %broadcast_in_dim3A_74 = vector.shape_cast %reduce_sum3A_73 : vector<512xf32> to vector<512x1xf32>
    %div3A_75 = vector.broadcast %sub3A_71 : f32 to vector<512x1xf32>
    %div3A_76 = arith.divf %broadcast_in_dim3A_74, %div3A_75 : vector<512x1xf32>
    %gt3A = arith.constant 0.000000e+00 : f32
    %gt3A_77 = arith.cmpf ogt, %sub3A_71, %gt3A : f32
    %jit3A_78 = arith.constant 0x7FC00000 : f32
    %broadcast_in_dim3A_79 = vector.broadcast %jit3A_78 : f32 to vector<512x1xf32>
    %select_n3A = arith.select %gt3A_77, %div3A_76, %broadcast_in_dim3A_79 : vector<512x1xf32>
    %sub3A_80 = vector.broadcast %div3A_61 : vector<512x1xf32> to vector<512x1024xf32>
    %sub3A_81 = arith.subf %add3A_52, %sub3A_80 : vector<512x1024xf32>
    %add3A_82 = arith.constant 9.99999974E-6 : f32
    %add3A_83 = vector.broadcast %add3A_82 : f32 to vector<512x1xf32>
    %add3A_84 = arith.addf %select_n3A, %add3A_83 : vector<512x1xf32>
    %sqrt3A = math.sqrt %add3A_84 : vector<512x1xf32>
    %div3A_85 = vector.broadcast %sqrt3A : vector<512x1xf32> to vector<512x1024xf32>
    %div3A_86 = arith.divf %sub3A_81, %div3A_85 : vector<512x1024xf32>
    %mul3A = vector.broadcast %get3A_55 : vector<1x1024xf32> to vector<512x1024xf32>
    %mul3A_87 = arith.mulf %div3A_86, %mul3A : vector<512x1024xf32>
    %add3A_88 = vector.broadcast %get3A_58 : vector<1x1024xf32> to vector<512x1024xf32>
    %add3A_89 = arith.addf %mul3A_87, %add3A_88 : vector<512x1024xf32>
    %swap3A = arith.constant 0 : index
    %swap3A_90 = arith.constant 0 : index
    %swap3A_91 = vector.load %arg5[%swap3A, %swap3A_90] : memref<512x1024xf32, #tpu.memory_space<vmem>>, vector<512x1024xf32>
    tpu.vector_store %arg5[%swap3A, %swap3A_90], %add3A_89 {strides = array<i32>} : memref<512x1024xf32, #tpu.memory_space<vmem>>, vector<512x1024xf32>,
    return
  }
  func.func @transform_0(%arg0: i32) -> (i32, i32) {
    %c0_i32 = arith.constant 0 : i32
    %c0_i32_0 = arith.constant 0 : i32
    return %arg0, %c0_i32 : i32, i32
  }
  func.func @transform_1(%arg0: i32) -> (i32, i32, i32) {
    %c0_i32 = arith.constant 0 : i32
    %c0_i32_0 = arith.constant 0 : i32
    %c0_i32_1 = arith.constant 0 : i32
    return %c0_i32, %arg0, %c0_i32_0 : i32, i32, i32
  }
  func.func @transform_2(%arg0: i32) -> (i32, i32) {
    %c0_i32 = arith.constant 0 : i32
    %c0_i32_0 = arith.constant 0 : i32
    %c0_i32_1 = arith.constant 0 : i32
    return %c0_i32, %c0_i32_0 : i32, i32
  }
  func.func @transform_3(%arg0: i32) -> (i32, i32) {
    %c0_i32 = arith.constant 0 : i32
    %c0_i32_0 = arith.constant 0 : i32
    %c0_i32_1 = arith.constant 0 : i32
    return %c0_i32, %c0_i32_0 : i32, i32
  }
  func.func @transform_4(%arg0: i32) -> (i32, i32) {
    %c0_i32 = arith.constant 0 : i32
    %c0_i32_0 = arith.constant 0 : i32
    return %arg0, %c0_i32 : i32, i32
  }
}

</mosaic_0001>

<sc_bundles>
// kernel: kernel.13.cloned.1.call-start
scs
__scs_entry_jumppad:
0x0: {  	(pc) =	sbr.rel $0x88, $3  }
0x1: {  	(tag) =	ssettag $0x0;
	lr =	simm.s32 $0x1  }
0x2: {  	[smem:$0x3F8A] =	sst lr;
	_ =	strace $0xD0000000  }
0x3: {  	_ = 	snop  }
0x4: {  	_ = 	snop  }
0x5: {  	_ = 	snop  }
0x6: {  	_ = 	snop  }
0x7: {  	_ = 	snop  }
__scs_overlays_trampoline_lowered:
0x8: {  	[smem:$0x3F99] =	sst s0  }
0x9: {  	[smem:$0x3F9A] =	sst s1  }
0xa: {  	[smem:$0x3F9B] =	sst s2  }
0xb: {  	[smem:$0x3F9C] =	sst s3  }
0xc: {  	[smem:$0x3F9D] =	sst s4  }
0xd: {  	[smem:$0x3F9E] =	sst s5  }
0xe: {  	[smem:$0x3F9F] =	sst s6  }
0xf: {  	[smem:$0x3FA0] =	sst s7  }
0x10: {  	[smem:$0x3FA1] =	sst s8  }
0x11: {  	[smem:$0x3FA2] =	sst s9;
	s0 =	simm.s32 @!p0 $0x0  }
0x12: {  	s1 =	sld [smem:$0x3F88];
	s0 =	simm.s32 @p0 $0x1  }
0x13: {  	[smem:$0x3FA3] =	sst s0;
	s0 =	simm.s32 @!p1 $0x0  }
0x14: {  	s2 =	sld [smem:$0x3F87];
	s0 =	simm.s32 @p1 $0x1  }
0x15: {  	[smem:$0x3FA4] =	sst s0;
	s0 =	simm.s32 @!p2 $0x0  }
0x16: {  	s3 =	sld [smem:$0x3FDB];
	s0 =	simm.s32 @p2 $0x1  }
0x17: {  	s4 =	simm.s32 $0x1BF5;
	[smem:$0x3FA6] =	sst s0  }
0x18: {  	s0 =	sld [smem:$0x3F89];
	_ =	swait.ge [sflag:s4], $0x0  }
0x19: {  	s7 =	sld [smem:$0x3F8A]  }
0x1a: {  	s8 =	sadd.s32 $0xFFFFE003, lr  }
0x1b: {  	s9 =	sadd.s32 $0xFFFFFEF7, lr;
	s5 =	simm.s32 $0xFFFFFFFF;
	p2 =	slt.u32 s8, $0xFFFFF086  }
0x1c: {  	p1 =	slt.u32 s9, $0xF7A;
	s5 =	simm.s32 @!p2 $0x0  }
0x1d: {  	s5 =	simm.s32 @p1 $0x1;
	p0 =	seq.s32 s7, s2  }
0x1e: {  	s7 =	smul.u32 @!p0 $0xF7A, s2;
	p2 =	seq.s32 @!p0 s5, $0x0  }
0x1f: {  	s9 =	smul.u32 $0xF7A, s1;
	s8 =	simm.s32 @!p0 $0x1BF5;
	p2 =	por !p2, p0  }
0x20: {  	[sflag:s8] =	ssyncset.s32 @!p0 $0xFFFFF086;
	s6 =	sadd.s32 @!p0 s3, s7;
	s7 =	simm.s32 @!p0 $0x108  }
0x21: {  	s3 =	sadd.s32 s3, s9;
	s6 =	sadd.s32 @!p0 $0x88, s6;
	s7 =	simm.s32 @p2 $0x1082  }
0x22: {  	[simem:s7], [sflag:s8] =	dma.local @!p0 [hbm:s6], $0xF7A  }
0x23: {  	s9 =	sor.u32 $0xD0000000, s2;
	s6 =	simm.s32 $0x108;
	_ =	swait.ge @!p0 [sflag:s8], $0x0  }
0x24: {  	s3 =	sadd.s32 $0x88, s3;
	s6 =	simm.s32 @!p1 $0x1082;
	[sflag:s4] =	ssyncset.s32 $0xFFFFF086  }
0x25: {  	[simem:s6], [sflag:s4] =	dma.local [hbm:s3], $0xF7A  }
0x26: {  	[smem:$0x3F8A] =	sst s1;
	(tag) =	ssettag s2;
	_ =	strace s9  }
0x27: {  	s1 =	sld [smem:$0x3F9A]  }
0x28: {  	s2 =	sld [smem:$0x3F9B]  }
0x29: {  	s4 =	sld [smem:$0x3F9D]  }
0x2a: {  	p0 =	seq.s32 s5, $0x0;
	s5 =	sld [smem:$0x3F9E]  }
0x2b: {  	s6 =	sld [smem:$0x3F9F]  }
0x2c: {  	s7 =	sld [smem:$0x3FA0]  }
0x2d: {  	s3 =	simm.s32 $0x108;
	s8 =	sld [smem:$0x3FA1]  }
0x2e: {  	s3 =	simm.s32 @!p0 $0x1082;
	s9 =	sld [smem:$0x3FA2]  }
0x2f: {  	lr =	sadd.s32 s0, s3;
	s0 =	sld [smem:$0x3F99]  }
0x30: {  	s3 =	sld [smem:$0x3F9C]  }
0x31: {  	[smem:$0x3FA5] =	sst s10  }
0x32: {  	s10 =	sld [smem:$0x3FA3];
	_ =	sdelay $0x3  }
0x33: {  	p0 =	seq.s32 s10, $0x1;
	s10 =	sld [smem:$0x3FA5];
	_ =	sdelay $0x3  }
0x34: {  	[smem:$0x3FA5] =	sst s10  }
0x35: {  	s10 =	sld [smem:$0x3FA4];
	_ =	sdelay $0x3  }
0x36: {  	p1 =	seq.s32 s10, $0x1;
	s10 =	sld [smem:$0x3FA5];
	_ =	sdelay $0x3  }
0x37: {  	[smem:$0x3FA5] =	sst s10  }
0x38: {  	s10 =	sld [smem:$0x3FA6]  }
0x39: {  	_ = 	snop;
	(pc) =	sbr.ind lr, $3  }
0x3a: {  	_ = 	snop  }
0x3b: {  	_ = 	snop  }
0x3c: {  	p2 =	seq.s32 s10, $0x1;
	s10 =	sld [smem:$0x3FA5]  }
0x3d: {  	_ =	shalt  }
0x3e: {  	_ =	shalt  }
0x3f: {  	_ =	shalt  }
0x40: {  	_ =	shalt  }
0x41: {  	_ =	shalt  }
0x42: {  	_ =	shalt  }
0x43: {  	_ =	shalt  }
0x44: {  	_ =	shalt  }
0x45: {  	_ =	shalt  }
0x46: {  	_ =	shalt  }
0x47: {  	_ =	shalt  }
0x48: {  	_ =	shalt  }
0x49: {  	_ =	shalt  }
0x4a: {  	_ =	shalt  }
0x4b: {  	_ =	shalt  }
0x4c: {  	_ =	shalt  }
0x4d: {  	_ =	shalt  }
0x4e: {  	_ =	shalt  }
0x4f: {  	_ =	shalt  }
0x50: {  	_ =	shalt  }
0x51: {  	_ =	shalt  }
0x52: {  	_ =	shalt  }
0x53: {  	_ =	shalt  }
0x54: {  	_ =	shalt  }
0x55: {  	_ =	shalt  }
0x56: {  	_ =	shalt  }
0x57: {  	_ =	shalt  }
0x58: {  	_ =	shalt  }
0x59: {  	_ =	shalt  }
0x5a: {  	_ =	shalt  }
0x5b: {  	_ =	shalt  }
0x5c: {  	_ =	shalt  }
0x5d: {  	_ =	shalt  }
0x5e: {  	_ =	shalt  }
0x5f: {  	_ =	shalt  }
0x60: {  	_ =	shalt  }
0x61: {  	_ =	shalt  }
0x62: {  	_ =	shalt  }
0x63: {  	_ =	shalt  }
0x64: {  	_ =	shalt  }
0x65: {  	_ =	shalt  }
0x66: {  	_ =	shalt  }
0x67: {  	_ =	shalt  }
0x68: {  	_ =	shalt  }
0x69: {  	_ =	shalt  }
0x6a: {  	_ =	shalt  }
0x6b: {  	_ =	shalt  }
0x6c: {  	_ =	shalt  }
0x6d: {  	_ =	shalt  }
0x6e: {  	_ =	shalt  }
0x6f: {  	_ =	shalt  }
0x70: {  	_ =	shalt  }
0x71: {  	_ =	shalt  }
0x72: {  	_ =	shalt  }
0x73: {  	_ =	shalt  }
0x74: {  	_ =	shalt  }
0x75: {  	_ =	shalt  }
0x76: {  	_ =	shalt  }
0x77: {  	_ =	shalt  }
0x78: {  	_ =	shalt  }
0x79: {  	_ =	shalt  }
0x7a: {  	_ =	shalt  }
0x7b: {  	_ =	shalt  }
0x7c: {  	_ =	shalt  }
0x7d: {  	_ =	shalt  }
0x7e: {  	_ =	shalt  }
0x7f: {  	_ =	shalt  }
0x80: {  	_ =	shalt  }
0x81: {  	_ =	shalt  }
0x82: {  	_ =	shalt  }
0x83: {  	_ =	shalt  }
0x84: {  	_ =	shalt  }
0x85: {  	_ =	shalt  }
0x86: {  	_ =	shalt  }
0x87: {  	_ =	shalt  }
.Lfunc_end0:
.L_simem_size_0:
called_computation_lowered:
.L_overlay_start_0:
0x88: {  	s2 =	sld [smem:$0x3FD9]  }
0x89: {  	s3 =	sld [smem:$0x3FFE];
	_ =	sdelay $0x1  }
0x8a: {  	s1 =	srdreg.scid  }
0x8b: {  	s0 =	sand.u32 $0x1, s1  }
0x8c: {  	s16 =	sshll.u32 s0, $0xA;
	s2 =	sadd.s32 s3, s2  }
0x8d: {  	s2 =	sadd.s32 s2, s16  }
0x8e: {  	[smem:$0x3FB1] =	sst s2  }
0x8f: {  	_ = 	snop  }
0x90: {  	(tm) =	ssettm $0x1  }
0x91: {  	s17 =	sld [smem:$0x3FFB];
	_ =	sdelay $0x3  }
0x92: {  	_ =	strace s17  }
0x93: {  	s2 =	sld [smem:$0x3FFC];
	_ =	sdelay $0x3  }
0x94: {  	_ =	strace s2  }
0x95: {  	s2 =	sld [smem:$0x3FFD];
	_ =	sdelay $0x3  }
0x96: {  	_ =	strace s2  }
0x97: {  	_ =	strace $0x8FFFFFFF  }
0x98: {  	s18 =	sld [smem:$0x3FDB];
	_ =	sdelay $0x1  }
0x99: {  	s19 =	simm.s32 $_scs_section_size  }
0x9a: {  	s4 =	simm.s32 $_size__tile_overlayer_lowered;
	s5 =	simm.s32 $_tile_overlayer_lowered  }
0x9b: {  	s22 =	simm.s32 $0x1BFF;
	s21 =	sshll.u32 s5, $0x1;
	s2 =	sadd.s32 s19, s18  }
0x9c: {  	s6 =	simm.s32 $0x0;
	s20 =	sshll.u32 s4, $0x1;
	s4 =	sadd.s32 s21, s2  }
0x9d: {  	[timem:s6], [sflag:s22] =	dma.local [hbm:s4], s20  }
0x9e: {  	_ =	swait.ge [sflag:s22], s20  }
0x9f: {  	s3 =	ssub.s32 $0x0, s20;
	[sflag:s22] =	ssyncset.done $0x0  }
0xa0: {  	[sflag:s22] =	ssyncadd.s32 s3;
	_ =	sdelay $0x1  }
0xa1: {  	s23 =	simm.s32 $0x1B8B  }
0xa2: {  	_ =	swait.ge [sflag:s23], $0x1  }
0xa3: {  	[sflag:s23] =	ssyncset.done $0x0  }
0xa4: {  	s25 =	simm.s32 $0x1B8E;
	s24 =	sld [smem:$0x3FFE];
	[sflag:s23] =	ssyncadd.s32 $0xFFFFFFFF  }
0xa5: {  	s26 =	simm.s32 $execute0_lowered;
	[smem:$0x3FD2] =	sst s25  }
0xa6: {  	s4 =	sshll.u32 s26, $0x1;
	_ =	strace $0x80000046;
	[dreg:$0x1] =	wrdreg $0xFFFFFFFF  }
0xa7: {  	s28 =	simm.s32 $_size_execute0_lowered;
	s2 =	sadd.s32 s2, s4;
	[dreg:$0x0] =	wrdreg $0x0  }
0xa8: {  	s4 =	sshll.u32 s28, $0x1;
	[dreg:$0x2] =	wrdreg s2  }
0xa9: {  	[dreg:$0x3] =	wrdreg s4  }
0xaa: {  	[dreg:$0x4] =	wrdreg $0xC0  }
0xab: {  	_ =	task [dreg:s6], $0x5FFFF  }
0xac: {  	[dreg:$0x1] =	wrdreg $0xFFFFFFFF  }
0xad: {  	[dreg:$0x0] =	wrdreg $0x60  }
0xae: {  	[dreg:$0x2] =	wrdreg s24  }
0xaf: {  	[dreg:$0x3] =	wrdreg $0x11000  }
0xb0: {  	[dreg:$0x4] =	wrdreg $0x15000  }
0xb1: {  	[dreg:$0x5] =	wrdreg $0x9  }
0xb2: {  	_ =	task.clear_ibuf [dreg:s6], $0x6FFFF;
	_ =	strace $0x90000046  }
0xb3: {  	s29 =	simm.s32 $0x9;
	_ =	strace $0x80000048  }
0xb4: {  	_ =	swait.ge [sflag:s29], $0x1  }
0xb5: {  	[sflag:s29] =	ssyncadd.s32 $0xFFFFFFFF  }
0xb6: {  	_ =	strace $0x90000048  }
0xb7: {  	_ =	sfence  }
0xb8: {  	s30 =	sld [smem:$0x0];
	_ =	sdelay $0x2  }
0xb9: {  	s31 =	sshll.u32 s1, $0xD;
	s1 =	sshrl.u32 s1, $0x2  }
0xba: {  	s3 =	sand.u32 $0x4000, s31;
	s1 =	sadd.s32 s1, s30  }
0xbb: {  	s0 =	sor.u32 s3, s0;
	s1 =	sshll.u32 s1, $0x11  }
0xbc: {  	s0 =	sor.u32 s1, s0  }
0xbd: {  	s0 =	sadd.s32 $0x8F2B, s0  }
0xbe: {  	[sflag:s0] =	ssyncadd.remote.s32 $0x1  }
0xbf: {  	_ =	sfence.sel $0xFFFF  }
0xc0: {  	[dreg:$0x0] =	wrdreg $0xFFFFFFFF;
	(pc) =	sbr.abs _section_cstart, $3  }
0xc1: {  	[dreg:$0x1] =	wrdreg $0xFFFFFFFF  }
0xc2: {  	_ =	task.clear_ibuf [dreg:s6], $0x2FFFF;
	_ =	strace $0x9FFFFFFF  }
0xc3: {  	(tm) =	ssettm $0x7FFFFFFF  }
tec
execute0_lowered:
.L_overlay_start_1:
0x0: {  	(tag) =	ssettag $0x1  }
0x1: {  	s1 =	srdreg.scid  }
0x2: {  	s1 =	sand.u32 $0x1, s1  }
0x3: {  	p0 =	seq.s32 s1, $0x1  }
.Ltmp0:
0x4: {  	s2 =	rddreg [dreg:$0x0];
	(pc) =	sbr.rel @p0 .LBB2_4-.Ltmp0, $4  }
0x5: {  	s8 =	rddreg [dreg:$0x1]  }
0x6: {  	s7 =	rddreg [dreg:$0x2];
	s3 =	simm.s32 $0x0  }
0x7: {  	[smem:$0x7FF] =	sst s3  }
0x8: {  	s0 =	rddreg [dreg:$0x3];
	_ =	strace $0x80000047;
	s1 =	stileid.u32  }
0x9: {  	s6 =	smul.u32 $0x60, s1;
	s11 =	sadd.s32 $0x44E00, s2;
	s3 =	sshll.u32 s1, $0x7  }
0xa: {  	s31 =	sshll.u32 s1, $0xA;
	s12 =	simm.s32 $0x0;
	s3 =	sadd.s32 s3, s2  }
0xb: {  	s4 =	sadd.s32 s6, s2;
	s2 =	sadd.s32 s31, s7;
	s5 =	sadd.s32 $0x45C00, s3  }
0xc: {  	s3 =	sadd.s32 $0x45400, s3;
	s6 =	sadd.s32 s11, s6;
	s11 =	simm.s32 $0x40  }
0xd: {  	v0 =	vimm.s32 $0x0;
	v1 =	vimm.f32 $0.0e+00;
	s10 =	sadd.s32 $0x4200, s4;
	s9 =	sadd.s32 $0x44800, s4;
	s4 =	sadd.s32 s31, s8  }
.LBB2_2:
0xe: {  	p0 =	sne.s32 s11, $0xFC0;
	[tilespmem:s12+$0x900] =	vst v0;
	s13 =	smov.u32 s11;
	s11 =	sadd.s32 $0x40, s11  }
.Ltmp1:
0xf: {  	[tilespmem:s12+$0xD00] =	vst v1;
	(pc) =	sbr.rel @p0 .LBB2_2-.Ltmp1, $2  }
0x10: {  	_ =	sdelay $0x2  }
0x11: {  	s12 =	sshra.s32 s13, $0x2  }
0x12: {  	[tilespmem:s12+$0x900] =	vst v0  }
0x13: {  	[tilespmem:s12+$0xD00] =	vst v1;
	s11 =	simm.s32 $0x0  }
0x14: {  	[tilespmem:s11], [sflag:$0x3] =	stream.linear.gather [hbm4b:s6+s11], $0x300, $0x38;
	[tilespmem:$0x1900] =	vst v63  }
0x15: {  	s6 =	simm.s32 $0x3  }
0x16: {  	_ =	swait.ge [sflag:s6], $0x300  }
0x17: {  	[sflag:s6] =	ssyncset.done $0x0  }
0x18: {  	s26 =	simm.s32 $0x300;
	[sflag:s6] =	ssyncadd.s32 $0xFFFFFD00  }
0x19: {  	[tilespmem:s26], [sflag:$0x3] =	stream.linear.gather [hbm4b:s10+s11], $0x300, $0x38;
	[tilespmem:$0x1900] =	vst v63  }
0x1a: {  	_ =	swait.ge [sflag:s6], $0x300  }
0x1b: {  	[sflag:s6] =	ssyncset.done $0x0  }
0x1c: {  	s28 =	simm.s32 $0x600;
	[sflag:s6] =	ssyncadd.s32 $0xFFFFFD00  }
0x1d: {  	[tilespmem:s28], [sflag:$0x3] =	stream.linear.gather [hbm4b:s9+s11], $0x300, $0x38;
	[tilespmem:$0x1900] =	vst v63  }
0x1e: {  	_ =	swait.ge [sflag:s6], $0x300  }
0x1f: {  	[sflag:s6] =	ssyncset.done $0x0  }
0x20: {  	s29 =	simm.s32 $0x900;
	[sflag:s6] =	ssyncadd.s32 $0xFFFFFD00  }
0x21: {  	[spmem:s4] =	stream.linear.scatter [tilespmem:s29], [sflag:$0x3], $0x400, $0x38;
	[tilespmem:$0x1900] =	vst v63  }
0x22: {  	_ =	swait.ge [sflag:s6], $0x400  }
0x23: {  	[sflag:s6] =	ssyncset.done $0x0  }
0x24: {  	s30 =	simm.s32 $0xD00;
	[sflag:s6] =	ssyncadd.s32 $0xFFFFFC00  }
0x25: {  	[spmem:s2] =	stream.linear.scatter [tilespmem:s30], [sflag:$0x3], $0x400, $0x38;
	[tilespmem:$0x1900] =	vst v63  }
0x26: {  	_ =	swait.ge [sflag:s6], $0x400  }
0x27: {  	[sflag:s6] =	ssyncset.done $0x0  }
0x28: {  	[sflag:s6] =	ssyncadd.s32 $0xFFFFFC00  }
0x29: {  	s31 =	simm.s32 $0x80;
	[bflag:$0x0] =	sbarrier.arrive $0xFFFF  }
0x2a: {  	[spmem:s8] =	stream.indirect.scatter.add.s32 [tilespmem:s26], [sflag:$0x1], $0x1, s11, s31, $0xb8;
	[tilespmem:$0x1900] =	vst v63  }
0x2b: {  	_ = 	snop  }
0x2c: {  	[spmem:s7] =	stream.indirect.scatter.add.f32 [tilespmem:s28], [sflag:$0x2], $0x1, s11, s31, $0xb8;
	[tilespmem:$0x1900] =	vst v63  }
0x2d: {  	s12 =	simm.s32 $0x380  }
0x2e: {  	[spmem:s8] =	stream.indirect.scatter.add.s32 [tilespmem:s12], [sflag:$0x1], $0x1, s31, s31, $0xb8;
	[tilespmem:$0x1900] =	vst v63  }
0x2f: {  	s13 =	simm.s32 $0x680  }
0x30: {  	[spmem:s7] =	stream.indirect.scatter.add.f32 [tilespmem:s13], [sflag:$0x2], $0x1, s31, s31, $0xb8;
	[tilespmem:$0x1900] =	vst v63  }
0x31: {  	s14 =	simm.s32 $0x100;
	s15 =	simm.s32 $0x400  }
0x32: {  	[spmem:s8] =	stream.indirect.scatter.add.s32 [tilespmem:s15], [sflag:$0x1], $0x1, s14, s31, $0xb8;
	[tilespmem:$0x1900] =	vst v63  }
0x33: {  	s16 =	simm.s32 $0x700  }
0x34: {  	[spmem:s7] =	stream.indirect.scatter.add.f32 [tilespmem:s16], [sflag:$0x2], $0x1, s14, s31, $0xb8;
	[tilespmem:$0x1900] =	vst v63  }
0x35: {  	s17 =	simm.s32 $0x180;
	s18 =	simm.s32 $0x480  }
0x36: {  	[spmem:s8] =	stream.indirect.scatter.add.s32 [tilespmem:s18], [sflag:$0x1], $0x1, s17, s31, $0xb8;
	[tilespmem:$0x1900] =	vst v63  }
0x37: {  	s19 =	simm.s32 $0x780  }
0x38: {  	[spmem:s7] =	stream.indirect.scatter.add.f32 [tilespmem:s19], [sflag:$0x2], $0x1, s17, s31, $0xb8;
	[tilespmem:$0x1900] =	vst v63  }
0x39: {  	s20 =	simm.s32 $0x200;
	s21 =	simm.s32 $0x500  }
0x3a: {  	[spmem:s8] =	stream.indirect.scatter.add.s32 [tilespmem:s21], [sflag:$0x1], $0x1, s20, s31, $0xb8;
	[tilespmem:$0x1900] =	vst v63  }
0x3b: {  	s22 =	simm.s32 $0x800  }
0x3c: {  	[spmem:s7] =	stream.indirect.scatter.add.f32 [tilespmem:s22], [sflag:$0x2], $0x1, s20, s31, $0xb8;
	[tilespmem:$0x1900] =	vst v63  }
0x3d: {  	s23 =	simm.s32 $0x280;
	s24 =	simm.s32 $0x580  }
0x3e: {  	[spmem:s8] =	stream.indirect.scatter.add.s32 [tilespmem:s24], [sflag:$0x1], $0x1, s23, s31, $0xb8;
	[tilespmem:$0x1900] =	vst v63  }
0x3f: {  	s25 =	simm.s32 $0x880;
	s26 =	simm.s32 $0x1  }
0x40: {  	[spmem:s7] =	stream.indirect.scatter.add.f32 [tilespmem:s25], [sflag:$0x2], $0x1, s23, s31, $0xb8;
	[tilespmem:$0x1900] =	vst v63  }
0x41: {  	_ =	swait.ge [sflag:s26], $0x80  }
0x42: {  	[sflag:s26] =	ssyncset.done $0x0  }
0x43: {  	s28 =	simm.s32 $0x2;
	[sflag:s26] =	ssyncadd.s32 $0xFFFFFF80  }
0x44: {  	_ =	swait.ge [sflag:s28], $0x80  }
0x45: {  	[sflag:s28] =	ssyncset.done $0x0  }
0x46: {  	[sflag:s28] =	ssyncadd.s32 $0xFFFFFF80  }
0x47: {  	_ =	swait.ge [sflag:s26], $0x80  }
0x48: {  	[sflag:s26] =	ssyncset.done $0x0  }
0x49: {  	[sflag:s26] =	ssyncadd.s32 $0xFFFFFF80  }
0x4a: {  	_ =	swait.ge [sflag:s28], $0x80  }
0x4b: {  	[sflag:s28] =	ssyncset.done $0x0  }
0x4c: {  	[sflag:s28] =	ssyncadd.s32 $0xFFFFFF80  }
0x4d: {  	_ =	swait.ge [sflag:s26], $0x80  }
0x4e: {  	[sflag:s26] =	ssyncset.done $0x0  }
0x4f: {  	[sflag:s26] =	ssyncadd.s32 $0xFFFFFF80  }
0x50: {  	_ =	swait.ge [sflag:s28], $0x80  }
0x51: {  	[sflag:s28] =	ssyncset.done $0x0  }
0x52: {  	[sflag:s28] =	ssyncadd.s32 $0xFFFFFF80  }
0x53: {  	_ =	swait.ge [sflag:s26], $0x80  }
0x54: {  	[sflag:s26] =	ssyncset.done $0x0  }
0x55: {  	[sflag:s26] =	ssyncadd.s32 $0xFFFFFF80  }
0x56: {  	_ =	swait.ge [sflag:s28], $0x80  }
0x57: {  	[sflag:s28] =	ssyncset.done $0x0  }
0x58: {  	[sflag:s28] =	ssyncadd.s32 $0xFFFFFF80  }
0x59: {  	_ =	swait.ge [sflag:s26], $0x80  }
0x5a: {  	[sflag:s26] =	ssyncset.done $0x0  }
0x5b: {  	[sflag:s26] =	ssyncadd.s32 $0xFFFFFF80  }
0x5c: {  	_ =	swait.ge [sflag:s28], $0x80  }
0x5d: {  	[sflag:s28] =	ssyncset.done $0x0  }
0x5e: {  	[sflag:s28] =	ssyncadd.s32 $0xFFFFFF80  }
0x5f: {  	_ =	swait.ge [sflag:s26], $0x80  }
0x60: {  	[sflag:s26] =	ssyncset.done $0x0  }
0x61: {  	[sflag:s26] =	ssyncadd.s32 $0xFFFFFF80  }
0x62: {  	_ =	swait.ge [sflag:s28], $0x80  }
0x63: {  	[sflag:s28] =	ssyncset.done $0x0  }
0x64: {  	s29 =	sshll.u32 s1, $0x6;
	[sflag:s28] =	ssyncadd.s32 $0xFFFFFF80  }
0x65: {  	s30 =	sshrl.u32 s4, $0x3;
	s7 =	sor.u32 $0x1C03, s29;
	[bflag:$0x0] =	sbarrier.arrive $0xFFFF  }
0x66: {  	[hbm:s5], [sflag:s7] =	dma.local [spmem:s30], $0x80  }
0x67: {  	_ =	swait.ge [sflag:s6], $0x80  }
0x68: {  	[sflag:s6] =	ssyncset.done $0x0  }
0x69: {  	s31 =	sshrl.u32 s2, $0x3;
	[sflag:s6] =	ssyncadd.s32 $0xFFFFFF80  }
0x6a: {  	[hbm:s3], [sflag:s7] =	dma.local [spmem:s31], $0x80  }
0x6b: {  	_ =	swait.ge [sflag:s6], $0x80  }
0x6c: {  	[sflag:s6] =	ssyncset.done $0x0  }
0x6d: {  	[sflag:s6] =	ssyncadd.s32 $0xFFFFFF80  }
.LBB2_4:
0x6e: {  	_ =	sfence.sel $0x180000  }
0x6f: {  	[bflag:$0x0] =	sbarrier.arrive $0xFFFF  }
0x70: {  	p0 =	sne.s32 s1, $0x0;
	_ =	strace $0x90000047  }
0x71: {  	s0 =	sadd.s32 @!p0 $0x100000, s0;
	[bflag:$0x2] =	sbarrier.arrive $0xFFFF  }
0x72: {  	[sflag:s0] =	ssyncadd.tile.s32 @!p0 $0x1;
	_ =	shalt  }
.Lfunc_end2:
_tile_overlayer_lowered:
.L_overlay_start_2:
0x73: {  	(tag) =	ssettag $0x2  }
0x74: {  	s0 =	rddreg [dreg:$0x0];
	s2 =	stileid.u32  }
0x75: {  	s1 =	rddreg [dreg:$0x1];
	p0 =	sne.s32 s2, $0x0  }
0x76: {  	s3 =	rddreg [dreg:$0x2];
	[bflag:$0x3] =	sbarrier.arrive $0xFFFF;
	s2 =	simm.s32 @!p0 $0x1C03  }
0x77: {  	[timem:s3], [sflag:s2] =	dma.local @!p0 [hbm:s0], s1  }
0x78: {  	s0 =	simm.s32 @!p0 $0x3  }
0x79: {  	_ =	swait.ge @!p0 [sflag:s0], s1  }
0x7a: {  	s1 =	ssub.s32 @!p0 $0x0, s1;
	[sflag:s0] =	ssyncset.done @!p0 $0x0  }
0x7b: {  	[sflag:s0] =	ssyncadd.s32 @!p0 s1  }
0x7c: {  	[bflag:$0x3] =	sbarrier.arrive $0xFFFF  }
0x7d: {  	_ =	shalt  }

// kernel: kernel.16.cloned.1.call-start
scs
__scs_entry_jumppad:
0x0: {  	(pc) =	sbr.rel $0x88, $3  }
0x1: {  	(tag) =	ssettag $0x0;
	lr =	simm.s32 $0x1  }
0x2: {  	[smem:$0x3F8A] =	sst lr;
	_ =	strace $0xD0000000  }
0x3: {  	_ = 	snop  }
0x4: {  	_ = 	snop  }
0x5: {  	_ = 	snop  }
0x6: {  	_ = 	snop  }
0x7: {  	_ = 	snop  }
__scs_overlays_trampoline_lowered:
0x8: {  	[smem:$0x3F99] =	sst s0  }
0x9: {  	[smem:$0x3F9A] =	sst s1  }
0xa: {  	[smem:$0x3F9B] =	sst s2  }
0xb: {  	[smem:$0x3F9C] =	sst s3  }
0xc: {  	[smem:$0x3F9D] =	sst s4  }
0xd: {  	[smem:$0x3F9E] =	sst s5  }
0xe: {  	[smem:$0x3F9F] =	sst s6  }
0xf: {  	[smem:$0x3FA0] =	sst s7  }
0x10: {  	[smem:$0x3FA1] =	sst s8  }
0x11: {  	[smem:$0x3FA2] =	sst s9;
	s0 =	simm.s32 @!p0 $0x0  }
0x12: {  	s1 =	sld [smem:$0x3F88];
	s0 =	simm.s32 @p0 $0x1  }
0x13: {  	[smem:$0x3FA3] =	sst s0;
	s0 =	simm.s32 @!p1 $0x0  }
0x14: {  	s2 =	sld [smem:$0x3F87];
	s0 =	simm.s32 @p1 $0x1  }
0x15: {  	[smem:$0x3FA4] =	sst s0;
	s0 =	simm.s32 @!p2 $0x0  }
0x16: {  	s3 =	sld [smem:$0x3FDB];
	s0 =	simm.s32 @p2 $0x1  }
0x17: {  	s4 =	simm.s32 $0x1BF5;
	[smem:$0x3FA6] =	sst s0  }
0x18: {  	s0 =	sld [smem:$0x3F89];
	_ =	swait.ge [sflag:s4], $0x0  }
0x19: {  	s7 =	sld [smem:$0x3F8A]  }
0x1a: {  	s8 =	sadd.s32 $0xFFFFE003, lr  }
0x1b: {  	s9 =	sadd.s32 $0xFFFFFEF7, lr;
	s5 =	simm.s32 $0xFFFFFFFF;
	p2 =	slt.u32 s8, $0xFFFFF086  }
0x1c: {  	p1 =	slt.u32 s9, $0xF7A;
	s5 =	simm.s32 @!p2 $0x0  }
0x1d: {  	s5 =	simm.s32 @p1 $0x1;
	p0 =	seq.s32 s7, s2  }
0x1e: {  	s7 =	smul.u32 @!p0 $0xF7A, s2;
	p2 =	seq.s32 @!p0 s5, $0x0  }
0x1f: {  	s9 =	smul.u32 $0xF7A, s1;
	s8 =	simm.s32 @!p0 $0x1BF5;
	p2 =	por !p2, p0  }
0x20: {  	[sflag:s8] =	ssyncset.s32 @!p0 $0xFFFFF086;
	s6 =	sadd.s32 @!p0 s3, s7;
	s7 =	simm.s32 @!p0 $0x108  }
0x21: {  	s3 =	sadd.s32 s3, s9;
	s6 =	sadd.s32 @!p0 $0x88, s6;
	s7 =	simm.s32 @p2 $0x1082  }
0x22: {  	[simem:s7], [sflag:s8] =	dma.local @!p0 [hbm:s6], $0xF7A  }
0x23: {  	s9 =	sor.u32 $0xD0000000, s2;
	s6 =	simm.s32 $0x108;
	_ =	swait.ge @!p0 [sflag:s8], $0x0  }
0x24: {  	s3 =	sadd.s32 $0x88, s3;
	s6 =	simm.s32 @!p1 $0x1082;
	[sflag:s4] =	ssyncset.s32 $0xFFFFF086  }
0x25: {  	[simem:s6], [sflag:s4] =	dma.local [hbm:s3], $0xF7A  }
0x26: {  	[smem:$0x3F8A] =	sst s1;
	(tag) =	ssettag s2;
	_ =	strace s9  }
0x27: {  	s1 =	sld [smem:$0x3F9A]  }
0x28: {  	s2 =	sld [smem:$0x3F9B]  }
0x29: {  	s4 =	sld [smem:$0x3F9D]  }
0x2a: {  	p0 =	seq.s32 s5, $0x0;
	s5 =	sld [smem:$0x3F9E]  }
0x2b: {  	s6 =	sld [smem:$0x3F9F]  }
0x2c: {  	s7 =	sld [smem:$0x3FA0]  }
0x2d: {  	s3 =	simm.s32 $0x108;
	s8 =	sld [smem:$0x3FA1]  }
0x2e: {  	s3 =	simm.s32 @!p0 $0x1082;
	s9 =	sld [smem:$0x3FA2]  }
0x2f: {  	lr =	sadd.s32 s0, s3;
	s0 =	sld [smem:$0x3F99]  }
0x30: {  	s3 =	sld [smem:$0x3F9C]  }
0x31: {  	[smem:$0x3FA5] =	sst s10  }
0x32: {  	s10 =	sld [smem:$0x3FA3];
	_ =	sdelay $0x3  }
0x33: {  	p0 =	seq.s32 s10, $0x1;
	s10 =	sld [smem:$0x3FA5];
	_ =	sdelay $0x3  }
0x34: {  	[smem:$0x3FA5] =	sst s10  }
0x35: {  	s10 =	sld [smem:$0x3FA4];
	_ =	sdelay $0x3  }
0x36: {  	p1 =	seq.s32 s10, $0x1;
	s10 =	sld [smem:$0x3FA5];
	_ =	sdelay $0x3  }
0x37: {  	[smem:$0x3FA5] =	sst s10  }
0x38: {  	s10 =	sld [smem:$0x3FA6]  }
0x39: {  	_ = 	snop;
	(pc) =	sbr.ind lr, $3  }
0x3a: {  	_ = 	snop  }
0x3b: {  	_ = 	snop  }
0x3c: {  	p2 =	seq.s32 s10, $0x1;
	s10 =	sld [smem:$0x3FA5]  }
0x3d: {  	_ =	shalt  }
0x3e: {  	_ =	shalt  }
0x3f: {  	_ =	shalt  }
0x40: {  	_ =	shalt  }
0x41: {  	_ =	shalt  }
0x42: {  	_ =	shalt  }
0x43: {  	_ =	shalt  }
0x44: {  	_ =	shalt  }
0x45: {  	_ =	shalt  }
0x46: {  	_ =	shalt  }
0x47: {  	_ =	shalt  }
0x48: {  	_ =	shalt  }
0x49: {  	_ =	shalt  }
0x4a: {  	_ =	shalt  }
0x4b: {  	_ =	shalt  }
0x4c: {  	_ =	shalt  }
0x4d: {  	_ =	shalt  }
0x4e: {  	_ =	shalt  }
0x4f: {  	_ =	shalt  }
0x50: {  	_ =	shalt  }
0x51: {  	_ =	shalt  }
0x52: {  	_ =	shalt  }
0x53: {  	_ =	shalt  }
0x54: {  	_ =	shalt  }
0x55: {  	_ =	shalt  }
0x56: {  	_ =	shalt  }
0x57: {  	_ =	shalt  }
0x58: {  	_ =	shalt  }
0x59: {  	_ =	shalt  }
0x5a: {  	_ =	shalt  }
0x5b: {  	_ =	shalt  }
0x5c: {  	_ =	shalt  }
0x5d: {  	_ =	shalt  }
0x5e: {  	_ =	shalt  }
0x5f: {  	_ =	shalt  }
0x60: {  	_ =	shalt  }
0x61: {  	_ =	shalt  }
0x62: {  	_ =	shalt  }
0x63: {  	_ =	shalt  }
0x64: {  	_ =	shalt  }
0x65: {  	_ =	shalt  }
0x66: {  	_ =	shalt  }
0x67: {  	_ =	shalt  }
0x68: {  	_ =	shalt  }
0x69: {  	_ =	shalt  }
0x6a: {  	_ =	shalt  }
0x6b: {  	_ =	shalt  }
0x6c: {  	_ =	shalt  }
0x6d: {  	_ =	shalt  }
0x6e: {  	_ =	shalt  }
0x6f: {  	_ =	shalt  }
0x70: {  	_ =	shalt  }
0x71: {  	_ =	shalt  }
0x72: {  	_ =	shalt  }
0x73: {  	_ =	shalt  }
0x74: {  	_ =	shalt  }
0x75: {  	_ =	shalt  }
0x76: {  	_ =	shalt  }
0x77: {  	_ =	shalt  }
0x78: {  	_ =	shalt  }
0x79: {  	_ =	shalt  }
0x7a: {  	_ =	shalt  }
0x7b: {  	_ =	shalt  }
0x7c: {  	_ =	shalt  }
0x7d: {  	_ =	shalt  }
0x7e: {  	_ =	shalt  }
0x7f: {  	_ =	shalt  }
0x80: {  	_ =	shalt  }
0x81: {  	_ =	shalt  }
0x82: {  	_ =	shalt  }
0x83: {  	_ =	shalt  }
0x84: {  	_ =	shalt  }
0x85: {  	_ =	shalt  }
0x86: {  	_ =	shalt  }
0x87: {  	_ =	shalt  }
.Lfunc_end0:
.L_simem_size_0:
called_computation.1_lowered:
.L_overlay_start_0:
0x88: {  	s2 =	sld [smem:$0x3FD9]  }
0x89: {  	s3 =	sld [smem:$0x3FFE];
	_ =	sdelay $0x1  }
0x8a: {  	s1 =	srdreg.scid  }
0x8b: {  	s0 =	sand.u32 $0x1, s1  }
0x8c: {  	s16 =	sshll.u32 s0, $0xA;
	s2 =	sadd.s32 s3, s2  }
0x8d: {  	s2 =	sadd.s32 s2, s16  }
0x8e: {  	[smem:$0x3FB1] =	sst s2  }
0x8f: {  	_ = 	snop  }
0x90: {  	(tm) =	ssettm $0x1  }
0x91: {  	s17 =	sld [smem:$0x3FFB];
	_ =	sdelay $0x3  }
0x92: {  	_ =	strace s17  }
0x93: {  	s2 =	sld [smem:$0x3FFC];
	_ =	sdelay $0x3  }
0x94: {  	_ =	strace s2  }
0x95: {  	s2 =	sld [smem:$0x3FFD];
	_ =	sdelay $0x3  }
0x96: {  	_ =	strace s2  }
0x97: {  	_ =	strace $0x8FFFFFFF  }
0x98: {  	s18 =	sld [smem:$0x3FDB];
	_ =	sdelay $0x1  }
0x99: {  	s19 =	simm.s32 $_scs_section_size  }
0x9a: {  	s4 =	simm.s32 $_size__tile_overlayer_lowered;
	s5 =	simm.s32 $_tile_overlayer_lowered  }
0x9b: {  	s22 =	simm.s32 $0x1BFF;
	s21 =	sshll.u32 s5, $0x1;
	s2 =	sadd.s32 s19, s18  }
0x9c: {  	s6 =	simm.s32 $0x0;
	s20 =	sshll.u32 s4, $0x1;
	s4 =	sadd.s32 s21, s2  }
0x9d: {  	[timem:s6], [sflag:s22] =	dma.local [hbm:s4], s20  }
0x9e: {  	_ =	swait.ge [sflag:s22], s20  }
0x9f: {  	s3 =	ssub.s32 $0x0, s20;
	[sflag:s22] =	ssyncset.done $0x0  }
0xa0: {  	[sflag:s22] =	ssyncadd.s32 s3;
	_ =	sdelay $0x1  }
0xa1: {  	s23 =	simm.s32 $0x1B8B  }
0xa2: {  	_ =	swait.ge [sflag:s23], $0x1  }
0xa3: {  	[sflag:s23] =	ssyncset.done $0x0  }
0xa4: {  	s25 =	simm.s32 $0x1B8E;
	s24 =	sld [smem:$0x3FFE];
	[sflag:s23] =	ssyncadd.s32 $0xFFFFFFFF  }
0xa5: {  	s26 =	simm.s32 $execute0_lowered;
	[smem:$0x3FD2] =	sst s25  }
0xa6: {  	s4 =	sshll.u32 s26, $0x1;
	_ =	strace $0x80000049;
	[dreg:$0x1] =	wrdreg $0xFFFFFFFF  }
0xa7: {  	s28 =	simm.s32 $_size_execute0_lowered;
	s2 =	sadd.s32 s2, s4;
	[dreg:$0x0] =	wrdreg $0x0  }
0xa8: {  	s4 =	sshll.u32 s28, $0x1;
	[dreg:$0x2] =	wrdreg s2  }
0xa9: {  	[dreg:$0x3] =	wrdreg s4  }
0xaa: {  	[dreg:$0x4] =	wrdreg $0xC0  }
0xab: {  	_ =	task [dreg:s6], $0x5FFFF  }
0xac: {  	[dreg:$0x1] =	wrdreg $0xFFFFFFFF  }
0xad: {  	[dreg:$0x0] =	wrdreg $0x60  }
0xae: {  	[dreg:$0x2] =	wrdreg s24  }
0xaf: {  	[dreg:$0x3] =	wrdreg $0x9  }
0xb0: {  	_ =	task.clear_ibuf [dreg:s6], $0x4FFFF;
	_ =	strace $0x90000049  }
0xb1: {  	s29 =	simm.s32 $0x9;
	_ =	strace $0x8000004B  }
0xb2: {  	_ =	swait.ge [sflag:s29], $0x1  }
0xb3: {  	[sflag:s29] =	ssyncadd.s32 $0xFFFFFFFF  }
0xb4: {  	_ =	strace $0x9000004B  }
0xb5: {  	_ =	sfence  }
0xb6: {  	s30 =	sld [smem:$0x0];
	_ =	sdelay $0x2  }
0xb7: {  	s31 =	sshll.u32 s1, $0xD;
	s1 =	sshrl.u32 s1, $0x2  }
0xb8: {  	s3 =	sand.u32 $0x4000, s31;
	s1 =	sadd.s32 s1, s30  }
0xb9: {  	s0 =	sor.u32 s3, s0;
	s1 =	sshll.u32 s1, $0x11  }
0xba: {  	s0 =	sor.u32 s1, s0  }
0xbb: {  	s0 =	sadd.s32 $0x8F2B, s0  }
0xbc: {  	[sflag:s0] =	ssyncadd.remote.s32 $0x1  }
0xbd: {  	_ =	sfence.sel $0xFFFF  }
0xbe: {  	[dreg:$0x0] =	wrdreg $0xFFFFFFFF;
	(pc) =	sbr.abs _section_cstart, $3  }
0xbf: {  	[dreg:$0x1] =	wrdreg $0xFFFFFFFF  }
0xc0: {  	_ =	task.clear_ibuf [dreg:s6], $0x2FFFF;
	_ =	strace $0x9FFFFFFF  }
0xc1: {  	(tm) =	ssettm $0x7FFFFFFF  }
tec
execute0_lowered:
.L_overlay_start_1:
0x0: {  	(tag) =	ssettag $0x1  }
0x1: {  	s0 =	rddreg [dreg:$0x0]  }
0x2: {  	s1 =	srdreg.scid;
	s5 =	stileid.u32;
	s2 =	simm.s32 $0x0  }
0x3: {  	s11 =	simm.s32 $0xA00;
	s12 =	simm.s32 $0x1200;
	[smem:$0x7FF] =	sst s2  }
0x4: {  	s13 =	simm.s32 $0x1A00;
	_ =	strace $0x8000004A;
	[dreg:$0x3] =	wrdreg s11  }
0x5: {  	s14 =	simm.s32 $0x2200;
	s15 =	simm.s32 $0x2A00;
	[dreg:$0x4] =	wrdreg s12  }
0x6: {  	s16 =	simm.s32 $0x3200;
	s17 =	simm.s32 $0x3A00;
	[dreg:$0x5] =	wrdreg s13  }
0x7: {  	s18 =	simm.s32 $0x4200;
	s20 =	simm.s32 $0x4A00;
	[dreg:$0x6] =	wrdreg s14  }
0x8: {  	s21 =	simm.s32 $0x5200;
	s23 =	simm.s32 $0x5A00;
	[dreg:$0x7] =	wrdreg s15  }
0x9: {  	s24 =	simm.s32 $0x6200;
	s25 =	simm.s32 $0x6A00;
	[dreg:$0x8] =	wrdreg s16  }
0xa: {  	s7 =	simm.s32 $0x5;
	s26 =	simm.s32 $0x7200;
	[dreg:$0x9] =	wrdreg s17  }
0xb: {  	s8 =	simm.s32 $0x200;
	s9 =	simm.s32 $0x7A00;
	[dreg:$0xa] =	wrdreg s18  }
0xc: {  	s10 =	simm.s32 $0x8200;
	s28 =	simm.s32 $0x2;
	[dreg:$0xb] =	wrdreg s20  }
0xd: {  	s29 =	simm.s32 $0x3;
	s30 =	simm.s32 $0x4;
	[dreg:$0xc] =	wrdreg s21  }
0xe: {  	s31 =	simm.s32 $0x0;
	s1 =	sand.u32 $0x1, s1;
	[dreg:$0xd] =	wrdreg s23  }
0xf: {  	s3 =	sshll.u32 s5, $0x10;
	s5 =	sshll.u32 s5, $0xA;
	[dreg:$0xe] =	wrdreg s24  }
0x10: {  	s3 =	sadd.s32 s3, s0;
	s4 =	sshll.u32 s1, $0xF;
	[dreg:$0xf] =	wrdreg s25  }
0x11: {  	s6 =	sshll.u32 s1, $0x9;
	s1 =	ssub.s32 $0x2, s1;
	[dreg:$0x10] =	wrdreg s26  }
0x12: {  	s11 =	simm.s32 $0x8A00;
	s12 =	simm.s32 $0x9200;
	s13 =	simm.s32 $0x9A00  }
0x13: {  	s14 =	simm.s32 $0xA200;
	s15 =	simm.s32 $0xAA00;
	s16 =	simm.s32 $0xB200  }
0x14: {  	s17 =	simm.s32 $0xBA00;
	s18 =	simm.s32 $0xC200;
	s20 =	simm.s32 $0xD200  }
0x15: {  	s21 =	simm.s32 $0xDA00;
	s23 =	simm.s32 $0xEA00;
	s24 =	simm.s32 $0xF200  }
0x16: {  	s25 =	simm.s32 $0xFA00;
	s26 =	simm.s32 $0x1;
	s3 =	sadd.s32 s4, s3  }
0x17: {  	s5 =	sor.u32 s6, s5;
	s19 =	sshrl.u32 s1, $0x1;
	s3 =	sadd.s32 $0x46400, s3  }
0x18: {  	s5 =	sshrl.u32 s5, $0x3;
	s1 =	ssub.s32 s1, s19;
	s19 =	simm.s32 $0xCA00  }
0x19: {  	v2 =	vlaneseq.u32;
	[dreg:$0x2] =	wrdreg s3;
	s5 =	sadd.s32 s5, s0;
	s1 =	smax.u32 s1, $0x1  }
0x1a: {  	vm0 =	vmmov $0xffff;
	v1 =	vshrl.u32 v2, $0x3;
	s3 =	sadd.s32 $0x4800, s0;
	s22 =	sadd.s32 $0x45C00, s5;
	[dreg:$0x12] =	wrdreg s1  }
0x1b: {  	v0 =	vand.u32 $0x7, v2;
	v2 =	vor.u32 $0x8, v2;
	v1 =	vmul.u32 $0x8, v1;
	s5 =	sadd.s32 $0x4900, s0;
	[dreg:$0x11] =	wrdreg s22;
	s22 =	simm.s32 $0xE200  }
.LBB2_1:
0x1c: {  	s0 =	rddreg [dreg:$0x11]  }
0x1d: {  	[tilespmem:s2], [sflag:$0x5] =	stream.linear.gather [hbm4b:s0+s2], $0x200, $0x38;
	[tilespmem:$0x10200] =	vst v63  }
0x1e: {  	_ =	swait.ge [sflag:s7], $0x200  }
0x1f: {  	[sflag:s7] =	ssyncset.done $0x0  }
0x20: {  	s1 =	simm.s32 $0x0;
	s0 =	simm.s32 $0x40;
	[sflag:s7] =	ssyncadd.s32 $0xFFFFFE00  }
.LBB2_2:
0x21: {  	v3 =	vld [tilespmem:s0+$0xFFFFFFC0];
	_ =	sdelay $0x4  }
0x22: {  	v4 =	vshll.u32 v3, $0x2  }
0x23: {  	v3 =	vand.u32 $0x7, v3;
	v4 =	vand.u32 $0xFFFFFFE0, v4  }
0x24: {  	v3 =	vor.u32 v3, v4  }
0x25: {  	v4 =	vperm.xlane v3, v0;
	_ =	sdelay $0x1  }
0x26: {  	v4 =	vadd.s32 v1, v4;
	_ =	sdelay $0x1  }
0x27: {  	v3 =	vperm.xlane v3, v2;
	_ =	sdelay $0x1  }
0x28: {  	v3 =	vadd.s32 v1, v3  }
0x29: {  	[tilespmem:s8], [sflag:$0x1] =	stream.indirect_vreg.gather [hbm4b:s3+s2], $0x80, v4, vm0, $0xb8;
	[tilespmem:$0x10200] =	vst v63  }
0x2a: {  	s4 =	rddreg [dreg:$0x3]  }
0x2b: {  	[tilespmem:s4], [sflag:$0x1] =	stream.indirect_vreg.gather [hbm4b:s5+s2], $0x80, v4, vm0, $0xb8;
	[tilespmem:$0x10200] =	vst v63  }
0x2c: {  	s6 =	rddreg [dreg:$0x4]  }
0x2d: {  	[tilespmem:s6], [sflag:$0x1] =	stream.indirect_vreg.gather [hbm4b:s3+s2], $0x80, v3, vm0, $0xb8;
	[tilespmem:$0x10200] =	vst v63  }
0x2e: {  	s4 =	rddreg [dreg:$0x5]  }
0x2f: {  	[tilespmem:s4], [sflag:$0x1] =	stream.indirect_vreg.gather [hbm4b:s5+s2], $0x80, v3, vm0, $0xb8;
	[tilespmem:$0x10200] =	vst v63  }
0x30: {  	v3 =	vld [tilespmem:s0+$0xFFFFFFD0];
	_ =	sdelay $0x4  }
0x31: {  	v57 =	vshll.u32 v3, $0x2  }
0x32: {  	v3 =	vand.u32 $0x7, v3;
	v4 =	vand.u32 $0xFFFFFFE0, v57  }
0x33: {  	v3 =	vor.u32 v3, v4  }
0x34: {  	v4 =	vperm.xlane v3, v0;
	_ =	sdelay $0x1  }
0x35: {  	v4 =	vadd.s32 v1, v4;
	_ =	sdelay $0x1  }
0x36: {  	v3 =	vperm.xlane v3, v2;
	_ =	sdelay $0x1  }
0x37: {  	s4 =	rddreg [dreg:$0x6];
	v3 =	vadd.s32 v1, v3  }
0x38: {  	[tilespmem:s4], [sflag:$0x1] =	stream.indirect_vreg.gather [hbm4b:s3+s2], $0x80, v4, vm0, $0xb8;
	[tilespmem:$0x10200] =	vst v63  }
0x39: {  	s6 =	rddreg [dreg:$0x7]  }
0x3a: {  	[tilespmem:s6], [sflag:$0x1] =	stream.indirect_vreg.gather [hbm4b:s5+s2], $0x80, v4, vm0, $0xb8;
	[tilespmem:$0x10200] =	vst v63  }
0x3b: {  	s4 =	rddreg [dreg:$0x8]  }
0x3c: {  	[tilespmem:s4], [sflag:$0x1] =	stream.indirect_vreg.gather [hbm4b:s3+s2], $0x80, v3, vm0, $0xb8;
	[tilespmem:$0x10200] =	vst v63  }
0x3d: {  	s6 =	rddreg [dreg:$0x9]  }
0x3e: {  	[tilespmem:s6], [sflag:$0x1] =	stream.indirect_vreg.gather [hbm4b:s5+s2], $0x80, v3, vm0, $0xb8;
	[tilespmem:$0x10200] =	vst v63  }
0x3f: {  	v3 =	vld [tilespmem:s0+$0xFFFFFFE0];
	_ =	sdelay $0x4  }
0x40: {  	v58 =	vshll.u32 v3, $0x2  }
0x41: {  	v3 =	vand.u32 $0x7, v3;
	v4 =	vand.u32 $0xFFFFFFE0, v58  }
0x42: {  	v3 =	vor.u32 v3, v4  }
0x43: {  	v4 =	vperm.xlane v3, v0;
	_ =	sdelay $0x1  }
0x44: {  	v4 =	vadd.s32 v1, v4;
	_ =	sdelay $0x1  }
0x45: {  	v3 =	vperm.xlane v3, v2;
	_ =	sdelay $0x1  }
0x46: {  	s4 =	rddreg [dreg:$0xa];
	v3 =	vadd.s32 v1, v3  }
0x47: {  	[tilespmem:s4], [sflag:$0x1] =	stream.indirect_vreg.gather [hbm4b:s3+s2], $0x80, v4, vm0, $0xb8;
	[tilespmem:$0x10200] =	vst v63  }
0x48: {  	s6 =	rddreg [dreg:$0xb]  }
0x49: {  	[tilespmem:s6], [sflag:$0x1] =	stream.indirect_vreg.gather [hbm4b:s5+s2], $0x80, v4, vm0, $0xb8;
	[tilespmem:$0x10200] =	vst v63  }
0x4a: {  	s4 =	rddreg [dreg:$0xc]  }
0x4b: {  	[tilespmem:s4], [sflag:$0x1] =	stream.indirect_vreg.gather [hbm4b:s3+s2], $0x80, v3, vm0, $0xb8;
	[tilespmem:$0x10200] =	vst v63  }
0x4c: {  	s6 =	rddreg [dreg:$0xd]  }
0x4d: {  	[tilespmem:s6], [sflag:$0x1] =	stream.indirect_vreg.gather [hbm4b:s5+s2], $0x80, v3, vm0, $0xb8;
	[tilespmem:$0x10200] =	vst v63  }
0x4e: {  	v3 =	vld [tilespmem:s0+$0xFFFFFFF0];
	_ =	sdelay $0x4  }
0x4f: {  	v59 =	vshll.u32 v3, $0x2  }
0x50: {  	v3 =	vand.u32 $0x7, v3;
	v4 =	vand.u32 $0xFFFFFFE0, v59  }
0x51: {  	v3 =	vor.u32 v3, v4  }
0x52: {  	v4 =	vperm.xlane v3, v0;
	_ =	sdelay $0x1  }
0x53: {  	v4 =	vadd.s32 v1, v4;
	_ =	sdelay $0x1  }
0x54: {  	v3 =	vperm.xlane v3, v2;
	_ =	sdelay $0x1  }
0x55: {  	s4 =	rddreg [dreg:$0xe];
	v3 =	vadd.s32 v1, v3  }
0x56: {  	[tilespmem:s4], [sflag:$0x1] =	stream.indirect_vreg.gather [hbm4b:s3+s2], $0x80, v4, vm0, $0xb8;
	[tilespmem:$0x10200] =	vst v63  }
0x57: {  	s6 =	rddreg [dreg:$0xf]  }
0x58: {  	[tilespmem:s6], [sflag:$0x1] =	stream.indirect_vreg.gather [hbm4b:s5+s2], $0x80, v4, vm0, $0xb8;
	[tilespmem:$0x10200] =	vst v63  }
0x59: {  	s4 =	rddreg [dreg:$0x10]  }
0x5a: {  	[tilespmem:s4], [sflag:$0x1] =	stream.indirect_vreg.gather [hbm4b:s3+s2], $0x80, v3, vm0, $0xb8;
	[tilespmem:$0x10200] =	vst v63  }
0x5b: {  	_ = 	snop  }
0x5c: {  	[tilespmem:s9], [sflag:$0x1] =	stream.indirect_vreg.gather [hbm4b:s5+s2], $0x80, v3, vm0, $0xb8;
	[tilespmem:$0x10200] =	vst v63  }
0x5d: {  	v3 =	vld [tilespmem:s0+$0x0];
	_ =	sdelay $0x4  }
0x5e: {  	v60 =	vshll.u32 v3, $0x2  }
0x5f: {  	v3 =	vand.u32 $0x7, v3;
	v4 =	vand.u32 $0xFFFFFFE0, v60  }
0x60: {  	v3 =	vor.u32 v3, v4  }
0x61: {  	v4 =	vperm.xlane v3, v0;
	_ =	sdelay $0x1  }
0x62: {  	v4 =	vadd.s32 v1, v4;
	_ =	sdelay $0x1  }
0x63: {  	v3 =	vperm.xlane v3, v2;
	_ =	sdelay $0x1  }
0x64: {  	v3 =	vadd.s32 v1, v3  }
0x65: {  	[tilespmem:s10], [sflag:$0x2] =	stream.indirect_vreg.gather [hbm4b:s3+s2], $0x80, v4, vm0, $0xb8;
	[tilespmem:$0x10200] =	vst v63  }
0x66: {  	_ = 	snop  }
0x67: {  	[tilespmem:s11], [sflag:$0x2] =	stream.indirect_vreg.gather [hbm4b:s5+s2], $0x80, v4, vm0, $0xb8;
	[tilespmem:$0x10200] =	vst v63  }
0x68: {  	_ = 	snop  }
0x69: {  	[tilespmem:s12], [sflag:$0x2] =	stream.indirect_vreg.gather [hbm4b:s3+s2], $0x80, v3, vm0, $0xb8;
	[tilespmem:$0x10200] =	vst v63  }
0x6a: {  	_ = 	snop  }
0x6b: {  	[tilespmem:s13], [sflag:$0x2] =	stream.indirect_vreg.gather [hbm4b:s5+s2], $0x80, v3, vm0, $0xb8;
	[tilespmem:$0x10200] =	vst v63  }
0x6c: {  	v3 =	vld [tilespmem:s0+$0x10];
	_ =	sdelay $0x4  }
0x6d: {  	v61 =	vshll.u32 v3, $0x2  }
0x6e: {  	v3 =	vand.u32 $0x7, v3;
	v4 =	vand.u32 $0xFFFFFFE0, v61  }
0x6f: {  	v3 =	vor.u32 v3, v4  }
0x70: {  	v4 =	vperm.xlane v3, v0;
	_ =	sdelay $0x1  }
0x71: {  	v4 =	vadd.s32 v1, v4;
	_ =	sdelay $0x1  }
0x72: {  	v3 =	vperm.xlane v3, v2;
	_ =	sdelay $0x1  }
0x73: {  	v3 =	vadd.s32 v1, v3  }
0x74: {  	[tilespmem:s14], [sflag:$0x2] =	stream.indirect_vreg.gather [hbm4b:s3+s2], $0x80, v4, vm0, $0xb8;
	[tilespmem:$0x10200] =	vst v63  }
0x75: {  	_ = 	snop  }
0x76: {  	[tilespmem:s15], [sflag:$0x2] =	stream.indirect_vreg.gather [hbm4b:s5+s2], $0x80, v4, vm0, $0xb8;
	[tilespmem:$0x10200] =	vst v63  }
0x77: {  	_ = 	snop  }
0x78: {  	[tilespmem:s16], [sflag:$0x2] =	stream.indirect_vreg.gather [hbm4b:s3+s2], $0x80, v3, vm0, $0xb8;
	[tilespmem:$0x10200] =	vst v63  }
0x79: {  	_ = 	snop  }
0x7a: {  	[tilespmem:s17], [sflag:$0x2] =	stream.indirect_vreg.gather [hbm4b:s5+s2], $0x80, v3, vm0, $0xb8;
	[tilespmem:$0x10200] =	vst v63  }
0x7b: {  	v3 =	vld [tilespmem:s0+$0x20];
	_ =	sdelay $0x4  }
0x7c: {  	v62 =	vshll.u32 v3, $0x2  }
0x7d: {  	v3 =	vand.u32 $0x7, v3;
	v4 =	vand.u32 $0xFFFFFFE0, v62  }
0x7e: {  	v3 =	vor.u32 v3, v4  }
0x7f: {  	v4 =	vperm.xlane v3, v0;
	_ =	sdelay $0x1  }
0x80: {  	v4 =	vadd.s32 v1, v4;
	_ =	sdelay $0x1  }
0x81: {  	v3 =	vperm.xlane v3, v2;
	_ =	sdelay $0x1  }
0x82: {  	v3 =	vadd.s32 v1, v3  }
0x83: {  	[tilespmem:s18], [sflag:$0x2] =	stream.indirect_vreg.gather [hbm4b:s3+s2], $0x80, v4, vm0, $0xb8;
	[tilespmem:$0x10200] =	vst v63  }
0x84: {  	_ = 	snop  }
0x85: {  	[tilespmem:s19], [sflag:$0x2] =	stream.indirect_vreg.gather [hbm4b:s5+s2], $0x80, v4, vm0, $0xb8;
	[tilespmem:$0x10200] =	vst v63  }
0x86: {  	_ = 	snop  }
0x87: {  	[tilespmem:s20], [sflag:$0x2] =	stream.indirect_vreg.gather [hbm4b:s3+s2], $0x80, v3, vm0, $0xb8;
	[tilespmem:$0x10200] =	vst v63  }
0x88: {  	_ = 	snop  }
0x89: {  	[tilespmem:s21], [sflag:$0x2] =	stream.indirect_vreg.gather [hbm4b:s5+s2], $0x80, v3, vm0, $0xb8;
	[tilespmem:$0x10200] =	vst v63  }
0x8a: {  	v3 =	vld [tilespmem:s0+$0x30];
	_ =	sdelay $0x4  }
0x8b: {  	v63 =	vshll.u32 v3, $0x2  }
0x8c: {  	v3 =	vand.u32 $0x7, v3;
	v4 =	vand.u32 $0xFFFFFFE0, v63  }
0x8d: {  	v3 =	vor.u32 v3, v4  }
0x8e: {  	v4 =	vperm.xlane v3, v0;
	_ =	sdelay $0x1  }
0x8f: {  	v4 =	vadd.s32 v1, v4;
	_ =	sdelay $0x1  }
0x90: {  	v3 =	vperm.xlane v3, v2;
	_ =	sdelay $0x1  }
0x91: {  	v3 =	vadd.s32 v1, v3  }
0x92: {  	[tilespmem:s22], [sflag:$0x2] =	stream.indirect_vreg.gather [hbm4b:s3+s2], $0x80, v4, vm0, $0xb8;
	[tilespmem:$0x10200] =	vst v63  }
0x93: {  	_ = 	snop  }
0x94: {  	[tilespmem:s23], [sflag:$0x2] =	stream.indirect_vreg.gather [hbm4b:s5+s2], $0x80, v4, vm0, $0xb8;
	[tilespmem:$0x10200] =	vst v63  }
0x95: {  	_ = 	snop  }
0x96: {  	[tilespmem:s24], [sflag:$0x2] =	stream.indirect_vreg.gather [hbm4b:s3+s2], $0x80, v3, vm0, $0xb8;
	[tilespmem:$0x10200] =	vst v63  }
0x97: {  	_ = 	snop  }
0x98: {  	[tilespmem:s25], [sflag:$0x2] =	stream.indirect_vreg.gather [hbm4b:s5+s2], $0x80, v3, vm0, $0xb8;
	[tilespmem:$0x10200] =	vst v63  }
0x99: {  	_ =	swait.ge [sflag:s26], $0x8000  }
0x9a: {  	s6 =	rddreg [dreg:$0x2];
	[sflag:s26] =	ssyncset.done $0x0  }
0x9b: {  	[sflag:s26] =	ssyncadd.s32 $0xFFFF8000;
	s4 =	sadd.s32 s1, s6  }
0x9c: {  	[hbm4b:s4+s2] =	stream.linear.scatter [tilespmem:s8], [sflag:$0x3], $0x8000, $0x38;
	[tilespmem:$0x10200] =	vst v63  }
0x9d: {  	_ =	swait.ge [sflag:s28], $0x8000  }
0x9e: {  	[sflag:s28] =	ssyncset.done $0x0  }
0x9f: {  	s4 =	sadd.s32 $0x1000, s4;
	[sflag:s28] =	ssyncadd.s32 $0xFFFF8000  }
0xa0: {  	[hbm4b:s4+s2] =	stream.linear.scatter [tilespmem:s10], [sflag:$0x4], $0x8000, $0x38;
	[tilespmem:$0x10200] =	vst v63  }
0xa1: {  	p0 =	sne.s32 s1, $0x6000;
	_ =	swait.ge [sflag:s29], $0x8000  }
.Ltmp0:
0xa2: {  	[sflag:s29] =	ssyncset.done $0x0;
	(pc) =	sbr.rel @p0 .LBB2_2-.Ltmp0, $4  }
0xa3: {  	[sflag:s29] =	ssyncadd.s32 $0xFFFF8000  }
0xa4: {  	_ =	swait.ge [sflag:s30], $0x8000  }
0xa5: {  	[sflag:s30] =	ssyncset.done $0x0  }
0xa6: {  	s0 =	sadd.s32 $0x80, s0;
	s1 =	sadd.s32 $0x2000, s1;
	[sflag:s30] =	ssyncadd.s32 $0xFFFF8000  }
0xa7: {  	s31 =	sadd.s32 $0x1, s31;
	s0 =	rddreg [dreg:$0x12]  }
0xa8: {  	p0 =	sne.s32 s31, s0  }
.Ltmp1:
0xa9: {  	_ = 	snop;
	(pc) =	sbr.rel @p0 .LBB2_1-.Ltmp1, $1  }
0xaa: {  	_ =	sdelay $0x3  }
0xab: {  	_ =	sfence.sel $0x180000  }
0xac: {  	[bflag:$0x0] =	sbarrier.arrive $0xFFFF  }
0xad: {  	_ =	strace $0x9000004A  }
0xae: {  	s0 =	stileid.u32;
	[bflag:$0x2] =	sbarrier.arrive $0xFFFF  }
0xaf: {  	p0 =	sne.s32 s0, $0x0;
	s0 =	rddreg [dreg:$0x1]  }
0xb0: {  	s0 =	sadd.s32 @!p0 $0x100000, s0  }
0xb1: {  	[sflag:s0] =	ssyncadd.tile.s32 @!p0 $0x1;
	_ =	shalt  }
.Lfunc_end2:
_tile_overlayer_lowered:
.L_overlay_start_2:
0xb2: {  	(tag) =	ssettag $0x2  }
0xb3: {  	s0 =	rddreg [dreg:$0x0];
	s2 =	stileid.u32  }
0xb4: {  	s1 =	rddreg [dreg:$0x1];
	p0 =	sne.s32 s2, $0x0  }
0xb5: {  	s3 =	rddreg [dreg:$0x2];
	[bflag:$0x3] =	sbarrier.arrive $0xFFFF;
	s2 =	simm.s32 @!p0 $0x1C05  }
0xb6: {  	[timem:s3], [sflag:s2] =	dma.local @!p0 [hbm:s0], s1  }
0xb7: {  	s0 =	simm.s32 @!p0 $0x5  }
0xb8: {  	_ =	swait.ge @!p0 [sflag:s0], s1  }
0xb9: {  	s1 =	ssub.s32 @!p0 $0x0, s1;
	[sflag:s0] =	ssyncset.done @!p0 $0x0  }
0xba: {  	[sflag:s0] =	ssyncadd.s32 @!p0 s1  }
0xbb: {  	[bflag:$0x3] =	sbarrier.arrive $0xFFFF  }
0xbc: {  	_ =	shalt  }

// kernel: kernel.19.cloned.1.call-start
scs
__scs_entry_jumppad:
0x0: {  	(pc) =	sbr.rel $0x88, $3  }
0x1: {  	(tag) =	ssettag $0x0;
	lr =	simm.s32 $0x1  }
0x2: {  	[smem:$0x3F8A] =	sst lr;
	_ =	strace $0xD0000000  }
0x3: {  	_ = 	snop  }
0x4: {  	_ = 	snop  }
0x5: {  	_ = 	snop  }
0x6: {  	_ = 	snop  }
0x7: {  	_ = 	snop  }
__scs_overlays_trampoline_lowered:
0x8: {  	[smem:$0x3F99] =	sst s0  }
0x9: {  	[smem:$0x3F9A] =	sst s1  }
0xa: {  	[smem:$0x3F9B] =	sst s2  }
0xb: {  	[smem:$0x3F9C] =	sst s3  }
0xc: {  	[smem:$0x3F9D] =	sst s4  }
0xd: {  	[smem:$0x3F9E] =	sst s5  }
0xe: {  	[smem:$0x3F9F] =	sst s6  }
0xf: {  	[smem:$0x3FA0] =	sst s7  }
0x10: {  	[smem:$0x3FA1] =	sst s8  }
0x11: {  	[smem:$0x3FA2] =	sst s9;
	s0 =	simm.s32 @!p0 $0x0  }
0x12: {  	s1 =	sld [smem:$0x3F88];
	s0 =	simm.s32 @p0 $0x1  }
0x13: {  	[smem:$0x3FA3] =	sst s0;
	s0 =	simm.s32 @!p1 $0x0  }
0x14: {  	s2 =	sld [smem:$0x3F87];
	s0 =	simm.s32 @p1 $0x1  }
0x15: {  	[smem:$0x3FA4] =	sst s0;
	s0 =	simm.s32 @!p2 $0x0  }
0x16: {  	s3 =	sld [smem:$0x3FDB];
	s0 =	simm.s32 @p2 $0x1  }
0x17: {  	s4 =	simm.s32 $0x1BF5;
	[smem:$0x3FA6] =	sst s0  }
0x18: {  	s0 =	sld [smem:$0x3F89];
	_ =	swait.ge [sflag:s4], $0x0  }
0x19: {  	s7 =	sld [smem:$0x3F8A]  }
0x1a: {  	s8 =	sadd.s32 $0xFFFFE003, lr  }
0x1b: {  	s9 =	sadd.s32 $0xFFFFFEF7, lr;
	s5 =	simm.s32 $0xFFFFFFFF;
	p2 =	slt.u32 s8, $0xFFFFF086  }
0x1c: {  	p1 =	slt.u32 s9, $0xF7A;
	s5 =	simm.s32 @!p2 $0x0  }
0x1d: {  	s5 =	simm.s32 @p1 $0x1;
	p0 =	seq.s32 s7, s2  }
0x1e: {  	s7 =	smul.u32 @!p0 $0xF7A, s2;
	p2 =	seq.s32 @!p0 s5, $0x0  }
0x1f: {  	s9 =	smul.u32 $0xF7A, s1;
	s8 =	simm.s32 @!p0 $0x1BF5;
	p2 =	por !p2, p0  }
0x20: {  	[sflag:s8] =	ssyncset.s32 @!p0 $0xFFFFF086;
	s6 =	sadd.s32 @!p0 s3, s7;
	s7 =	simm.s32 @!p0 $0x108  }
0x21: {  	s3 =	sadd.s32 s3, s9;
	s6 =	sadd.s32 @!p0 $0x88, s6;
	s7 =	simm.s32 @p2 $0x1082  }
0x22: {  	[simem:s7], [sflag:s8] =	dma.local @!p0 [hbm:s6], $0xF7A  }
0x23: {  	s9 =	sor.u32 $0xD0000000, s2;
	s6 =	simm.s32 $0x108;
	_ =	swait.ge @!p0 [sflag:s8], $0x0  }
0x24: {  	s3 =	sadd.s32 $0x88, s3;
	s6 =	simm.s32 @!p1 $0x1082;
	[sflag:s4] =	ssyncset.s32 $0xFFFFF086  }
0x25: {  	[simem:s6], [sflag:s4] =	dma.local [hbm:s3], $0xF7A  }
0x26: {  	[smem:$0x3F8A] =	sst s1;
	(tag) =	ssettag s2;
	_ =	strace s9  }
0x27: {  	s1 =	sld [smem:$0x3F9A]  }
0x28: {  	s2 =	sld [smem:$0x3F9B]  }
0x29: {  	s4 =	sld [smem:$0x3F9D]  }
0x2a: {  	p0 =	seq.s32 s5, $0x0;
	s5 =	sld [smem:$0x3F9E]  }
0x2b: {  	s6 =	sld [smem:$0x3F9F]  }
0x2c: {  	s7 =	sld [smem:$0x3FA0]  }
0x2d: {  	s3 =	simm.s32 $0x108;
	s8 =	sld [smem:$0x3FA1]  }
0x2e: {  	s3 =	simm.s32 @!p0 $0x1082;
	s9 =	sld [smem:$0x3FA2]  }
0x2f: {  	lr =	sadd.s32 s0, s3;
	s0 =	sld [smem:$0x3F99]  }
0x30: {  	s3 =	sld [smem:$0x3F9C]  }
0x31: {  	[smem:$0x3FA5] =	sst s10  }
0x32: {  	s10 =	sld [smem:$0x3FA3];
	_ =	sdelay $0x3  }
0x33: {  	p0 =	seq.s32 s10, $0x1;
	s10 =	sld [smem:$0x3FA5];
	_ =	sdelay $0x3  }
0x34: {  	[smem:$0x3FA5] =	sst s10  }
0x35: {  	s10 =	sld [smem:$0x3FA4];
	_ =	sdelay $0x3  }
0x36: {  	p1 =	seq.s32 s10, $0x1;
	s10 =	sld [smem:$0x3FA5];
	_ =	sdelay $0x3  }
0x37: {  	[smem:$0x3FA5] =	sst s10  }
0x38: {  	s10 =	sld [smem:$0x3FA6]  }
0x39: {  	_ = 	snop;
	(pc) =	sbr.ind lr, $3  }
0x3a: {  	_ = 	snop  }
0x3b: {  	_ = 	snop  }
0x3c: {  	p2 =	seq.s32 s10, $0x1;
	s10 =	sld [smem:$0x3FA5]  }
0x3d: {  	_ =	shalt  }
0x3e: {  	_ =	shalt  }
0x3f: {  	_ =	shalt  }
0x40: {  	_ =	shalt  }
0x41: {  	_ =	shalt  }
0x42: {  	_ =	shalt  }
0x43: {  	_ =	shalt  }
0x44: {  	_ =	shalt  }
0x45: {  	_ =	shalt  }
0x46: {  	_ =	shalt  }
0x47: {  	_ =	shalt  }
0x48: {  	_ =	shalt  }
0x49: {  	_ =	shalt  }
0x4a: {  	_ =	shalt  }
0x4b: {  	_ =	shalt  }
0x4c: {  	_ =	shalt  }
0x4d: {  	_ =	shalt  }
0x4e: {  	_ =	shalt  }
0x4f: {  	_ =	shalt  }
0x50: {  	_ =	shalt  }
0x51: {  	_ =	shalt  }
0x52: {  	_ =	shalt  }
0x53: {  	_ =	shalt  }
0x54: {  	_ =	shalt  }
0x55: {  	_ =	shalt  }
0x56: {  	_ =	shalt  }
0x57: {  	_ =	shalt  }
0x58: {  	_ =	shalt  }
0x59: {  	_ =	shalt  }
0x5a: {  	_ =	shalt  }
0x5b: {  	_ =	shalt  }
0x5c: {  	_ =	shalt  }
0x5d: {  	_ =	shalt  }
0x5e: {  	_ =	shalt  }
0x5f: {  	_ =	shalt  }
0x60: {  	_ =	shalt  }
0x61: {  	_ =	shalt  }
0x62: {  	_ =	shalt  }
0x63: {  	_ =	shalt  }
0x64: {  	_ =	shalt  }
0x65: {  	_ =	shalt  }
0x66: {  	_ =	shalt  }
0x67: {  	_ =	shalt  }
0x68: {  	_ =	shalt  }
0x69: {  	_ =	shalt  }
0x6a: {  	_ =	shalt  }
0x6b: {  	_ =	shalt  }
0x6c: {  	_ =	shalt  }
0x6d: {  	_ =	shalt  }
0x6e: {  	_ =	shalt  }
0x6f: {  	_ =	shalt  }
0x70: {  	_ =	shalt  }
0x71: {  	_ =	shalt  }
0x72: {  	_ =	shalt  }
0x73: {  	_ =	shalt  }
0x74: {  	_ =	shalt  }
0x75: {  	_ =	shalt  }
0x76: {  	_ =	shalt  }
0x77: {  	_ =	shalt  }
0x78: {  	_ =	shalt  }
0x79: {  	_ =	shalt  }
0x7a: {  	_ =	shalt  }
0x7b: {  	_ =	shalt  }
0x7c: {  	_ =	shalt  }
0x7d: {  	_ =	shalt  }
0x7e: {  	_ =	shalt  }
0x7f: {  	_ =	shalt  }
0x80: {  	_ =	shalt  }
0x81: {  	_ =	shalt  }
0x82: {  	_ =	shalt  }
0x83: {  	_ =	shalt  }
0x84: {  	_ =	shalt  }
0x85: {  	_ =	shalt  }
0x86: {  	_ =	shalt  }
0x87: {  	_ =	shalt  }
.Lfunc_end0:
.L_simem_size_0:
called_computation.2_lowered:
.L_overlay_start_0:
0x88: {  	s2 =	sld [smem:$0x3FD9]  }
0x89: {  	s3 =	sld [smem:$0x3FFE];
	_ =	sdelay $0x1  }
0x8a: {  	s1 =	srdreg.scid  }
0x8b: {  	s0 =	sand.u32 $0x1, s1  }
0x8c: {  	s16 =	sshll.u32 s0, $0xA;
	s2 =	sadd.s32 s3, s2  }
0x8d: {  	s2 =	sadd.s32 s2, s16  }
0x8e: {  	[smem:$0x3FB1] =	sst s2  }
0x8f: {  	_ = 	snop  }
0x90: {  	(tm) =	ssettm $0x1  }
0x91: {  	s17 =	sld [smem:$0x3FFB];
	_ =	sdelay $0x3  }
0x92: {  	_ =	strace s17  }
0x93: {  	s2 =	sld [smem:$0x3FFC];
	_ =	sdelay $0x3  }
0x94: {  	_ =	strace s2  }
0x95: {  	s2 =	sld [smem:$0x3FFD];
	_ =	sdelay $0x3  }
0x96: {  	_ =	strace s2  }
0x97: {  	_ =	strace $0x8FFFFFFF  }
0x98: {  	s18 =	sld [smem:$0x3FDB];
	_ =	sdelay $0x1  }
0x99: {  	s19 =	simm.s32 $_scs_section_size  }
0x9a: {  	s4 =	simm.s32 $_size__tile_overlayer_lowered;
	s5 =	simm.s32 $_tile_overlayer_lowered  }
0x9b: {  	s22 =	simm.s32 $0x1BFF;
	s21 =	sshll.u32 s5, $0x1;
	s2 =	sadd.s32 s19, s18  }
0x9c: {  	s6 =	simm.s32 $0x0;
	s20 =	sshll.u32 s4, $0x1;
	s4 =	sadd.s32 s21, s2  }
0x9d: {  	[timem:s6], [sflag:s22] =	dma.local [hbm:s4], s20  }
0x9e: {  	_ =	swait.ge [sflag:s22], s20  }
0x9f: {  	s3 =	ssub.s32 $0x0, s20;
	[sflag:s22] =	ssyncset.done $0x0  }
0xa0: {  	[sflag:s22] =	ssyncadd.s32 s3;
	_ =	sdelay $0x1  }
0xa1: {  	s23 =	simm.s32 $0x1B8B  }
0xa2: {  	_ =	swait.ge [sflag:s23], $0x1  }
0xa3: {  	[sflag:s23] =	ssyncset.done $0x0  }
0xa4: {  	s25 =	simm.s32 $0x1B8E;
	s24 =	sld [smem:$0x3FFE];
	[sflag:s23] =	ssyncadd.s32 $0xFFFFFFFF  }
0xa5: {  	s26 =	simm.s32 $execute0_lowered;
	[smem:$0x3FD2] =	sst s25  }
0xa6: {  	s4 =	sshll.u32 s26, $0x1;
	_ =	strace $0x8000004C;
	[dreg:$0x1] =	wrdreg $0xFFFFFFFF  }
0xa7: {  	s28 =	simm.s32 $_size_execute0_lowered;
	s2 =	sadd.s32 s2, s4;
	[dreg:$0x0] =	wrdreg $0x0  }
0xa8: {  	s4 =	sshll.u32 s28, $0x1;
	[dreg:$0x2] =	wrdreg s2  }
0xa9: {  	[dreg:$0x3] =	wrdreg s4  }
0xaa: {  	[dreg:$0x4] =	wrdreg $0xC0  }
0xab: {  	_ =	task [dreg:s6], $0x5FFFF  }
0xac: {  	[dreg:$0x1] =	wrdreg $0xFFFFFFFF  }
0xad: {  	[dreg:$0x0] =	wrdreg $0x60  }
0xae: {  	[dreg:$0x2] =	wrdreg s24  }
0xaf: {  	[dreg:$0x3] =	wrdreg $0x9  }
0xb0: {  	_ =	task.clear_ibuf [dreg:s6], $0x4FFFF;
	_ =	strace $0x9000004C  }
0xb1: {  	s29 =	simm.s32 $0x9;
	_ =	strace $0x8000004E  }
0xb2: {  	_ =	swait.ge [sflag:s29], $0x1  }
0xb3: {  	[sflag:s29] =	ssyncadd.s32 $0xFFFFFFFF  }
0xb4: {  	_ =	strace $0x9000004E  }
0xb5: {  	_ =	sfence  }
0xb6: {  	s30 =	sld [smem:$0x0];
	_ =	sdelay $0x2  }
0xb7: {  	s31 =	sshll.u32 s1, $0xD;
	s1 =	sshrl.u32 s1, $0x2  }
0xb8: {  	s3 =	sand.u32 $0x4000, s31;
	s1 =	sadd.s32 s1, s30  }
0xb9: {  	s0 =	sor.u32 s3, s0;
	s1 =	sshll.u32 s1, $0x11  }
0xba: {  	s0 =	sor.u32 s1, s0  }
0xbb: {  	s0 =	sadd.s32 $0x8F2B, s0  }
0xbc: {  	[sflag:s0] =	ssyncadd.remote.s32 $0x1  }
0xbd: {  	_ =	sfence.sel $0xFFFF  }
0xbe: {  	[dreg:$0x0] =	wrdreg $0xFFFFFFFF;
	(pc) =	sbr.abs _section_cstart, $3  }
0xbf: {  	[dreg:$0x1] =	wrdreg $0xFFFFFFFF  }
0xc0: {  	_ =	task.clear_ibuf [dreg:s6], $0x2FFFF;
	_ =	strace $0x9FFFFFFF  }
0xc1: {  	(tm) =	ssettm $0x7FFFFFFF  }
tec
execute0_lowered:
.L_overlay_start_1:
0x0: {  	(tag) =	ssettag $0x1  }
0x1: {  	s0 =	srdreg.scid  }
0x2: {  	s3 =	stileid.u32;
	s5 =	rddreg [dreg:$0x0]  }
0x3: {  	s2 =	simm.s32 $0x0;
	s21 =	simm.s32 $0x980;
	s22 =	simm.s32 $0x1180  }
0x4: {  	s23 =	simm.s32 $0x1980;
	s24 =	simm.s32 $0x2180;
	s25 =	simm.s32 $0x2980  }
0x5: {  	s7 =	simm.s32 $0x5;
	s26 =	simm.s32 $0x3180;
	s8 =	simm.s32 $0x180  }
0x6: {  	s9 =	simm.s32 $0x3980;
	s10 =	simm.s32 $0x4180;
	s11 =	simm.s32 $0x4980  }
0x7: {  	s12 =	simm.s32 $0x5180;
	s13 =	simm.s32 $0x5980;
	s14 =	simm.s32 $0x6180  }
0x8: {  	s15 =	simm.s32 $0x6980;
	s16 =	simm.s32 $0x7180;
	s17 =	simm.s32 $0x7980  }
0x9: {  	s18 =	simm.s32 $0x8180;
	s19 =	simm.s32 $0x8980;
	[smem:$0x7FF] =	sst s2  }
0xa: {  	s28 =	simm.s32 $0x2;
	_ =	strace $0x8000004D;
	[dreg:$0x3] =	wrdreg s21  }
0xb: {  	s29 =	simm.s32 $0x3;
	s30 =	simm.s32 $0x4;
	[dreg:$0x4] =	wrdreg s22  }
0xc: {  	s31 =	simm.s32 $0x0;
	s0 =	sand.u32 $0x1, s0;
	[dreg:$0x5] =	wrdreg s23  }
0xd: {  	s1 =	sshll.u32 s3, $0x1;
	s3 =	smul.u32 $0xC000, s3;
	[dreg:$0x6] =	wrdreg s24  }
0xe: {  	s1 =	sor.u32 s0, s1;
	s4 =	smul.u32 $0x6000, s0;
	[dreg:$0x7] =	wrdreg s25  }
0xf: {  	s0 =	ssub.s32 $0x2, s0;
	[dreg:$0x8] =	wrdreg s26;
	s21 =	simm.s32 $0x9980  }
0x10: {  	s22 =	simm.s32 $0xA180;
	s23 =	simm.s32 $0xA980;
	s24 =	simm.s32 $0xB180  }
0x11: {  	s25 =	simm.s32 $0xB980;
	s1 =	smul.u32 $0x180, s1;
	s6 =	sadd.s32 s3, s5  }
0x12: {  	s26 =	simm.s32 $0x1;
	s20 =	sshrl.u32 s0, $0x1;
	s4 =	sadd.s32 s4, s6  }
0x13: {  	s0 =	ssub.s32 s0, s20;
	s1 =	sshrl.u32 s1, $0x3;
	s4 =	sadd.s32 $0x4800, s4  }
0x14: {  	v2 =	vlaneseq.u32;
	s0 =	smax.u32 s0, $0x1;
	s1 =	sadd.s32 s1, s5;
	[dreg:$0x2] =	wrdreg s4  }
0x15: {  	vm0 =	vmmov $0xffff;
	v1 =	vshrl.u32 v2, $0x3;
	s3 =	sadd.s32 $0x146400, s5;
	[dreg:$0xa] =	wrdreg s0;
	s1 =	sadd.s32 $0x4200, s1  }
0x16: {  	v0 =	vand.u32 $0x7, v2;
	v2 =	vor.u32 $0x8, v2;
	v1 =	vmul.u32 $0x8, v1;
	s20 =	simm.s32 $0x9180;
	s5 =	sadd.s32 $0x146500, s5;
	[dreg:$0x9] =	wrdreg s1  }
.LBB2_1:
0x17: {  	s0 =	rddreg [dreg:$0x9]  }
0x18: {  	[tilespmem:s2], [sflag:$0x5] =	stream.linear.gather [hbm4b:s0+s2], $0x180, $0x38;
	[tilespmem:$0xC180] =	vst v63  }
0x19: {  	_ =	swait.ge [sflag:s7], $0x180  }
0x1a: {  	[sflag:s7] =	ssyncset.done $0x0  }
0x1b: {  	s1 =	simm.s32 $0x30;
	s0 =	simm.s32 $0x0;
	[sflag:s7] =	ssyncadd.s32 $0xFFFFFE80  }
.LBB2_2:
0x1c: {  	v3 =	vld [tilespmem:s1+$0xFFFFFFD0];
	_ =	sdelay $0x4  }
0x1d: {  	v4 =	vshll.u32 v3, $0x2  }
0x1e: {  	v3 =	vand.u32 $0x7, v3;
	v4 =	vand.u32 $0xFFFFFFE0, v4  }
0x1f: {  	v3 =	vor.u32 v3, v4  }
0x20: {  	v4 =	vperm.xlane v3, v0;
	_ =	sdelay $0x1  }
0x21: {  	v4 =	vadd.s32 v1, v4;
	_ =	sdelay $0x1  }
0x22: {  	v3 =	vperm.xlane v3, v2;
	_ =	sdelay $0x1  }
0x23: {  	v3 =	vadd.s32 v1, v3  }
0x24: {  	[tilespmem:s8], [sflag:$0x1] =	stream.indirect_vreg.gather [hbm4b:s3+s2], $0x80, v4, vm0, $0xb8;
	[tilespmem:$0xC180] =	vst v63  }
0x25: {  	s4 =	rddreg [dreg:$0x3]  }
0x26: {  	[tilespmem:s4], [sflag:$0x1] =	stream.indirect_vreg.gather [hbm4b:s5+s2], $0x80, v4, vm0, $0xb8;
	[tilespmem:$0xC180] =	vst v63  }
0x27: {  	s6 =	rddreg [dreg:$0x4]  }
0x28: {  	[tilespmem:s6], [sflag:$0x1] =	stream.indirect_vreg.gather [hbm4b:s3+s2], $0x80, v3, vm0, $0xb8;
	[tilespmem:$0xC180] =	vst v63  }
0x29: {  	s4 =	rddreg [dreg:$0x5]  }
0x2a: {  	[tilespmem:s4], [sflag:$0x1] =	stream.indirect_vreg.gather [hbm4b:s5+s2], $0x80, v3, vm0, $0xb8;
	[tilespmem:$0xC180] =	vst v63  }
0x2b: {  	v3 =	vld [tilespmem:s1+$0xFFFFFFE0];
	_ =	sdelay $0x4  }
0x2c: {  	v59 =	vshll.u32 v3, $0x2  }
0x2d: {  	v3 =	vand.u32 $0x7, v3;
	v4 =	vand.u32 $0xFFFFFFE0, v59  }
0x2e: {  	v3 =	vor.u32 v3, v4  }
0x2f: {  	v4 =	vperm.xlane v3, v0;
	_ =	sdelay $0x1  }
0x30: {  	v4 =	vadd.s32 v1, v4;
	_ =	sdelay $0x1  }
0x31: {  	v3 =	vperm.xlane v3, v2;
	_ =	sdelay $0x1  }
0x32: {  	s4 =	rddreg [dreg:$0x6];
	v3 =	vadd.s32 v1, v3  }
0x33: {  	[tilespmem:s4], [sflag:$0x1] =	stream.indirect_vreg.gather [hbm4b:s3+s2], $0x80, v4, vm0, $0xb8;
	[tilespmem:$0xC180] =	vst v63  }
0x34: {  	s6 =	rddreg [dreg:$0x7]  }
0x35: {  	[tilespmem:s6], [sflag:$0x1] =	stream.indirect_vreg.gather [hbm4b:s5+s2], $0x80, v4, vm0, $0xb8;
	[tilespmem:$0xC180] =	vst v63  }
0x36: {  	s4 =	rddreg [dreg:$0x8]  }
0x37: {  	[tilespmem:s4], [sflag:$0x1] =	stream.indirect_vreg.gather [hbm4b:s3+s2], $0x80, v3, vm0, $0xb8;
	[tilespmem:$0xC180] =	vst v63  }
0x38: {  	_ = 	snop  }
0x39: {  	[tilespmem:s9], [sflag:$0x1] =	stream.indirect_vreg.gather [hbm4b:s5+s2], $0x80, v3, vm0, $0xb8;
	[tilespmem:$0xC180] =	vst v63  }
0x3a: {  	v3 =	vld [tilespmem:s1+$0xFFFFFFF0];
	_ =	sdelay $0x4  }
0x3b: {  	v60 =	vshll.u32 v3, $0x2  }
0x3c: {  	v3 =	vand.u32 $0x7, v3;
	v4 =	vand.u32 $0xFFFFFFE0, v60  }
0x3d: {  	v3 =	vor.u32 v3, v4  }
0x3e: {  	v4 =	vperm.xlane v3, v0;
	_ =	sdelay $0x1  }
0x3f: {  	v4 =	vadd.s32 v1, v4;
	_ =	sdelay $0x1  }
0x40: {  	v3 =	vperm.xlane v3, v2;
	_ =	sdelay $0x1  }
0x41: {  	v3 =	vadd.s32 v1, v3  }
0x42: {  	[tilespmem:s10], [sflag:$0x1] =	stream.indirect_vreg.gather [hbm4b:s3+s2], $0x80, v4, vm0, $0xb8;
	[tilespmem:$0xC180] =	vst v63  }
0x43: {  	_ = 	snop  }
0x44: {  	[tilespmem:s11], [sflag:$0x1] =	stream.indirect_vreg.gather [hbm4b:s5+s2], $0x80, v4, vm0, $0xb8;
	[tilespmem:$0xC180] =	vst v63  }
0x45: {  	_ = 	snop  }
0x46: {  	[tilespmem:s12], [sflag:$0x1] =	stream.indirect_vreg.gather [hbm4b:s3+s2], $0x80, v3, vm0, $0xb8;
	[tilespmem:$0xC180] =	vst v63  }
0x47: {  	_ = 	snop  }
0x48: {  	[tilespmem:s13], [sflag:$0x1] =	stream.indirect_vreg.gather [hbm4b:s5+s2], $0x80, v3, vm0, $0xb8;
	[tilespmem:$0xC180] =	vst v63  }
0x49: {  	v3 =	vld [tilespmem:s1+$0x0];
	_ =	sdelay $0x4  }
0x4a: {  	v61 =	vshll.u32 v3, $0x2  }
0x4b: {  	v3 =	vand.u32 $0x7, v3;
	v4 =	vand.u32 $0xFFFFFFE0, v61  }
0x4c: {  	v3 =	vor.u32 v3, v4  }
0x4d: {  	v4 =	vperm.xlane v3, v0;
	_ =	sdelay $0x1  }
0x4e: {  	v4 =	vadd.s32 v1, v4;
	_ =	sdelay $0x1  }
0x4f: {  	v3 =	vperm.xlane v3, v2;
	_ =	sdelay $0x1  }
0x50: {  	v3 =	vadd.s32 v1, v3  }
0x51: {  	[tilespmem:s14], [sflag:$0x2] =	stream.indirect_vreg.gather [hbm4b:s3+s2], $0x80, v4, vm0, $0xb8;
	[tilespmem:$0xC180] =	vst v63  }
0x52: {  	_ = 	snop  }
0x53: {  	[tilespmem:s15], [sflag:$0x2] =	stream.indirect_vreg.gather [hbm4b:s5+s2], $0x80, v4, vm0, $0xb8;
	[tilespmem:$0xC180] =	vst v63  }
0x54: {  	_ = 	snop  }
0x55: {  	[tilespmem:s16], [sflag:$0x2] =	stream.indirect_vreg.gather [hbm4b:s3+s2], $0x80, v3, vm0, $0xb8;
	[tilespmem:$0xC180] =	vst v63  }
0x56: {  	_ = 	snop  }
0x57: {  	[tilespmem:s17], [sflag:$0x2] =	stream.indirect_vreg.gather [hbm4b:s5+s2], $0x80, v3, vm0, $0xb8;
	[tilespmem:$0xC180] =	vst v63  }
0x58: {  	v3 =	vld [tilespmem:s1+$0x10];
	_ =	sdelay $0x4  }
0x59: {  	v62 =	vshll.u32 v3, $0x2  }
0x5a: {  	v3 =	vand.u32 $0x7, v3;
	v4 =	vand.u32 $0xFFFFFFE0, v62  }
0x5b: {  	v3 =	vor.u32 v3, v4  }
0x5c: {  	v4 =	vperm.xlane v3, v0;
	_ =	sdelay $0x1  }
0x5d: {  	v4 =	vadd.s32 v1, v4;
	_ =	sdelay $0x1  }
0x5e: {  	v3 =	vperm.xlane v3, v2;
	_ =	sdelay $0x1  }
0x5f: {  	v3 =	vadd.s32 v1, v3  }
0x60: {  	[tilespmem:s18], [sflag:$0x2] =	stream.indirect_vreg.gather [hbm4b:s3+s2], $0x80, v4, vm0, $0xb8;
	[tilespmem:$0xC180] =	vst v63  }
0x61: {  	_ = 	snop  }
0x62: {  	[tilespmem:s19], [sflag:$0x2] =	stream.indirect_vreg.gather [hbm4b:s5+s2], $0x80, v4, vm0, $0xb8;
	[tilespmem:$0xC180] =	vst v63  }
0x63: {  	_ = 	snop  }
0x64: {  	[tilespmem:s20], [sflag:$0x2] =	stream.indirect_vreg.gather [hbm4b:s3+s2], $0x80, v3, vm0, $0xb8;
	[tilespmem:$0xC180] =	vst v63  }
0x65: {  	_ = 	snop  }
0x66: {  	[tilespmem:s21], [sflag:$0x2] =	stream.indirect_vreg.gather [hbm4b:s5+s2], $0x80, v3, vm0, $0xb8;
	[tilespmem:$0xC180] =	vst v63  }
0x67: {  	v3 =	vld [tilespmem:s1+$0x20];
	_ =	sdelay $0x4  }
0x68: {  	v63 =	vshll.u32 v3, $0x2  }
0x69: {  	v3 =	vand.u32 $0x7, v3;
	v4 =	vand.u32 $0xFFFFFFE0, v63  }
0x6a: {  	v3 =	vor.u32 v3, v4  }
0x6b: {  	v4 =	vperm.xlane v3, v0;
	_ =	sdelay $0x1  }
0x6c: {  	v4 =	vadd.s32 v1, v4;
	_ =	sdelay $0x1  }
0x6d: {  	v3 =	vperm.xlane v3, v2;
	_ =	sdelay $0x1  }
0x6e: {  	v3 =	vadd.s32 v1, v3  }
0x6f: {  	[tilespmem:s22], [sflag:$0x2] =	stream.indirect_vreg.gather [hbm4b:s3+s2], $0x80, v4, vm0, $0xb8;
	[tilespmem:$0xC180] =	vst v63  }
0x70: {  	_ = 	snop  }
0x71: {  	[tilespmem:s23], [sflag:$0x2] =	stream.indirect_vreg.gather [hbm4b:s5+s2], $0x80, v4, vm0, $0xb8;
	[tilespmem:$0xC180] =	vst v63  }
0x72: {  	_ = 	snop  }
0x73: {  	[tilespmem:s24], [sflag:$0x2] =	stream.indirect_vreg.gather [hbm4b:s3+s2], $0x80, v3, vm0, $0xb8;
	[tilespmem:$0xC180] =	vst v63  }
0x74: {  	_ = 	snop  }
0x75: {  	[tilespmem:s25], [sflag:$0x2] =	stream.indirect_vreg.gather [hbm4b:s5+s2], $0x80, v3, vm0, $0xb8;
	[tilespmem:$0xC180] =	vst v63  }
0x76: {  	_ =	swait.ge [sflag:s26], $0x6000  }
0x77: {  	s6 =	rddreg [dreg:$0x2];
	[sflag:s26] =	ssyncset.done $0x0  }
0x78: {  	[sflag:s26] =	ssyncadd.s32 $0xFFFFA000;
	s4 =	sadd.s32 s0, s6  }
0x79: {  	[hbm4b:s4+s2] =	stream.linear.scatter [tilespmem:s8], [sflag:$0x3], $0x6000, $0x38;
	[tilespmem:$0xC180] =	vst v63  }
0x7a: {  	_ =	swait.ge [sflag:s28], $0x6000  }
0x7b: {  	[sflag:s28] =	ssyncset.done $0x0  }
0x7c: {  	s4 =	sadd.s32 $0xC00, s4;
	[sflag:s28] =	ssyncadd.s32 $0xFFFFA000  }
0x7d: {  	[hbm4b:s4+s2] =	stream.linear.scatter [tilespmem:s14], [sflag:$0x4], $0x6000, $0x38;
	[tilespmem:$0xC180] =	vst v63  }
0x7e: {  	p0 =	sne.s32 s0, $0x4800;
	_ =	swait.ge [sflag:s29], $0x6000  }
.Ltmp0:
0x7f: {  	[sflag:s29] =	ssyncset.done $0x0;
	(pc) =	sbr.rel @p0 .LBB2_2-.Ltmp0, $4  }
0x80: {  	[sflag:s29] =	ssyncadd.s32 $0xFFFFA000  }
0x81: {  	_ =	swait.ge [sflag:s30], $0x6000  }
0x82: {  	[sflag:s30] =	ssyncset.done $0x0  }
0x83: {  	s1 =	sadd.s32 $0x60, s1;
	s0 =	sadd.s32 $0x1800, s0;
	[sflag:s30] =	ssyncadd.s32 $0xFFFFA000  }
0x84: {  	s31 =	sadd.s32 $0x1, s31;
	s0 =	rddreg [dreg:$0xa]  }
0x85: {  	p0 =	sne.s32 s31, s0  }
.Ltmp1:
0x86: {  	_ = 	snop;
	(pc) =	sbr.rel @p0 .LBB2_1-.Ltmp1, $1  }
0x87: {  	_ =	sdelay $0x3  }
0x88: {  	_ =	sfence.sel $0x180000  }
0x89: {  	[bflag:$0x0] =	sbarrier.arrive $0xFFFF  }
0x8a: {  	_ =	strace $0x9000004D  }
0x8b: {  	s0 =	stileid.u32;
	[bflag:$0x2] =	sbarrier.arrive $0xFFFF  }
0x8c: {  	p0 =	sne.s32 s0, $0x0;
	s0 =	rddreg [dreg:$0x1]  }
0x8d: {  	s0 =	sadd.s32 @!p0 $0x100000, s0  }
0x8e: {  	[sflag:s0] =	ssyncadd.tile.s32 @!p0 $0x1;
	_ =	shalt  }
.Lfunc_end2:
_tile_overlayer_lowered:
.L_overlay_start_2:
0x8f: {  	(tag) =	ssettag $0x2  }
0x90: {  	s0 =	rddreg [dreg:$0x0];
	s2 =	stileid.u32  }
0x91: {  	s1 =	rddreg [dreg:$0x1];
	p0 =	sne.s32 s2, $0x0  }
0x92: {  	s3 =	rddreg [dreg:$0x2];
	[bflag:$0x3] =	sbarrier.arrive $0xFFFF;
	s2 =	simm.s32 @!p0 $0x1C05  }
0x93: {  	[timem:s3], [sflag:s2] =	dma.local @!p0 [hbm:s0], s1  }
0x94: {  	s0 =	simm.s32 @!p0 $0x5  }
0x95: {  	_ =	swait.ge @!p0 [sflag:s0], s1  }
0x96: {  	s1 =	ssub.s32 @!p0 $0x0, s1;
	[sflag:s0] =	ssyncset.done @!p0 $0x0  }
0x97: {  	[sflag:s0] =	ssyncadd.s32 @!p0 s1  }
0x98: {  	[bflag:$0x3] =	sbarrier.arrive $0xFFFF  }
0x99: {  	_ =	shalt  }

</sc_bundles>
